<compile_context>
chip_gen: v7x
topology: tpu7x:2x2x1
jax: 0.10.2.dev20260603
libtpu: 0.0.44.dev20260713+nightly
codegen_flags: <defaults>
</compile_context>

<pallas_src>
import functools

import jax
import jax.numpy as jnp
from jax import lax
from jax.experimental import pallas as pl
from jax.experimental.pallas import tpu as pltpu
from jax.experimental.pallas import tpu_sc as plsc

BATCH = 4096
WORDS = 20
EMBED = 128
LANES = 16
NC, NS = 2, 16
NW = NC * NS
OBJ_PER_W = BATCH // NW
CHUNK_OBJ = 16
CHUNK_IDX = CHUNK_OBJ * WORDS
IDX_GRP = 80
GRPS = CHUNK_IDX // IDX_GRP
N_CHUNKS = OBJ_PER_W // CHUNK_OBJ
IDX_PER_W = OBJ_PER_W * WORDS
ROW_BYTES = EMBED * 4

_mesh = plsc.VectorSubcoreMesh(
    core_axis_name="c", subcore_axis_name="s", num_cores=NC, num_subcores=NS
)


@functools.partial(
    pl.kernel,
    out_type=jax.ShapeDtypeStruct((BATCH, EMBED), jnp.float32),
    mesh=_mesh,
    scratch_types=[
        pltpu.VMEM((IDX_PER_W,), jnp.int32),
        pltpu.VMEM((2, CHUNK_IDX, EMBED), jnp.float32),
        pltpu.VMEM((N_CHUNKS, CHUNK_OBJ, EMBED), jnp.float32),
        pltpu.SemaphoreType.DMA,
        pltpu.SemaphoreType.DMA,
    ],
)
def _pooled_lookup(idx_hbm, tbl_hbm, out_hbm, idx_v, rows_v, out_v, gsem, osem):
    wid = lax.axis_index("s") * NC + lax.axis_index("c")
    ibase = wid * IDX_PER_W
    pltpu.sync_copy(idx_hbm.at[pl.ds(ibase, IDX_PER_W)], idx_v)

    def fire(j, buf):
        for g in range(GRPS):
            pltpu.async_copy(
                tbl_hbm.at[idx_v.at[pl.ds((j * GRPS + g) * IDX_GRP, IDX_GRP)]],
                rows_v.at[buf].at[pl.ds(g * IDX_GRP, IDX_GRP)],
                gsem,
            )

    def wait_gathers():
        for _ in range(GRPS):
            pltpu.make_async_copy(
                tbl_hbm.at[pl.ds(0, IDX_GRP)],
                rows_v.at[0].at[pl.ds(0, IDX_GRP)],
                gsem,
            ).wait()

    def pool(j, buf):
        def _pool(c, _):
            r0 = c * WORDS
            for d in range(EMBED // LANES):
                sl = pl.ds(d * LANES, LANES)
                vals = [rows_v[buf, r0 + l, sl] for l in range(WORDS)]
                while len(vals) > 1:
                    vals = [
                        vals[i] + vals[i + 1] for i in range(0, len(vals) - 1, 2)
                    ] + ([vals[-1]] if len(vals) % 2 else [])
                out_v[j, c, sl] = vals[0] * jnp.float32(1.0 / WORDS)
            return 0

        lax.fori_loop(0, CHUNK_OBJ, _pool, 0)
        pltpu.async_copy(
            out_v.at[j],
            out_hbm.at[pl.ds(wid * OBJ_PER_W + j * CHUNK_OBJ, CHUNK_OBJ)],
            osem,
        )

    fire(0, 0)

    def step(j, _):
        buf = lax.rem(j, 2)
        wait_gathers()
        fire(j + 1, 1 - buf)
        pool(j, buf)
        return 0

    lax.fori_loop(0, N_CHUNKS - 1, step, 0)
    wait_gathers()
    pool(N_CHUNKS - 1, (N_CHUNKS - 1) % 2)
    for k in range(N_CHUNKS):
        pltpu.make_async_copy(
            out_v.at[k], out_hbm.at[pl.ds(0, CHUNK_OBJ)], osem
        ).wait()


def kernel(indices, vectors):
    idx = indices.astype(jnp.int32).reshape(BATCH * WORDS)
    return _pooled_lookup(idx, vectors)

# --- scband reference (transcript-rebuilt; emitter-appended) ---
"""Pipeline reference for scband-glo-ve-embedding-3075196584337 (READ-ONLY COPY).

The authoritative reference and input builder live on the scoring server;
editing this copy changes nothing except your own understanding.
"""

import jax, jax.numpy as jnp
import numpy as np

VOCAB = 100000
EMBED_DIM = 128
BATCH = 4096
WORDS_PER_OBJ = 20

def setup_inputs(seed: int = 0) -> dict:
    key = jax.random.key(seed)
    k1, k2 = jax.random.split(key)
    indices = jax.random.randint(k1, (BATCH, WORDS_PER_OBJ), 0, VOCAB, dtype=jnp.int64 if jax.config.jax_enable_x64 else jnp.int32)
    vectors = jax.random.normal(k2, (VOCAB, EMBED_DIM), dtype=jnp.float32)
    return {"indices": indices, "vectors": vectors}

def reference(indices, vectors):
    # Faithful JAX translation of GloVeEmbedding.forward on a list of objects.
    # Each object is tokenized into words; original code sums the GloVe vector
    # of each word (vectors[self.words.index(word)]) and divides by the word
    # count -> a mean-pooled bag-of-words embedding per object.
    # indices: int[B, L] word ids per object; vectors: float32[V, D] GloVe table.
    emb = jnp.take(vectors, indices, axis=0)  # gather [B, L, D]
    obj_embedding = jnp.sum(emb, axis=1) / emb.shape[1]  # sum then divide by word count
    return obj_embedding  # [B, D], matches torch.stack over objects

if __name__ == "__main__":
    import jax
    _d = setup_inputs()
    print(jax.jit(kernel)(*tuple(_d.values())))

</pallas_src>

<mosaic_0001>
#map = affine_map<(d0, d1) -> (0)>
#map1 = affine_map<(d0, d1) -> (0, 0)>
module attributes {stable_mosaic.version = 14 : i64} {
  func.func @_pooled_lookup(%arg0: i32, %arg1: i32, %arg2: memref<81920xi32, #tpu.memory_space<hbm>>, %arg3: memref<100000x128xf32, #tpu.memory_space<hbm>>, %arg4: memref<4096x128xf32, #tpu.memory_space<hbm>>, %arg5: memref<2560xi32, #tpu.memory_space<vmem>>, %arg6: memref<2x320x128xf32, #tpu.memory_space<vmem>>, %arg7: memref<8x16x128xf32, #tpu.memory_space<vmem>>, %arg8: memref<!tpu.dma_semaphore, #tpu.memory_space<semaphore_mem>>, %arg9: memref<!tpu.dma_semaphore, #tpu.memory_space<semaphore_mem>>) attributes {dimension_semantics = [#tpu.dimension_semantics<core_parallel>, #tpu.dimension_semantics<subcore_parallel>], iteration_bounds = array<i64: 2, 16>, scalar_prefetch = 0 : i64, scratch_operands = 5 : i64, tpu.core_type = #tpu.core_type<sc_vector_subcore>, window_params = [{transform_indices = #map}, {transform_indices = #map1}, {transform_indices = #map1}]} {
    %mul3A = arith.constant 2 : i32
    %mul3A_0 = arith.muli %arg1, %mul3A : i32
    %add3A = arith.addi %mul3A_0, %arg0 : i32
    %mul3A_1 = arith.constant 2560 : i32
    %mul3A_2 = arith.muli %add3A, %mul3A_1 : i32
    "tpu.region"() ({
      %run_scoped3A = tpu.sem_alloc : memref<!tpu.dma_semaphore, #tpu.memory_space<semaphore_mem>>
      %dma_start3A_287 = tpu.memref_slice %arg2[%mul3A_2] : memref<81920xi32, #tpu.memory_space<hbm>> -> memref<2560xi32, #tpu.memory_space<hbm>>
      %dma_start3A_288 = tpu.memref_slice %arg2[%mul3A_2] : memref<81920xi32, #tpu.memory_space<hbm>> -> memref<2560xi32, #tpu.memory_space<hbm>>
      tpu.enqueue_dma source(%dma_start3A_288 : memref<2560xi32, #tpu.memory_space<hbm>>) target(%arg5 : memref<2560xi32, #tpu.memory_space<vmem>>) target_semaphore(%run_scoped3A : memref<!tpu.dma_semaphore, #tpu.memory_space<semaphore_mem>>)
      %dma_wait3A_289 = tpu.memref_slice %arg2[%mul3A_2] : memref<81920xi32, #tpu.memory_space<hbm>> -> memref<2560xi32, #tpu.memory_space<hbm>>
      %dma_wait3A_290 = tpu.memref_slice %arg2[%mul3A_2] : memref<81920xi32, #tpu.memory_space<hbm>> -> memref<2560xi32, #tpu.memory_space<hbm>>
      tpu.wait_dma2 semaphore(%run_scoped3A : memref<!tpu.dma_semaphore, #tpu.memory_space<semaphore_mem>>) src(%dma_wait3A_290 : memref<2560xi32, #tpu.memory_space<hbm>>) dst(%arg5 : memref<2560xi32, #tpu.memory_space<vmem>>)
      tpu.yield
    }) : () -> ()
    %dma_start3A = arith.constant 0 : i32
    %dma_start3A_3 = arith.constant 0 : i32
    %dma_start3A_4 = arith.constant 0 : i32
    %dma_start3A_5 = tpu.memref_slice %arg6[%dma_start3A, %dma_start3A_3, %dma_start3A_4] : memref<2x320x128xf32, #tpu.memory_space<vmem>> -> memref<1x320x128xf32, #tpu.memory_space<vmem>>
    %dma_start3A_6 = tpu.memref_squeeze %dma_start3A_5 : memref<1x320x128xf32, #tpu.memory_space<vmem>> -> memref<320x128xf32, #tpu.memory_space<vmem>>
    %dma_start3A_7 = arith.constant 0 : i32
    %dma_start3A_8 = arith.constant 0 : i32
    %dma_start3A_9 = tpu.memref_slice %dma_start3A_6[%dma_start3A_7, %dma_start3A_8] : memref<320x128xf32, #tpu.memory_space<vmem>> -> memref<80x128xf32, #tpu.memory_space<vmem>>
    %dma_start3A_10 = arith.constant 0 : i32
    %dma_start3A_11 = tpu.memref_slice %arg5[%dma_start3A_10] : memref<2560xi32, #tpu.memory_space<vmem>> -> memref<80xi32, #tpu.memory_space<vmem>>
    %dma_start3A_12 = arith.constant 0 : i32
    %dma_start3A_13 = arith.constant 0 : i32
    %dma_start3A_14 = tpu.memref_slice %arg3[%dma_start3A_12, %dma_start3A_13] : memref<100000x128xf32, #tpu.memory_space<hbm>> -> memref<100000x128xf32, #tpu.memory_space<hbm>>
    tpu.enqueue_indirect_dma source(%dma_start3A_14 : memref<100000x128xf32, #tpu.memory_space<hbm>>) target(%dma_start3A_9 : memref<80x128xf32, #tpu.memory_space<vmem>>) offsets(%dma_start3A_11 : memref<80xi32, #tpu.memory_space<vmem>>) semaphore(%arg8 : memref<!tpu.dma_semaphore, #tpu.memory_space<semaphore_mem>>)
    %dma_start3A_15 = arith.constant 0 : i32
    %dma_start3A_16 = arith.constant 0 : i32
    %dma_start3A_17 = arith.constant 0 : i32
    %dma_start3A_18 = tpu.memref_slice %arg6[%dma_start3A_15, %dma_start3A_16, %dma_start3A_17] : memref<2x320x128xf32, #tpu.memory_space<vmem>> -> memref<1x320x128xf32, #tpu.memory_space<vmem>>
    %dma_start3A_19 = tpu.memref_squeeze %dma_start3A_18 : memref<1x320x128xf32, #tpu.memory_space<vmem>> -> memref<320x128xf32, #tpu.memory_space<vmem>>
    %dma_start3A_20 = arith.constant 80 : i32
    %dma_start3A_21 = arith.constant 0 : i32
    %dma_start3A_22 = tpu.memref_slice %dma_start3A_19[%dma_start3A_20, %dma_start3A_21] : memref<320x128xf32, #tpu.memory_space<vmem>> -> memref<80x128xf32, #tpu.memory_space<vmem>>
    %dma_start3A_23 = arith.constant 80 : i32
    %dma_start3A_24 = tpu.memref_slice %arg5[%dma_start3A_23] : memref<2560xi32, #tpu.memory_space<vmem>> -> memref<80xi32, #tpu.memory_space<vmem>>
    %dma_start3A_25 = arith.constant 0 : i32
    %dma_start3A_26 = arith.constant 0 : i32
    %dma_start3A_27 = tpu.memref_slice %arg3[%dma_start3A_25, %dma_start3A_26] : memref<100000x128xf32, #tpu.memory_space<hbm>> -> memref<100000x128xf32, #tpu.memory_space<hbm>>
    tpu.enqueue_indirect_dma source(%dma_start3A_27 : memref<100000x128xf32, #tpu.memory_space<hbm>>) target(%dma_start3A_22 : memref<80x128xf32, #tpu.memory_space<vmem>>) offsets(%dma_start3A_24 : memref<80xi32, #tpu.memory_space<vmem>>) semaphore(%arg8 : memref<!tpu.dma_semaphore, #tpu.memory_space<semaphore_mem>>)
    %dma_start3A_28 = arith.constant 0 : i32
    %dma_start3A_29 = arith.constant 0 : i32
    %dma_start3A_30 = arith.constant 0 : i32
    %dma_start3A_31 = tpu.memref_slice %arg6[%dma_start3A_28, %dma_start3A_29, %dma_start3A_30] : memref<2x320x128xf32, #tpu.memory_space<vmem>> -> memref<1x320x128xf32, #tpu.memory_space<vmem>>
    %dma_start3A_32 = tpu.memref_squeeze %dma_start3A_31 : memref<1x320x128xf32, #tpu.memory_space<vmem>> -> memref<320x128xf32, #tpu.memory_space<vmem>>
    %dma_start3A_33 = arith.constant 160 : i32
    %dma_start3A_34 = arith.constant 0 : i32
    %dma_start3A_35 = tpu.memref_slice %dma_start3A_32[%dma_start3A_33, %dma_start3A_34] : memref<320x128xf32, #tpu.memory_space<vmem>> -> memref<80x128xf32, #tpu.memory_space<vmem>>
    %dma_start3A_36 = arith.constant 160 : i32
    %dma_start3A_37 = tpu.memref_slice %arg5[%dma_start3A_36] : memref<2560xi32, #tpu.memory_space<vmem>> -> memref<80xi32, #tpu.memory_space<vmem>>
    %dma_start3A_38 = arith.constant 0 : i32
    %dma_start3A_39 = arith.constant 0 : i32
    %dma_start3A_40 = tpu.memref_slice %arg3[%dma_start3A_38, %dma_start3A_39] : memref<100000x128xf32, #tpu.memory_space<hbm>> -> memref<100000x128xf32, #tpu.memory_space<hbm>>
    tpu.enqueue_indirect_dma source(%dma_start3A_40 : memref<100000x128xf32, #tpu.memory_space<hbm>>) target(%dma_start3A_35 : memref<80x128xf32, #tpu.memory_space<vmem>>) offsets(%dma_start3A_37 : memref<80xi32, #tpu.memory_space<vmem>>) semaphore(%arg8 : memref<!tpu.dma_semaphore, #tpu.memory_space<semaphore_mem>>)
    %dma_start3A_41 = arith.constant 0 : i32
    %dma_start3A_42 = arith.constant 0 : i32
    %dma_start3A_43 = arith.constant 0 : i32
    %dma_start3A_44 = tpu.memref_slice %arg6[%dma_start3A_41, %dma_start3A_42, %dma_start3A_43] : memref<2x320x128xf32, #tpu.memory_space<vmem>> -> memref<1x320x128xf32, #tpu.memory_space<vmem>>
    %dma_start3A_45 = tpu.memref_squeeze %dma_start3A_44 : memref<1x320x128xf32, #tpu.memory_space<vmem>> -> memref<320x128xf32, #tpu.memory_space<vmem>>
    %dma_start3A_46 = arith.constant 240 : i32
    %dma_start3A_47 = arith.constant 0 : i32
    %dma_start3A_48 = tpu.memref_slice %dma_start3A_45[%dma_start3A_46, %dma_start3A_47] : memref<320x128xf32, #tpu.memory_space<vmem>> -> memref<80x128xf32, #tpu.memory_space<vmem>>
    %dma_start3A_49 = arith.constant 240 : i32
    %dma_start3A_50 = tpu.memref_slice %arg5[%dma_start3A_49] : memref<2560xi32, #tpu.memory_space<vmem>> -> memref<80xi32, #tpu.memory_space<vmem>>
    %dma_start3A_51 = arith.constant 0 : i32
    %dma_start3A_52 = arith.constant 0 : i32
    %dma_start3A_53 = tpu.memref_slice %arg3[%dma_start3A_51, %dma_start3A_52] : memref<100000x128xf32, #tpu.memory_space<hbm>> -> memref<100000x128xf32, #tpu.memory_space<hbm>>
    tpu.enqueue_indirect_dma source(%dma_start3A_53 : memref<100000x128xf32, #tpu.memory_space<hbm>>) target(%dma_start3A_48 : memref<80x128xf32, #tpu.memory_space<vmem>>) offsets(%dma_start3A_50 : memref<80xi32, #tpu.memory_space<vmem>>) semaphore(%arg8 : memref<!tpu.dma_semaphore, #tpu.memory_space<semaphore_mem>>)
    %scan3A = arith.constant 0 : i32
    %scan3A_54 = arith.constant 0 : i32
    %scan3A_55 = arith.constant 7 : i32
    %scan3A_56 = arith.addi %scan3A_54, %scan3A_55 : i32
    %scan3A_57 = arith.constant 1 : i32
    %scan3A_58 = scf.for %scan3A_287 = %scan3A_54 to %scan3A_56 step %scan3A_57 iter_args(%scan3A_288 = %scan3A) -> (i32)  : i32 {
      %rem3A = arith.constant 2 : i32
      %rem3A_289 = arith.remsi %scan3A_287, %rem3A : i32
      %dma_wait3A_290 = arith.constant 0 : i32
      %dma_wait3A_291 = arith.constant 0 : i32
      %dma_wait3A_292 = arith.constant 0 : i32
      %dma_wait3A_293 = tpu.memref_slice %arg6[%dma_wait3A_290, %dma_wait3A_291, %dma_wait3A_292] : memref<2x320x128xf32, #tpu.memory_space<vmem>> -> memref<1x320x128xf32, #tpu.memory_space<vmem>>
      %dma_wait3A_294 = tpu.memref_squeeze %dma_wait3A_293 : memref<1x320x128xf32, #tpu.memory_space<vmem>> -> memref<320x128xf32, #tpu.memory_space<vmem>>
      %dma_wait3A_295 = arith.constant 0 : i32
      %dma_wait3A_296 = arith.constant 0 : i32
      %dma_wait3A_297 = tpu.memref_slice %dma_wait3A_294[%dma_wait3A_295, %dma_wait3A_296] : memref<320x128xf32, #tpu.memory_space<vmem>> -> memref<80x128xf32, #tpu.memory_space<vmem>>
      %dma_wait3A_298 = arith.constant 0 : i32
      %dma_wait3A_299 = arith.constant 0 : i32
      %dma_wait3A_300 = tpu.memref_slice %arg3[%dma_wait3A_298, %dma_wait3A_299] : memref<100000x128xf32, #tpu.memory_space<hbm>> -> memref<80x128xf32, #tpu.memory_space<hbm>>
      %dma_wait3A_301 = arith.constant 0 : i32
      %dma_wait3A_302 = arith.constant 0 : i32
      %dma_wait3A_303 = tpu.memref_slice %arg6[%dma_wait3A_290, %dma_wait3A_301, %dma_wait3A_302] : memref<2x320x128xf32, #tpu.memory_space<vmem>> -> memref<1x320x128xf32, #tpu.memory_space<vmem>>
      %dma_wait3A_304 = tpu.memref_squeeze %dma_wait3A_303 : memref<1x320x128xf32, #tpu.memory_space<vmem>> -> memref<320x128xf32, #tpu.memory_space<vmem>>
      %dma_wait3A_305 = arith.constant 0 : i32
      %dma_wait3A_306 = arith.constant 0 : i32
      %dma_wait3A_307 = tpu.memref_slice %dma_wait3A_304[%dma_wait3A_305, %dma_wait3A_306] : memref<320x128xf32, #tpu.memory_space<vmem>> -> memref<80x128xf32, #tpu.memory_space<vmem>>
      %dma_wait3A_308 = arith.constant 0 : i32
      %dma_wait3A_309 = arith.constant 0 : i32
      %dma_wait3A_310 = tpu.memref_slice %arg3[%dma_wait3A_308, %dma_wait3A_309] : memref<100000x128xf32, #tpu.memory_space<hbm>> -> memref<80x128xf32, #tpu.memory_space<hbm>>
      tpu.wait_dma2 semaphore(%arg8 : memref<!tpu.dma_semaphore, #tpu.memory_space<semaphore_mem>>) src(%dma_wait3A_310 : memref<80x128xf32, #tpu.memory_space<hbm>>) dst(%dma_wait3A_307 : memref<80x128xf32, #tpu.memory_space<vmem>>)
      %dma_wait3A_311 = arith.constant 0 : i32
      %dma_wait3A_312 = arith.constant 0 : i32
      %dma_wait3A_313 = arith.constant 0 : i32
      %dma_wait3A_314 = tpu.memref_slice %arg6[%dma_wait3A_311, %dma_wait3A_312, %dma_wait3A_313] : memref<2x320x128xf32, #tpu.memory_space<vmem>> -> memref<1x320x128xf32, #tpu.memory_space<vmem>>
      %dma_wait3A_315 = tpu.memref_squeeze %dma_wait3A_314 : memref<1x320x128xf32, #tpu.memory_space<vmem>> -> memref<320x128xf32, #tpu.memory_space<vmem>>
      %dma_wait3A_316 = arith.constant 0 : i32
      %dma_wait3A_317 = arith.constant 0 : i32
      %dma_wait3A_318 = tpu.memref_slice %dma_wait3A_315[%dma_wait3A_316, %dma_wait3A_317] : memref<320x128xf32, #tpu.memory_space<vmem>> -> memref<80x128xf32, #tpu.memory_space<vmem>>
      %dma_wait3A_319 = arith.constant 0 : i32
      %dma_wait3A_320 = arith.constant 0 : i32
      %dma_wait3A_321 = tpu.memref_slice %arg3[%dma_wait3A_319, %dma_wait3A_320] : memref<100000x128xf32, #tpu.memory_space<hbm>> -> memref<80x128xf32, #tpu.memory_space<hbm>>
      %dma_wait3A_322 = arith.constant 0 : i32
      %dma_wait3A_323 = arith.constant 0 : i32
      %dma_wait3A_324 = tpu.memref_slice %arg6[%dma_wait3A_311, %dma_wait3A_322, %dma_wait3A_323] : memref<2x320x128xf32, #tpu.memory_space<vmem>> -> memref<1x320x128xf32, #tpu.memory_space<vmem>>
      %dma_wait3A_325 = tpu.memref_squeeze %dma_wait3A_324 : memref<1x320x128xf32, #tpu.memory_space<vmem>> -> memref<320x128xf32, #tpu.memory_space<vmem>>
      %dma_wait3A_326 = arith.constant 0 : i32
      %dma_wait3A_327 = arith.constant 0 : i32
      %dma_wait3A_328 = tpu.memref_slice %dma_wait3A_325[%dma_wait3A_326, %dma_wait3A_327] : memref<320x128xf32, #tpu.memory_space<vmem>> -> memref<80x128xf32, #tpu.memory_space<vmem>>
      %dma_wait3A_329 = arith.constant 0 : i32
      %dma_wait3A_330 = arith.constant 0 : i32
      %dma_wait3A_331 = tpu.memref_slice %arg3[%dma_wait3A_329, %dma_wait3A_330] : memref<100000x128xf32, #tpu.memory_space<hbm>> -> memref<80x128xf32, #tpu.memory_space<hbm>>
      tpu.wait_dma2 semaphore(%arg8 : memref<!tpu.dma_semaphore, #tpu.memory_space<semaphore_mem>>) src(%dma_wait3A_331 : memref<80x128xf32, #tpu.memory_space<hbm>>) dst(%dma_wait3A_328 : memref<80x128xf32, #tpu.memory_space<vmem>>)
      %dma_wait3A_332 = arith.constant 0 : i32
      %dma_wait3A_333 = arith.constant 0 : i32
      %dma_wait3A_334 = arith.constant 0 : i32
      %dma_wait3A_335 = tpu.memref_slice %arg6[%dma_wait3A_332, %dma_wait3A_333, %dma_wait3A_334] : memref<2x320x128xf32, #tpu.memory_space<vmem>> -> memref<1x320x128xf32, #tpu.memory_space<vmem>>
      %dma_wait3A_336 = tpu.memref_squeeze %dma_wait3A_335 : memref<1x320x128xf32, #tpu.memory_space<vmem>> -> memref<320x128xf32, #tpu.memory_space<vmem>>
      %dma_wait3A_337 = arith.constant 0 : i32
      %dma_wait3A_338 = arith.constant 0 : i32
      %dma_wait3A_339 = tpu.memref_slice %dma_wait3A_336[%dma_wait3A_337, %dma_wait3A_338] : memref<320x128xf32, #tpu.memory_space<vmem>> -> memref<80x128xf32, #tpu.memory_space<vmem>>
      %dma_wait3A_340 = arith.constant 0 : i32
      %dma_wait3A_341 = arith.constant 0 : i32
      %dma_wait3A_342 = tpu.memref_slice %arg3[%dma_wait3A_340, %dma_wait3A_341] : memref<100000x128xf32, #tpu.memory_space<hbm>> -> memref<80x128xf32, #tpu.memory_space<hbm>>
      %dma_wait3A_343 = arith.constant 0 : i32
      %dma_wait3A_344 = arith.constant 0 : i32
      %dma_wait3A_345 = tpu.memref_slice %arg6[%dma_wait3A_332, %dma_wait3A_343, %dma_wait3A_344] : memref<2x320x128xf32, #tpu.memory_space<vmem>> -> memref<1x320x128xf32, #tpu.memory_space<vmem>>
      %dma_wait3A_346 = tpu.memref_squeeze %dma_wait3A_345 : memref<1x320x128xf32, #tpu.memory_space<vmem>> -> memref<320x128xf32, #tpu.memory_space<vmem>>
      %dma_wait3A_347 = arith.constant 0 : i32
      %dma_wait3A_348 = arith.constant 0 : i32
      %dma_wait3A_349 = tpu.memref_slice %dma_wait3A_346[%dma_wait3A_347, %dma_wait3A_348] : memref<320x128xf32, #tpu.memory_space<vmem>> -> memref<80x128xf32, #tpu.memory_space<vmem>>
      %dma_wait3A_350 = arith.constant 0 : i32
      %dma_wait3A_351 = arith.constant 0 : i32
      %dma_wait3A_352 = tpu.memref_slice %arg3[%dma_wait3A_350, %dma_wait3A_351] : memref<100000x128xf32, #tpu.memory_space<hbm>> -> memref<80x128xf32, #tpu.memory_space<hbm>>
      tpu.wait_dma2 semaphore(%arg8 : memref<!tpu.dma_semaphore, #tpu.memory_space<semaphore_mem>>) src(%dma_wait3A_352 : memref<80x128xf32, #tpu.memory_space<hbm>>) dst(%dma_wait3A_349 : memref<80x128xf32, #tpu.memory_space<vmem>>)
      %dma_wait3A_353 = arith.constant 0 : i32
      %dma_wait3A_354 = arith.constant 0 : i32
      %dma_wait3A_355 = arith.constant 0 : i32
      %dma_wait3A_356 = tpu.memref_slice %arg6[%dma_wait3A_353, %dma_wait3A_354, %dma_wait3A_355] : memref<2x320x128xf32, #tpu.memory_space<vmem>> -> memref<1x320x128xf32, #tpu.memory_space<vmem>>
      %dma_wait3A_357 = tpu.memref_squeeze %dma_wait3A_356 : memref<1x320x128xf32, #tpu.memory_space<vmem>> -> memref<320x128xf32, #tpu.memory_space<vmem>>
      %dma_wait3A_358 = arith.constant 0 : i32
      %dma_wait3A_359 = arith.constant 0 : i32
      %dma_wait3A_360 = tpu.memref_slice %dma_wait3A_357[%dma_wait3A_358, %dma_wait3A_359] : memref<320x128xf32, #tpu.memory_space<vmem>> -> memref<80x128xf32, #tpu.memory_space<vmem>>
      %dma_wait3A_361 = arith.constant 0 : i32
      %dma_wait3A_362 = arith.constant 0 : i32
      %dma_wait3A_363 = tpu.memref_slice %arg3[%dma_wait3A_361, %dma_wait3A_362] : memref<100000x128xf32, #tpu.memory_space<hbm>> -> memref<80x128xf32, #tpu.memory_space<hbm>>
      %dma_wait3A_364 = arith.constant 0 : i32
      %dma_wait3A_365 = arith.constant 0 : i32
      %dma_wait3A_366 = tpu.memref_slice %arg6[%dma_wait3A_353, %dma_wait3A_364, %dma_wait3A_365] : memref<2x320x128xf32, #tpu.memory_space<vmem>> -> memref<1x320x128xf32, #tpu.memory_space<vmem>>
      %dma_wait3A_367 = tpu.memref_squeeze %dma_wait3A_366 : memref<1x320x128xf32, #tpu.memory_space<vmem>> -> memref<320x128xf32, #tpu.memory_space<vmem>>
      %dma_wait3A_368 = arith.constant 0 : i32
      %dma_wait3A_369 = arith.constant 0 : i32
      %dma_wait3A_370 = tpu.memref_slice %dma_wait3A_367[%dma_wait3A_368, %dma_wait3A_369] : memref<320x128xf32, #tpu.memory_space<vmem>> -> memref<80x128xf32, #tpu.memory_space<vmem>>
      %dma_wait3A_371 = arith.constant 0 : i32
      %dma_wait3A_372 = arith.constant 0 : i32
      %dma_wait3A_373 = tpu.memref_slice %arg3[%dma_wait3A_371, %dma_wait3A_372] : memref<100000x128xf32, #tpu.memory_space<hbm>> -> memref<80x128xf32, #tpu.memory_space<hbm>>
      tpu.wait_dma2 semaphore(%arg8 : memref<!tpu.dma_semaphore, #tpu.memory_space<semaphore_mem>>) src(%dma_wait3A_373 : memref<80x128xf32, #tpu.memory_space<hbm>>) dst(%dma_wait3A_370 : memref<80x128xf32, #tpu.memory_space<vmem>>)
      %add3A_374 = arith.constant 1 : i32
      %add3A_375 = arith.addi %scan3A_287, %add3A_374 : i32
      %sub3A = arith.constant 1 : i32
      %sub3A_376 = arith.subi %sub3A, %rem3A_289 : i32
      %mul3A_377 = arith.constant 4 : i32
      %mul3A_378 = arith.muli %add3A_375, %mul3A_377 : i32
      %add3A_379 = arith.constant 0 : i32
      %add3A_380 = arith.addi %mul3A_378, %add3A_379 : i32
      %mul3A_381 = arith.constant 80 : i32
      %mul3A_382 = arith.muli %add3A_380, %mul3A_381 : i32
      %dma_start3A_383 = arith.constant 0 : i32
      %dma_start3A_384 = arith.constant 0 : i32
      %dma_start3A_385 = tpu.memref_slice %arg6[%sub3A_376, %dma_start3A_383, %dma_start3A_384] : memref<2x320x128xf32, #tpu.memory_space<vmem>> -> memref<1x320x128xf32, #tpu.memory_space<vmem>>
      %dma_start3A_386 = tpu.memref_squeeze %dma_start3A_385 : memref<1x320x128xf32, #tpu.memory_space<vmem>> -> memref<320x128xf32, #tpu.memory_space<vmem>>
      %dma_start3A_387 = arith.constant 0 : i32
      %dma_start3A_388 = arith.constant 0 : i32
      %dma_start3A_389 = tpu.memref_slice %dma_start3A_386[%dma_start3A_387, %dma_start3A_388] : memref<320x128xf32, #tpu.memory_space<vmem>> -> memref<80x128xf32, #tpu.memory_space<vmem>>
      %dma_start3A_390 = tpu.memref_slice %arg5[%mul3A_382] : memref<2560xi32, #tpu.memory_space<vmem>> -> memref<80xi32, #tpu.memory_space<vmem>>
      %dma_start3A_391 = arith.constant 0 : i32
      %dma_start3A_392 = arith.constant 0 : i32
      %dma_start3A_393 = tpu.memref_slice %arg3[%dma_start3A_391, %dma_start3A_392] : memref<100000x128xf32, #tpu.memory_space<hbm>> -> memref<100000x128xf32, #tpu.memory_space<hbm>>
      tpu.enqueue_indirect_dma source(%dma_start3A_393 : memref<100000x128xf32, #tpu.memory_space<hbm>>) target(%dma_start3A_389 : memref<80x128xf32, #tpu.memory_space<vmem>>) offsets(%dma_start3A_390 : memref<80xi32, #tpu.memory_space<vmem>>) semaphore(%arg8 : memref<!tpu.dma_semaphore, #tpu.memory_space<semaphore_mem>>)
      %mul3A_394 = arith.constant 4 : i32
      %mul3A_395 = arith.muli %add3A_375, %mul3A_394 : i32
      %add3A_396 = arith.constant 1 : i32
      %add3A_397 = arith.addi %mul3A_395, %add3A_396 : i32
      %mul3A_398 = arith.constant 80 : i32
      %mul3A_399 = arith.muli %add3A_397, %mul3A_398 : i32
      %dma_start3A_400 = arith.constant 0 : i32
      %dma_start3A_401 = arith.constant 0 : i32
      %dma_start3A_402 = tpu.memref_slice %arg6[%sub3A_376, %dma_start3A_400, %dma_start3A_401] : memref<2x320x128xf32, #tpu.memory_space<vmem>> -> memref<1x320x128xf32, #tpu.memory_space<vmem>>
      %dma_start3A_403 = tpu.memref_squeeze %dma_start3A_402 : memref<1x320x128xf32, #tpu.memory_space<vmem>> -> memref<320x128xf32, #tpu.memory_space<vmem>>
      %dma_start3A_404 = arith.constant 80 : i32
      %dma_start3A_405 = arith.constant 0 : i32
      %dma_start3A_406 = tpu.memref_slice %dma_start3A_403[%dma_start3A_404, %dma_start3A_405] : memref<320x128xf32, #tpu.memory_space<vmem>> -> memref<80x128xf32, #tpu.memory_space<vmem>>
      %dma_start3A_407 = tpu.memref_slice %arg5[%mul3A_399] : memref<2560xi32, #tpu.memory_space<vmem>> -> memref<80xi32, #tpu.memory_space<vmem>>
      %dma_start3A_408 = arith.constant 0 : i32
      %dma_start3A_409 = arith.constant 0 : i32
      %dma_start3A_410 = tpu.memref_slice %arg3[%dma_start3A_408, %dma_start3A_409] : memref<100000x128xf32, #tpu.memory_space<hbm>> -> memref<100000x128xf32, #tpu.memory_space<hbm>>
      tpu.enqueue_indirect_dma source(%dma_start3A_410 : memref<100000x128xf32, #tpu.memory_space<hbm>>) target(%dma_start3A_406 : memref<80x128xf32, #tpu.memory_space<vmem>>) offsets(%dma_start3A_407 : memref<80xi32, #tpu.memory_space<vmem>>) semaphore(%arg8 : memref<!tpu.dma_semaphore, #tpu.memory_space<semaphore_mem>>)
      %mul3A_411 = arith.constant 4 : i32
      %mul3A_412 = arith.muli %add3A_375, %mul3A_411 : i32
      %add3A_413 = arith.constant 2 : i32
      %add3A_414 = arith.addi %mul3A_412, %add3A_413 : i32
      %mul3A_415 = arith.constant 80 : i32
      %mul3A_416 = arith.muli %add3A_414, %mul3A_415 : i32
      %dma_start3A_417 = arith.constant 0 : i32
      %dma_start3A_418 = arith.constant 0 : i32
      %dma_start3A_419 = tpu.memref_slice %arg6[%sub3A_376, %dma_start3A_417, %dma_start3A_418] : memref<2x320x128xf32, #tpu.memory_space<vmem>> -> memref<1x320x128xf32, #tpu.memory_space<vmem>>
      %dma_start3A_420 = tpu.memref_squeeze %dma_start3A_419 : memref<1x320x128xf32, #tpu.memory_space<vmem>> -> memref<320x128xf32, #tpu.memory_space<vmem>>
      %dma_start3A_421 = arith.constant 160 : i32
      %dma_start3A_422 = arith.constant 0 : i32
      %dma_start3A_423 = tpu.memref_slice %dma_start3A_420[%dma_start3A_421, %dma_start3A_422] : memref<320x128xf32, #tpu.memory_space<vmem>> -> memref<80x128xf32, #tpu.memory_space<vmem>>
      %dma_start3A_424 = tpu.memref_slice %arg5[%mul3A_416] : memref<2560xi32, #tpu.memory_space<vmem>> -> memref<80xi32, #tpu.memory_space<vmem>>
      %dma_start3A_425 = arith.constant 0 : i32
      %dma_start3A_426 = arith.constant 0 : i32
      %dma_start3A_427 = tpu.memref_slice %arg3[%dma_start3A_425, %dma_start3A_426] : memref<100000x128xf32, #tpu.memory_space<hbm>> -> memref<100000x128xf32, #tpu.memory_space<hbm>>
      tpu.enqueue_indirect_dma source(%dma_start3A_427 : memref<100000x128xf32, #tpu.memory_space<hbm>>) target(%dma_start3A_423 : memref<80x128xf32, #tpu.memory_space<vmem>>) offsets(%dma_start3A_424 : memref<80xi32, #tpu.memory_space<vmem>>) semaphore(%arg8 : memref<!tpu.dma_semaphore, #tpu.memory_space<semaphore_mem>>)
      %mul3A_428 = arith.constant 4 : i32
      %mul3A_429 = arith.muli %add3A_375, %mul3A_428 : i32
      %add3A_430 = arith.constant 3 : i32
      %add3A_431 = arith.addi %mul3A_429, %add3A_430 : i32
      %mul3A_432 = arith.constant 80 : i32
      %mul3A_433 = arith.muli %add3A_431, %mul3A_432 : i32
      %dma_start3A_434 = arith.constant 0 : i32
      %dma_start3A_435 = arith.constant 0 : i32
      %dma_start3A_436 = tpu.memref_slice %arg6[%sub3A_376, %dma_start3A_434, %dma_start3A_435] : memref<2x320x128xf32, #tpu.memory_space<vmem>> -> memref<1x320x128xf32, #tpu.memory_space<vmem>>
      %dma_start3A_437 = tpu.memref_squeeze %dma_start3A_436 : memref<1x320x128xf32, #tpu.memory_space<vmem>> -> memref<320x128xf32, #tpu.memory_space<vmem>>
      %dma_start3A_438 = arith.constant 240 : i32
      %dma_start3A_439 = arith.constant 0 : i32
      %dma_start3A_440 = tpu.memref_slice %dma_start3A_437[%dma_start3A_438, %dma_start3A_439] : memref<320x128xf32, #tpu.memory_space<vmem>> -> memref<80x128xf32, #tpu.memory_space<vmem>>
      %dma_start3A_441 = tpu.memref_slice %arg5[%mul3A_433] : memref<2560xi32, #tpu.memory_space<vmem>> -> memref<80xi32, #tpu.memory_space<vmem>>
      %dma_start3A_442 = arith.constant 0 : i32
      %dma_start3A_443 = arith.constant 0 : i32
      %dma_start3A_444 = tpu.memref_slice %arg3[%dma_start3A_442, %dma_start3A_443] : memref<100000x128xf32, #tpu.memory_space<hbm>> -> memref<100000x128xf32, #tpu.memory_space<hbm>>
      tpu.enqueue_indirect_dma source(%dma_start3A_444 : memref<100000x128xf32, #tpu.memory_space<hbm>>) target(%dma_start3A_440 : memref<80x128xf32, #tpu.memory_space<vmem>>) offsets(%dma_start3A_441 : memref<80xi32, #tpu.memory_space<vmem>>) semaphore(%arg8 : memref<!tpu.dma_semaphore, #tpu.memory_space<semaphore_mem>>)
      %scan3A_445 = arith.constant 0 : i32
      %scan3A_446 = arith.constant 0 : i32
      %scan3A_447 = arith.constant 16 : i32
      %scan3A_448 = arith.addi %scan3A_446, %scan3A_447 : i32
      %scan3A_449 = arith.constant 1 : i32
      %scan3A_450 = scf.for %scan3A_470 = %scan3A_446 to %scan3A_448 step %scan3A_449 iter_args(%scan3A_471 = %scan3A_445) -> (i32)  : i32 {
        %mul3A_472 = arith.constant 20 : i32
        %mul3A_473 = arith.muli %scan3A_470, %mul3A_472 : i32
        %add3A_474 = arith.constant 0 : i32
        %add3A_475 = arith.addi %mul3A_473, %add3A_474 : i32
        %get3A = arith.index_cast %rem3A_289 : i32 to index
        %get3A_476 = arith.index_cast %add3A_475 : i32 to index
        %get3A_477 = arith.constant 0 : index
        %get3A_478 = tpu.vector_load %arg6[%get3A, %get3A_476, %get3A_477] {strides = array<i32>} : memref<2x320x128xf32, #tpu.memory_space<vmem>>, vector<1x1x16xf32>,
        %get3A_479 = vector.shape_cast %get3A_478 : vector<1x1x16xf32> to vector<16xf32>
        %add3A_480 = arith.constant 1 : i32
        %add3A_481 = arith.addi %mul3A_473, %add3A_480 : i32
        %get3A_482 = arith.index_cast %rem3A_289 : i32 to index
        %get3A_483 = arith.index_cast %add3A_481 : i32 to index
        %get3A_484 = arith.constant 0 : index
        %get3A_485 = tpu.vector_load %arg6[%get3A_482, %get3A_483, %get3A_484] {strides = array<i32>} : memref<2x320x128xf32, #tpu.memory_space<vmem>>, vector<1x1x16xf32>,
        %get3A_486 = vector.shape_cast %get3A_485 : vector<1x1x16xf32> to vector<16xf32>
        %add3A_487 = arith.constant 2 : i32
        %add3A_488 = arith.addi %mul3A_473, %add3A_487 : i32
        %get3A_489 = arith.index_cast %rem3A_289 : i32 to index
        %get3A_490 = arith.index_cast %add3A_488 : i32 to index
        %get3A_491 = arith.constant 0 : index
        %get3A_492 = tpu.vector_load %arg6[%get3A_489, %get3A_490, %get3A_491] {strides = array<i32>} : memref<2x320x128xf32, #tpu.memory_space<vmem>>, vector<1x1x16xf32>,
        %get3A_493 = vector.shape_cast %get3A_492 : vector<1x1x16xf32> to vector<16xf32>
        %add3A_494 = arith.constant 3 : i32
        %add3A_495 = arith.addi %mul3A_473, %add3A_494 : i32
        %get3A_496 = arith.index_cast %rem3A_289 : i32 to index
        %get3A_497 = arith.index_cast %add3A_495 : i32 to index
        %get3A_498 = arith.constant 0 : index
        %get3A_499 = tpu.vector_load %arg6[%get3A_496, %get3A_497, %get3A_498] {strides = array<i32>} : memref<2x320x128xf32, #tpu.memory_space<vmem>>, vector<1x1x16xf32>,
        %get3A_500 = vector.shape_cast %get3A_499 : vector<1x1x16xf32> to vector<16xf32>
        %add3A_501 = arith.constant 4 : i32
        %add3A_502 = arith.addi %mul3A_473, %add3A_501 : i32
        %get3A_503 = arith.index_cast %rem3A_289 : i32 to index
        %get3A_504 = arith.index_cast %add3A_502 : i32 to index
        %get3A_505 = arith.constant 0 : index
        %get3A_506 = tpu.vector_load %arg6[%get3A_503, %get3A_504, %get3A_505] {strides = array<i32>} : memref<2x320x128xf32, #tpu.memory_space<vmem>>, vector<1x1x16xf32>,
        %get3A_507 = vector.shape_cast %get3A_506 : vector<1x1x16xf32> to vector<16xf32>
        %add3A_508 = arith.constant 5 : i32
        %add3A_509 = arith.addi %mul3A_473, %add3A_508 : i32
        %get3A_510 = arith.index_cast %rem3A_289 : i32 to index
        %get3A_511 = arith.index_cast %add3A_509 : i32 to index
        %get3A_512 = arith.constant 0 : index
        %get3A_513 = tpu.vector_load %arg6[%get3A_510, %get3A_511, %get3A_512] {strides = array<i32>} : memref<2x320x128xf32, #tpu.memory_space<vmem>>, vector<1x1x16xf32>,
        %get3A_514 = vector.shape_cast %get3A_513 : vector<1x1x16xf32> to vector<16xf32>
        %add3A_515 = arith.constant 6 : i32
        %add3A_516 = arith.addi %mul3A_473, %add3A_515 : i32
        %get3A_517 = arith.index_cast %rem3A_289 : i32 to index
        %get3A_518 = arith.index_cast %add3A_516 : i32 to index
        %get3A_519 = arith.constant 0 : index
        %get3A_520 = tpu.vector_load %arg6[%get3A_517, %get3A_518, %get3A_519] {strides = array<i32>} : memref<2x320x128xf32, #tpu.memory_space<vmem>>, vector<1x1x16xf32>,
        %get3A_521 = vector.shape_cast %get3A_520 : vector<1x1x16xf32> to vector<16xf32>
        %add3A_522 = arith.constant 7 : i32
        %add3A_523 = arith.addi %mul3A_473, %add3A_522 : i32
        %get3A_524 = arith.index_cast %rem3A_289 : i32 to index
        %get3A_525 = arith.index_cast %add3A_523 : i32 to index
        %get3A_526 = arith.constant 0 : index
        %get3A_527 = tpu.vector_load %arg6[%get3A_524, %get3A_525, %get3A_526] {strides = array<i32>} : memref<2x320x128xf32, #tpu.memory_space<vmem>>, vector<1x1x16xf32>,
        %get3A_528 = vector.shape_cast %get3A_527 : vector<1x1x16xf32> to vector<16xf32>
        %add3A_529 = arith.constant 8 : i32
        %add3A_530 = arith.addi %mul3A_473, %add3A_529 : i32
        %get3A_531 = arith.index_cast %rem3A_289 : i32 to index
        %get3A_532 = arith.index_cast %add3A_530 : i32 to index
        %get3A_533 = arith.constant 0 : index
        %get3A_534 = tpu.vector_load %arg6[%get3A_531, %get3A_532, %get3A_533] {strides = array<i32>} : memref<2x320x128xf32, #tpu.memory_space<vmem>>, vector<1x1x16xf32>,
        %get3A_535 = vector.shape_cast %get3A_534 : vector<1x1x16xf32> to vector<16xf32>
        %add3A_536 = arith.constant 9 : i32
        %add3A_537 = arith.addi %mul3A_473, %add3A_536 : i32
        %get3A_538 = arith.index_cast %rem3A_289 : i32 to index
        %get3A_539 = arith.index_cast %add3A_537 : i32 to index
        %get3A_540 = arith.constant 0 : index
        %get3A_541 = tpu.vector_load %arg6[%get3A_538, %get3A_539, %get3A_540] {strides = array<i32>} : memref<2x320x128xf32, #tpu.memory_space<vmem>>, vector<1x1x16xf32>,
        %get3A_542 = vector.shape_cast %get3A_541 : vector<1x1x16xf32> to vector<16xf32>
        %add3A_543 = arith.constant 10 : i32
        %add3A_544 = arith.addi %mul3A_473, %add3A_543 : i32
        %get3A_545 = arith.index_cast %rem3A_289 : i32 to index
        %get3A_546 = arith.index_cast %add3A_544 : i32 to index
        %get3A_547 = arith.constant 0 : index
        %get3A_548 = tpu.vector_load %arg6[%get3A_545, %get3A_546, %get3A_547] {strides = array<i32>} : memref<2x320x128xf32, #tpu.memory_space<vmem>>, vector<1x1x16xf32>,
        %get3A_549 = vector.shape_cast %get3A_548 : vector<1x1x16xf32> to vector<16xf32>
        %add3A_550 = arith.constant 11 : i32
        %add3A_551 = arith.addi %mul3A_473, %add3A_550 : i32
        %get3A_552 = arith.index_cast %rem3A_289 : i32 to index
        %get3A_553 = arith.index_cast %add3A_551 : i32 to index
        %get3A_554 = arith.constant 0 : index
        %get3A_555 = tpu.vector_load %arg6[%get3A_552, %get3A_553, %get3A_554] {strides = array<i32>} : memref<2x320x128xf32, #tpu.memory_space<vmem>>, vector<1x1x16xf32>,
        %get3A_556 = vector.shape_cast %get3A_555 : vector<1x1x16xf32> to vector<16xf32>
        %add3A_557 = arith.constant 12 : i32
        %add3A_558 = arith.addi %mul3A_473, %add3A_557 : i32
        %get3A_559 = arith.index_cast %rem3A_289 : i32 to index
        %get3A_560 = arith.index_cast %add3A_558 : i32 to index
        %get3A_561 = arith.constant 0 : index
        %get3A_562 = tpu.vector_load %arg6[%get3A_559, %get3A_560, %get3A_561] {strides = array<i32>} : memref<2x320x128xf32, #tpu.memory_space<vmem>>, vector<1x1x16xf32>,
        %get3A_563 = vector.shape_cast %get3A_562 : vector<1x1x16xf32> to vector<16xf32>
        %add3A_564 = arith.constant 13 : i32
        %add3A_565 = arith.addi %mul3A_473, %add3A_564 : i32
        %get3A_566 = arith.index_cast %rem3A_289 : i32 to index
        %get3A_567 = arith.index_cast %add3A_565 : i32 to index
        %get3A_568 = arith.constant 0 : index
        %get3A_569 = tpu.vector_load %arg6[%get3A_566, %get3A_567, %get3A_568] {strides = array<i32>} : memref<2x320x128xf32, #tpu.memory_space<vmem>>, vector<1x1x16xf32>,
        %get3A_570 = vector.shape_cast %get3A_569 : vector<1x1x16xf32> to vector<16xf32>
        %add3A_571 = arith.constant 14 : i32
        %add3A_572 = arith.addi %mul3A_473, %add3A_571 : i32
        %get3A_573 = arith.index_cast %rem3A_289 : i32 to index
        %get3A_574 = arith.index_cast %add3A_572 : i32 to index
        %get3A_575 = arith.constant 0 : index
        %get3A_576 = tpu.vector_load %arg6[%get3A_573, %get3A_574, %get3A_575] {strides = array<i32>} : memref<2x320x128xf32, #tpu.memory_space<vmem>>, vector<1x1x16xf32>,
        %get3A_577 = vector.shape_cast %get3A_576 : vector<1x1x16xf32> to vector<16xf32>
        %add3A_578 = arith.constant 15 : i32
        %add3A_579 = arith.addi %mul3A_473, %add3A_578 : i32
        %get3A_580 = arith.index_cast %rem3A_289 : i32 to index
        %get3A_581 = arith.index_cast %add3A_579 : i32 to index
        %get3A_582 = arith.constant 0 : index
        %get3A_583 = tpu.vector_load %arg6[%get3A_580, %get3A_581, %get3A_582] {strides = array<i32>} : memref<2x320x128xf32, #tpu.memory_space<vmem>>, vector<1x1x16xf32>,
        %get3A_584 = vector.shape_cast %get3A_583 : vector<1x1x16xf32> to vector<16xf32>
        %add3A_585 = arith.constant 16 : i32
        %add3A_586 = arith.addi %mul3A_473, %add3A_585 : i32
        %get3A_587 = arith.index_cast %rem3A_289 : i32 to index
        %get3A_588 = arith.index_cast %add3A_586 : i32 to index
        %get3A_589 = arith.constant 0 : index
        %get3A_590 = tpu.vector_load %arg6[%get3A_587, %get3A_588, %get3A_589] {strides = array<i32>} : memref<2x320x128xf32, #tpu.memory_space<vmem>>, vector<1x1x16xf32>,
        %get3A_591 = vector.shape_cast %get3A_590 : vector<1x1x16xf32> to vector<16xf32>
        %add3A_592 = arith.constant 17 : i32
        %add3A_593 = arith.addi %mul3A_473, %add3A_592 : i32
        %get3A_594 = arith.index_cast %rem3A_289 : i32 to index
        %get3A_595 = arith.index_cast %add3A_593 : i32 to index
        %get3A_596 = arith.constant 0 : index
        %get3A_597 = tpu.vector_load %arg6[%get3A_594, %get3A_595, %get3A_596] {strides = array<i32>} : memref<2x320x128xf32, #tpu.memory_space<vmem>>, vector<1x1x16xf32>,
        %get3A_598 = vector.shape_cast %get3A_597 : vector<1x1x16xf32> to vector<16xf32>
        %add3A_599 = arith.constant 18 : i32
        %add3A_600 = arith.addi %mul3A_473, %add3A_599 : i32
        %get3A_601 = arith.index_cast %rem3A_289 : i32 to index
        %get3A_602 = arith.index_cast %add3A_600 : i32 to index
        %get3A_603 = arith.constant 0 : index
        %get3A_604 = tpu.vector_load %arg6[%get3A_601, %get3A_602, %get3A_603] {strides = array<i32>} : memref<2x320x128xf32, #tpu.memory_space<vmem>>, vector<1x1x16xf32>,
        %get3A_605 = vector.shape_cast %get3A_604 : vector<1x1x16xf32> to vector<16xf32>
        %add3A_606 = arith.constant 19 : i32
        %add3A_607 = arith.addi %mul3A_473, %add3A_606 : i32
        %get3A_608 = arith.index_cast %rem3A_289 : i32 to index
        %get3A_609 = arith.index_cast %add3A_607 : i32 to index
        %get3A_610 = arith.constant 0 : index
        %get3A_611 = tpu.vector_load %arg6[%get3A_608, %get3A_609, %get3A_610] {strides = array<i32>} : memref<2x320x128xf32, #tpu.memory_space<vmem>>, vector<1x1x16xf32>,
        %get3A_612 = vector.shape_cast %get3A_611 : vector<1x1x16xf32> to vector<16xf32>
        %add3A_613 = arith.addf %get3A_479, %get3A_486 : vector<16xf32>
        %add3A_614 = arith.addf %get3A_493, %get3A_500 : vector<16xf32>
        %add3A_615 = arith.addf %get3A_507, %get3A_514 : vector<16xf32>
        %add3A_616 = arith.addf %get3A_521, %get3A_528 : vector<16xf32>
        %add3A_617 = arith.addf %get3A_535, %get3A_542 : vector<16xf32>
        %add3A_618 = arith.addf %get3A_549, %get3A_556 : vector<16xf32>
        %add3A_619 = arith.addf %get3A_563, %get3A_570 : vector<16xf32>
        %add3A_620 = arith.addf %get3A_577, %get3A_584 : vector<16xf32>
        %add3A_621 = arith.addf %get3A_591, %get3A_598 : vector<16xf32>
        %add3A_622 = arith.addf %get3A_605, %get3A_612 : vector<16xf32>
        %add3A_623 = arith.addf %add3A_613, %add3A_614 : vector<16xf32>
        %add3A_624 = arith.addf %add3A_615, %add3A_616 : vector<16xf32>
        %add3A_625 = arith.addf %add3A_617, %add3A_618 : vector<16xf32>
        %add3A_626 = arith.addf %add3A_619, %add3A_620 : vector<16xf32>
        %add3A_627 = arith.addf %add3A_621, %add3A_622 : vector<16xf32>
        %add3A_628 = arith.addf %add3A_623, %add3A_624 : vector<16xf32>
        %add3A_629 = arith.addf %add3A_625, %add3A_626 : vector<16xf32>
        %add3A_630 = arith.addf %add3A_628, %add3A_629 : vector<16xf32>
        %add3A_631 = arith.addf %add3A_630, %add3A_627 : vector<16xf32>
        %mul3A_632 = arith.constant 5.000000e-02 : f32
        %mul3A_633 = vector.broadcast %mul3A_632 : f32 to vector<16xf32>
        %mul3A_634 = arith.mulf %add3A_631, %mul3A_633 : vector<16xf32>
        %swap3A = arith.index_cast %scan3A_287 : i32 to index
        %swap3A_635 = arith.index_cast %scan3A_470 : i32 to index
        %swap3A_636 = arith.constant 0 : index
        %swap3A_637 = tpu.vector_load %arg7[%swap3A, %swap3A_635, %swap3A_636] {strides = array<i32>} : memref<8x16x128xf32, #tpu.memory_space<vmem>>, vector<1x1x16xf32>,
        %swap3A_638 = vector.shape_cast %swap3A_637 : vector<1x1x16xf32> to vector<16xf32>
        %swap3A_639 = vector.shape_cast %mul3A_634 : vector<16xf32> to vector<1x1x16xf32>
        tpu.vector_store %arg7[%swap3A, %swap3A_635, %swap3A_636], %swap3A_639 {strides = array<i32>} : memref<8x16x128xf32, #tpu.memory_space<vmem>>, vector<1x1x16xf32>,
        %add3A_640 = arith.constant 0 : i32
        %add3A_641 = arith.addi %mul3A_473, %add3A_640 : i32
        %get3A_642 = arith.index_cast %rem3A_289 : i32 to index
        %get3A_643 = arith.index_cast %add3A_641 : i32 to index
        %get3A_644 = arith.constant 16 : index
        %get3A_645 = tpu.vector_load %arg6[%get3A_642, %get3A_643, %get3A_644] {strides = array<i32>} : memref<2x320x128xf32, #tpu.memory_space<vmem>>, vector<1x1x16xf32>,
        %get3A_646 = vector.shape_cast %get3A_645 : vector<1x1x16xf32> to vector<16xf32>
        %add3A_647 = arith.constant 1 : i32
        %add3A_648 = arith.addi %mul3A_473, %add3A_647 : i32
        %get3A_649 = arith.index_cast %rem3A_289 : i32 to index
        %get3A_650 = arith.index_cast %add3A_648 : i32 to index
        %get3A_651 = arith.constant 16 : index
        %get3A_652 = tpu.vector_load %arg6[%get3A_649, %get3A_650, %get3A_651] {strides = array<i32>} : memref<2x320x128xf32, #tpu.memory_space<vmem>>, vector<1x1x16xf32>,
        %get3A_653 = vector.shape_cast %get3A_652 : vector<1x1x16xf32> to vector<16xf32>
        %add3A_654 = arith.constant 2 : i32
        %add3A_655 = arith.addi %mul3A_473, %add3A_654 : i32
        %get3A_656 = arith.index_cast %rem3A_289 : i32 to index
        %get3A_657 = arith.index_cast %add3A_655 : i32 to index
        %get3A_658 = arith.constant 16 : index
        %get3A_659 = tpu.vector_load %arg6[%get3A_656, %get3A_657, %get3A_658] {strides = array<i32>} : memref<2x320x128xf32, #tpu.memory_space<vmem>>, vector<1x1x16xf32>,
        %get3A_660 = vector.shape_cast %get3A_659 : vector<1x1x16xf32> to vector<16xf32>
        %add3A_661 = arith.constant 3 : i32
        %add3A_662 = arith.addi %mul3A_473, %add3A_661 : i32
        %get3A_663 = arith.index_cast %rem3A_289 : i32 to index
        %get3A_664 = arith.index_cast %add3A_662 : i32 to index
        %get3A_665 = arith.constant 16 : index
        %get3A_666 = tpu.vector_load %arg6[%get3A_663, %get3A_664, %get3A_665] {strides = array<i32>} : memref<2x320x128xf32, #tpu.memory_space<vmem>>, vector<1x1x16xf32>,
        %get3A_667 = vector.shape_cast %get3A_666 : vector<1x1x16xf32> to vector<16xf32>
        %add3A_668 = arith.constant 4 : i32
        %add3A_669 = arith.addi %mul3A_473, %add3A_668 : i32
        %get3A_670 = arith.index_cast %rem3A_289 : i32 to index
        %get3A_671 = arith.index_cast %add3A_669 : i32 to index
        %get3A_672 = arith.constant 16 : index
        %get3A_673 = tpu.vector_load %arg6[%get3A_670, %get3A_671, %get3A_672] {strides = array<i32>} : memref<2x320x128xf32, #tpu.memory_space<vmem>>, vector<1x1x16xf32>,
        %get3A_674 = vector.shape_cast %get3A_673 : vector<1x1x16xf32> to vector<16xf32>
        %add3A_675 = arith.constant 5 : i32
        %add3A_676 = arith.addi %mul3A_473, %add3A_675 : i32
        %get3A_677 = arith.index_cast %rem3A_289 : i32 to index
        %get3A_678 = arith.index_cast %add3A_676 : i32 to index
        %get3A_679 = arith.constant 16 : index
        %get3A_680 = tpu.vector_load %arg6[%get3A_677, %get3A_678, %get3A_679] {strides = array<i32>} : memref<2x320x128xf32, #tpu.memory_space<vmem>>, vector<1x1x16xf32>,
        %get3A_681 = vector.shape_cast %get3A_680 : vector<1x1x16xf32> to vector<16xf32>
        %add3A_682 = arith.constant 6 : i32
        %add3A_683 = arith.addi %mul3A_473, %add3A_682 : i32
        %get3A_684 = arith.index_cast %rem3A_289 : i32 to index
        %get3A_685 = arith.index_cast %add3A_683 : i32 to index
        %get3A_686 = arith.constant 16 : index
        %get3A_687 = tpu.vector_load %arg6[%get3A_684, %get3A_685, %get3A_686] {strides = array<i32>} : memref<2x320x128xf32, #tpu.memory_space<vmem>>, vector<1x1x16xf32>,
        %get3A_688 = vector.shape_cast %get3A_687 : vector<1x1x16xf32> to vector<16xf32>
        %add3A_689 = arith.constant 7 : i32
        %add3A_690 = arith.addi %mul3A_473, %add3A_689 : i32
        %get3A_691 = arith.index_cast %rem3A_289 : i32 to index
        %get3A_692 = arith.index_cast %add3A_690 : i32 to index
        %get3A_693 = arith.constant 16 : index
        %get3A_694 = tpu.vector_load %arg6[%get3A_691, %get3A_692, %get3A_693] {strides = array<i32>} : memref<2x320x128xf32, #tpu.memory_space<vmem>>, vector<1x1x16xf32>,
        %get3A_695 = vector.shape_cast %get3A_694 : vector<1x1x16xf32> to vector<16xf32>
        %add3A_696 = arith.constant 8 : i32
        %add3A_697 = arith.addi %mul3A_473, %add3A_696 : i32
        %get3A_698 = arith.index_cast %rem3A_289 : i32 to index
        %get3A_699 = arith.index_cast %add3A_697 : i32 to index
        %get3A_700 = arith.constant 16 : index
        %get3A_701 = tpu.vector_load %arg6[%get3A_698, %get3A_699, %get3A_700] {strides = array<i32>} : memref<2x320x128xf32, #tpu.memory_space<vmem>>, vector<1x1x16xf32>,
        %get3A_702 = vector.shape_cast %get3A_701 : vector<1x1x16xf32> to vector<16xf32>
        %add3A_703 = arith.constant 9 : i32
        %add3A_704 = arith.addi %mul3A_473, %add3A_703 : i32
        %get3A_705 = arith.index_cast %rem3A_289 : i32 to index
        %get3A_706 = arith.index_cast %add3A_704 : i32 to index
        %get3A_707 = arith.constant 16 : index
        %get3A_708 = tpu.vector_load %arg6[%get3A_705, %get3A_706, %get3A_707] {strides = array<i32>} : memref<2x320x128xf32, #tpu.memory_space<vmem>>, vector<1x1x16xf32>,
        %get3A_709 = vector.shape_cast %get3A_708 : vector<1x1x16xf32> to vector<16xf32>
        %add3A_710 = arith.constant 10 : i32
        %add3A_711 = arith.addi %mul3A_473, %add3A_710 : i32
        %get3A_712 = arith.index_cast %rem3A_289 : i32 to index
        %get3A_713 = arith.index_cast %add3A_711 : i32 to index
        %get3A_714 = arith.constant 16 : index
        %get3A_715 = tpu.vector_load %arg6[%get3A_712, %get3A_713, %get3A_714] {strides = array<i32>} : memref<2x320x128xf32, #tpu.memory_space<vmem>>, vector<1x1x16xf32>,
        %get3A_716 = vector.shape_cast %get3A_715 : vector<1x1x16xf32> to vector<16xf32>
        %add3A_717 = arith.constant 11 : i32
        %add3A_718 = arith.addi %mul3A_473, %add3A_717 : i32
        %get3A_719 = arith.index_cast %rem3A_289 : i32 to index
        %get3A_720 = arith.index_cast %add3A_718 : i32 to index
        %get3A_721 = arith.constant 16 : index
        %get3A_722 = tpu.vector_load %arg6[%get3A_719, %get3A_720, %get3A_721] {strides = array<i32>} : memref<2x320x128xf32, #tpu.memory_space<vmem>>, vector<1x1x16xf32>,
        %get3A_723 = vector.shape_cast %get3A_722 : vector<1x1x16xf32> to vector<16xf32>
        %add3A_724 = arith.constant 12 : i32
        %add3A_725 = arith.addi %mul3A_473, %add3A_724 : i32
        %get3A_726 = arith.index_cast %rem3A_289 : i32 to index
        %get3A_727 = arith.index_cast %add3A_725 : i32 to index
        %get3A_728 = arith.constant 16 : index
        %get3A_729 = tpu.vector_load %arg6[%get3A_726, %get3A_727, %get3A_728] {strides = array<i32>} : memref<2x320x128xf32, #tpu.memory_space<vmem>>, vector<1x1x16xf32>,
        %get3A_730 = vector.shape_cast %get3A_729 : vector<1x1x16xf32> to vector<16xf32>
        %add3A_731 = arith.constant 13 : i32
        %add3A_732 = arith.addi %mul3A_473, %add3A_731 : i32
        %get3A_733 = arith.index_cast %rem3A_289 : i32 to index
        %get3A_734 = arith.index_cast %add3A_732 : i32 to index
        %get3A_735 = arith.constant 16 : index
        %get3A_736 = tpu.vector_load %arg6[%get3A_733, %get3A_734, %get3A_735] {strides = array<i32>} : memref<2x320x128xf32, #tpu.memory_space<vmem>>, vector<1x1x16xf32>,
        %get3A_737 = vector.shape_cast %get3A_736 : vector<1x1x16xf32> to vector<16xf32>
        %add3A_738 = arith.constant 14 : i32
        %add3A_739 = arith.addi %mul3A_473, %add3A_738 : i32
        %get3A_740 = arith.index_cast %rem3A_289 : i32 to index
        %get3A_741 = arith.index_cast %add3A_739 : i32 to index
        %get3A_742 = arith.constant 16 : index
        %get3A_743 = tpu.vector_load %arg6[%get3A_740, %get3A_741, %get3A_742] {strides = array<i32>} : memref<2x320x128xf32, #tpu.memory_space<vmem>>, vector<1x1x16xf32>,
        %get3A_744 = vector.shape_cast %get3A_743 : vector<1x1x16xf32> to vector<16xf32>
        %add3A_745 = arith.constant 15 : i32
        %add3A_746 = arith.addi %mul3A_473, %add3A_745 : i32
        %get3A_747 = arith.index_cast %rem3A_289 : i32 to index
        %get3A_748 = arith.index_cast %add3A_746 : i32 to index
        %get3A_749 = arith.constant 16 : index
        %get3A_750 = tpu.vector_load %arg6[%get3A_747, %get3A_748, %get3A_749] {strides = array<i32>} : memref<2x320x128xf32, #tpu.memory_space<vmem>>, vector<1x1x16xf32>,
        %get3A_751 = vector.shape_cast %get3A_750 : vector<1x1x16xf32> to vector<16xf32>
        %add3A_752 = arith.constant 16 : i32
        %add3A_753 = arith.addi %mul3A_473, %add3A_752 : i32
        %get3A_754 = arith.index_cast %rem3A_289 : i32 to index
        %get3A_755 = arith.index_cast %add3A_753 : i32 to index
        %get3A_756 = arith.constant 16 : index
        %get3A_757 = tpu.vector_load %arg6[%get3A_754, %get3A_755, %get3A_756] {strides = array<i32>} : memref<2x320x128xf32, #tpu.memory_space<vmem>>, vector<1x1x16xf32>,
        %get3A_758 = vector.shape_cast %get3A_757 : vector<1x1x16xf32> to vector<16xf32>
        %add3A_759 = arith.constant 17 : i32
        %add3A_760 = arith.addi %mul3A_473, %add3A_759 : i32
        %get3A_761 = arith.index_cast %rem3A_289 : i32 to index
        %get3A_762 = arith.index_cast %add3A_760 : i32 to index
        %get3A_763 = arith.constant 16 : index
        %get3A_764 = tpu.vector_load %arg6[%get3A_761, %get3A_762, %get3A_763] {strides = array<i32>} : memref<2x320x128xf32, #tpu.memory_space<vmem>>, vector<1x1x16xf32>,
        %get3A_765 = vector.shape_cast %get3A_764 : vector<1x1x16xf32> to vector<16xf32>
        %add3A_766 = arith.constant 18 : i32
        %add3A_767 = arith.addi %mul3A_473, %add3A_766 : i32
        %get3A_768 = arith.index_cast %rem3A_289 : i32 to index
        %get3A_769 = arith.index_cast %add3A_767 : i32 to index
        %get3A_770 = arith.constant 16 : index
        %get3A_771 = tpu.vector_load %arg6[%get3A_768, %get3A_769, %get3A_770] {strides = array<i32>} : memref<2x320x128xf32, #tpu.memory_space<vmem>>, vector<1x1x16xf32>,
        %get3A_772 = vector.shape_cast %get3A_771 : vector<1x1x16xf32> to vector<16xf32>
        %add3A_773 = arith.constant 19 : i32
        %add3A_774 = arith.addi %mul3A_473, %add3A_773 : i32
        %get3A_775 = arith.index_cast %rem3A_289 : i32 to index
        %get3A_776 = arith.index_cast %add3A_774 : i32 to index
        %get3A_777 = arith.constant 16 : index
        %get3A_778 = tpu.vector_load %arg6[%get3A_775, %get3A_776, %get3A_777] {strides = array<i32>} : memref<2x320x128xf32, #tpu.memory_space<vmem>>, vector<1x1x16xf32>,
        %get3A_779 = vector.shape_cast %get3A_778 : vector<1x1x16xf32> to vector<16xf32>
        %add3A_780 = arith.addf %get3A_646, %get3A_653 : vector<16xf32>
        %add3A_781 = arith.addf %get3A_660, %get3A_667 : vector<16xf32>
        %add3A_782 = arith.addf %get3A_674, %get3A_681 : vector<16xf32>
        %add3A_783 = arith.addf %get3A_688, %get3A_695 : vector<16xf32>
        %add3A_784 = arith.addf %get3A_702, %get3A_709 : vector<16xf32>
        %add3A_785 = arith.addf %get3A_716, %get3A_723 : vector<16xf32>
        %add3A_786 = arith.addf %get3A_730, %get3A_737 : vector<16xf32>
        %add3A_787 = arith.addf %get3A_744, %get3A_751 : vector<16xf32>
        %add3A_788 = arith.addf %get3A_758, %get3A_765 : vector<16xf32>
        %add3A_789 = arith.addf %get3A_772, %get3A_779 : vector<16xf32>
        %add3A_790 = arith.addf %add3A_780, %add3A_781 : vector<16xf32>
        %add3A_791 = arith.addf %add3A_782, %add3A_783 : vector<16xf32>
        %add3A_792 = arith.addf %add3A_784, %add3A_785 : vector<16xf32>
        %add3A_793 = arith.addf %add3A_786, %add3A_787 : vector<16xf32>
        %add3A_794 = arith.addf %add3A_788, %add3A_789 : vector<16xf32>
        %add3A_795 = arith.addf %add3A_790, %add3A_791 : vector<16xf32>
        %add3A_796 = arith.addf %add3A_792, %add3A_793 : vector<16xf32>
        %add3A_797 = arith.addf %add3A_795, %add3A_796 : vector<16xf32>
        %add3A_798 = arith.addf %add3A_797, %add3A_794 : vector<16xf32>
        %mul3A_799 = arith.constant 5.000000e-02 : f32
        %mul3A_800 = vector.broadcast %mul3A_799 : f32 to vector<16xf32>
        %mul3A_801 = arith.mulf %add3A_798, %mul3A_800 : vector<16xf32>
        %swap3A_802 = arith.index_cast %scan3A_287 : i32 to index
        %swap3A_803 = arith.index_cast %scan3A_470 : i32 to index
        %swap3A_804 = arith.constant 16 : index
        %swap3A_805 = tpu.vector_load %arg7[%swap3A_802, %swap3A_803, %swap3A_804] {strides = array<i32>} : memref<8x16x128xf32, #tpu.memory_space<vmem>>, vector<1x1x16xf32>,
        %swap3A_806 = vector.shape_cast %swap3A_805 : vector<1x1x16xf32> to vector<16xf32>
        %swap3A_807 = vector.shape_cast %mul3A_801 : vector<16xf32> to vector<1x1x16xf32>
        tpu.vector_store %arg7[%swap3A_802, %swap3A_803, %swap3A_804], %swap3A_807 {strides = array<i32>} : memref<8x16x128xf32, #tpu.memory_space<vmem>>, vector<1x1x16xf32>,
        %add3A_808 = arith.constant 0 : i32
        %add3A_809 = arith.addi %mul3A_473, %add3A_808 : i32
        %get3A_810 = arith.index_cast %rem3A_289 : i32 to index
        %get3A_811 = arith.index_cast %add3A_809 : i32 to index
        %get3A_812 = arith.constant 32 : index
        %get3A_813 = tpu.vector_load %arg6[%get3A_810, %get3A_811, %get3A_812] {strides = array<i32>} : memref<2x320x128xf32, #tpu.memory_space<vmem>>, vector<1x1x16xf32>,
        %get3A_814 = vector.shape_cast %get3A_813 : vector<1x1x16xf32> to vector<16xf32>
        %add3A_815 = arith.constant 1 : i32
        %add3A_816 = arith.addi %mul3A_473, %add3A_815 : i32
        %get3A_817 = arith.index_cast %rem3A_289 : i32 to index
        %get3A_818 = arith.index_cast %add3A_816 : i32 to index
        %get3A_819 = arith.constant 32 : index
        %get3A_820 = tpu.vector_load %arg6[%get3A_817, %get3A_818, %get3A_819] {strides = array<i32>} : memref<2x320x128xf32, #tpu.memory_space<vmem>>, vector<1x1x16xf32>,
        %get3A_821 = vector.shape_cast %get3A_820 : vector<1x1x16xf32> to vector<16xf32>
        %add3A_822 = arith.constant 2 : i32
        %add3A_823 = arith.addi %mul3A_473, %add3A_822 : i32
        %get3A_824 = arith.index_cast %rem3A_289 : i32 to index
        %get3A_825 = arith.index_cast %add3A_823 : i32 to index
        %get3A_826 = arith.constant 32 : index
        %get3A_827 = tpu.vector_load %arg6[%get3A_824, %get3A_825, %get3A_826] {strides = array<i32>} : memref<2x320x128xf32, #tpu.memory_space<vmem>>, vector<1x1x16xf32>,
        %get3A_828 = vector.shape_cast %get3A_827 : vector<1x1x16xf32> to vector<16xf32>
        %add3A_829 = arith.constant 3 : i32
        %add3A_830 = arith.addi %mul3A_473, %add3A_829 : i32
        %get3A_831 = arith.index_cast %rem3A_289 : i32 to index
        %get3A_832 = arith.index_cast %add3A_830 : i32 to index
        %get3A_833 = arith.constant 32 : index
        %get3A_834 = tpu.vector_load %arg6[%get3A_831, %get3A_832, %get3A_833] {strides = array<i32>} : memref<2x320x128xf32, #tpu.memory_space<vmem>>, vector<1x1x16xf32>,
        %get3A_835 = vector.shape_cast %get3A_834 : vector<1x1x16xf32> to vector<16xf32>
        %add3A_836 = arith.constant 4 : i32
        %add3A_837 = arith.addi %mul3A_473, %add3A_836 : i32
        %get3A_838 = arith.index_cast %rem3A_289 : i32 to index
        %get3A_839 = arith.index_cast %add3A_837 : i32 to index
        %get3A_840 = arith.constant 32 : index
        %get3A_841 = tpu.vector_load %arg6[%get3A_838, %get3A_839, %get3A_840] {strides = array<i32>} : memref<2x320x128xf32, #tpu.memory_space<vmem>>, vector<1x1x16xf32>,
        %get3A_842 = vector.shape_cast %get3A_841 : vector<1x1x16xf32> to vector<16xf32>
        %add3A_843 = arith.constant 5 : i32
        %add3A_844 = arith.addi %mul3A_473, %add3A_843 : i32
        %get3A_845 = arith.index_cast %rem3A_289 : i32 to index
        %get3A_846 = arith.index_cast %add3A_844 : i32 to index
        %get3A_847 = arith.constant 32 : index
        %get3A_848 = tpu.vector_load %arg6[%get3A_845, %get3A_846, %get3A_847] {strides = array<i32>} : memref<2x320x128xf32, #tpu.memory_space<vmem>>, vector<1x1x16xf32>,
        %get3A_849 = vector.shape_cast %get3A_848 : vector<1x1x16xf32> to vector<16xf32>
        %add3A_850 = arith.constant 6 : i32
        %add3A_851 = arith.addi %mul3A_473, %add3A_850 : i32
        %get3A_852 = arith.index_cast %rem3A_289 : i32 to index
        %get3A_853 = arith.index_cast %add3A_851 : i32 to index
        %get3A_854 = arith.constant 32 : index
        %get3A_855 = tpu.vector_load %arg6[%get3A_852, %get3A_853, %get3A_854] {strides = array<i32>} : memref<2x320x128xf32, #tpu.memory_space<vmem>>, vector<1x1x16xf32>,
        %get3A_856 = vector.shape_cast %get3A_855 : vector<1x1x16xf32> to vector<16xf32>
        %add3A_857 = arith.constant 7 : i32
        %add3A_858 = arith.addi %mul3A_473, %add3A_857 : i32
        %get3A_859 = arith.index_cast %rem3A_289 : i32 to index
        %get3A_860 = arith.index_cast %add3A_858 : i32 to index
        %get3A_861 = arith.constant 32 : index
        %get3A_862 = tpu.vector_load %arg6[%get3A_859, %get3A_860, %get3A_861] {strides = array<i32>} : memref<2x320x128xf32, #tpu.memory_space<vmem>>, vector<1x1x16xf32>,
        %get3A_863 = vector.shape_cast %get3A_862 : vector<1x1x16xf32> to vector<16xf32>
        %add3A_864 = arith.constant 8 : i32
        %add3A_865 = arith.addi %mul3A_473, %add3A_864 : i32
        %get3A_866 = arith.index_cast %rem3A_289 : i32 to index
        %get3A_867 = arith.index_cast %add3A_865 : i32 to index
        %get3A_868 = arith.constant 32 : index
        %get3A_869 = tpu.vector_load %arg6[%get3A_866, %get3A_867, %get3A_868] {strides = array<i32>} : memref<2x320x128xf32, #tpu.memory_space<vmem>>, vector<1x1x16xf32>,
        %get3A_870 = vector.shape_cast %get3A_869 : vector<1x1x16xf32> to vector<16xf32>
        %add3A_871 = arith.constant 9 : i32
        %add3A_872 = arith.addi %mul3A_473, %add3A_871 : i32
        %get3A_873 = arith.index_cast %rem3A_289 : i32 to index
        %get3A_874 = arith.index_cast %add3A_872 : i32 to index
        %get3A_875 = arith.constant 32 : index
        %get3A_876 = tpu.vector_load %arg6[%get3A_873, %get3A_874, %get3A_875] {strides = array<i32>} : memref<2x320x128xf32, #tpu.memory_space<vmem>>, vector<1x1x16xf32>,
        %get3A_877 = vector.shape_cast %get3A_876 : vector<1x1x16xf32> to vector<16xf32>
        %add3A_878 = arith.constant 10 : i32
        %add3A_879 = arith.addi %mul3A_473, %add3A_878 : i32
        %get3A_880 = arith.index_cast %rem3A_289 : i32 to index
        %get3A_881 = arith.index_cast %add3A_879 : i32 to index
        %get3A_882 = arith.constant 32 : index
        %get3A_883 = tpu.vector_load %arg6[%get3A_880, %get3A_881, %get3A_882] {strides = array<i32>} : memref<2x320x128xf32, #tpu.memory_space<vmem>>, vector<1x1x16xf32>,
        %get3A_884 = vector.shape_cast %get3A_883 : vector<1x1x16xf32> to vector<16xf32>
        %add3A_885 = arith.constant 11 : i32
        %add3A_886 = arith.addi %mul3A_473, %add3A_885 : i32
        %get3A_887 = arith.index_cast %rem3A_289 : i32 to index
        %get3A_888 = arith.index_cast %add3A_886 : i32 to index
        %get3A_889 = arith.constant 32 : index
        %get3A_890 = tpu.vector_load %arg6[%get3A_887, %get3A_888, %get3A_889] {strides = array<i32>} : memref<2x320x128xf32, #tpu.memory_space<vmem>>, vector<1x1x16xf32>,
        %get3A_891 = vector.shape_cast %get3A_890 : vector<1x1x16xf32> to vector<16xf32>
        %add3A_892 = arith.constant 12 : i32
        %add3A_893 = arith.addi %mul3A_473, %add3A_892 : i32
        %get3A_894 = arith.index_cast %rem3A_289 : i32 to index
        %get3A_895 = arith.index_cast %add3A_893 : i32 to index
        %get3A_896 = arith.constant 32 : index
        %get3A_897 = tpu.vector_load %arg6[%get3A_894, %get3A_895, %get3A_896] {strides = array<i32>} : memref<2x320x128xf32, #tpu.memory_space<vmem>>, vector<1x1x16xf32>,
        %get3A_898 = vector.shape_cast %get3A_897 : vector<1x1x16xf32> to vector<16xf32>
        %add3A_899 = arith.constant 13 : i32
        %add3A_900 = arith.addi %mul3A_473, %add3A_899 : i32
        %get3A_901 = arith.index_cast %rem3A_289 : i32 to index
        %get3A_902 = arith.index_cast %add3A_900 : i32 to index
        %get3A_903 = arith.constant 32 : index
        %get3A_904 = tpu.vector_load %arg6[%get3A_901, %get3A_902, %get3A_903] {strides = array<i32>} : memref<2x320x128xf32, #tpu.memory_space<vmem>>, vector<1x1x16xf32>,
        %get3A_905 = vector.shape_cast %get3A_904 : vector<1x1x16xf32> to vector<16xf32>
        %add3A_906 = arith.constant 14 : i32
        %add3A_907 = arith.addi %mul3A_473, %add3A_906 : i32
        %get3A_908 = arith.index_cast %rem3A_289 : i32 to index
        %get3A_909 = arith.index_cast %add3A_907 : i32 to index
        %get3A_910 = arith.constant 32 : index
        %get3A_911 = tpu.vector_load %arg6[%get3A_908, %get3A_909, %get3A_910] {strides = array<i32>} : memref<2x320x128xf32, #tpu.memory_space<vmem>>, vector<1x1x16xf32>,
        %get3A_912 = vector.shape_cast %get3A_911 : vector<1x1x16xf32> to vector<16xf32>
        %add3A_913 = arith.constant 15 : i32
        %add3A_914 = arith.addi %mul3A_473, %add3A_913 : i32
        %get3A_915 = arith.index_cast %rem3A_289 : i32 to index
        %get3A_916 = arith.index_cast %add3A_914 : i32 to index
        %get3A_917 = arith.constant 32 : index
        %get3A_918 = tpu.vector_load %arg6[%get3A_915, %get3A_916, %get3A_917] {strides = array<i32>} : memref<2x320x128xf32, #tpu.memory_space<vmem>>, vector<1x1x16xf32>,
        %get3A_919 = vector.shape_cast %get3A_918 : vector<1x1x16xf32> to vector<16xf32>
        %add3A_920 = arith.constant 16 : i32
        %add3A_921 = arith.addi %mul3A_473, %add3A_920 : i32
        %get3A_922 = arith.index_cast %rem3A_289 : i32 to index
        %get3A_923 = arith.index_cast %add3A_921 : i32 to index
        %get3A_924 = arith.constant 32 : index
        %get3A_925 = tpu.vector_load %arg6[%get3A_922, %get3A_923, %get3A_924] {strides = array<i32>} : memref<2x320x128xf32, #tpu.memory_space<vmem>>, vector<1x1x16xf32>,
        %get3A_926 = vector.shape_cast %get3A_925 : vector<1x1x16xf32> to vector<16xf32>
        %add3A_927 = arith.constant 17 : i32
        %add3A_928 = arith.addi %mul3A_473, %add3A_927 : i32
        %get3A_929 = arith.index_cast %rem3A_289 : i32 to index
        %get3A_930 = arith.index_cast %add3A_928 : i32 to index
        %get3A_931 = arith.constant 32 : index
        %get3A_932 = tpu.vector_load %arg6[%get3A_929, %get3A_930, %get3A_931] {strides = array<i32>} : memref<2x320x128xf32, #tpu.memory_space<vmem>>, vector<1x1x16xf32>,
        %get3A_933 = vector.shape_cast %get3A_932 : vector<1x1x16xf32> to vector<16xf32>
        %add3A_934 = arith.constant 18 : i32
        %add3A_935 = arith.addi %mul3A_473, %add3A_934 : i32
        %get3A_936 = arith.index_cast %rem3A_289 : i32 to index
        %get3A_937 = arith.index_cast %add3A_935 : i32 to index
        %get3A_938 = arith.constant 32 : index
        %get3A_939 = tpu.vector_load %arg6[%get3A_936, %get3A_937, %get3A_938] {strides = array<i32>} : memref<2x320x128xf32, #tpu.memory_space<vmem>>, vector<1x1x16xf32>,
        %get3A_940 = vector.shape_cast %get3A_939 : vector<1x1x16xf32> to vector<16xf32>
        %add3A_941 = arith.constant 19 : i32
        %add3A_942 = arith.addi %mul3A_473, %add3A_941 : i32
        %get3A_943 = arith.index_cast %rem3A_289 : i32 to index
        %get3A_944 = arith.index_cast %add3A_942 : i32 to index
        %get3A_945 = arith.constant 32 : index
        %get3A_946 = tpu.vector_load %arg6[%get3A_943, %get3A_944, %get3A_945] {strides = array<i32>} : memref<2x320x128xf32, #tpu.memory_space<vmem>>, vector<1x1x16xf32>,
        %get3A_947 = vector.shape_cast %get3A_946 : vector<1x1x16xf32> to vector<16xf32>
        %add3A_948 = arith.addf %get3A_814, %get3A_821 : vector<16xf32>
        %add3A_949 = arith.addf %get3A_828, %get3A_835 : vector<16xf32>
        %add3A_950 = arith.addf %get3A_842, %get3A_849 : vector<16xf32>
        %add3A_951 = arith.addf %get3A_856, %get3A_863 : vector<16xf32>
        %add3A_952 = arith.addf %get3A_870, %get3A_877 : vector<16xf32>
        %add3A_953 = arith.addf %get3A_884, %get3A_891 : vector<16xf32>
        %add3A_954 = arith.addf %get3A_898, %get3A_905 : vector<16xf32>
        %add3A_955 = arith.addf %get3A_912, %get3A_919 : vector<16xf32>
        %add3A_956 = arith.addf %get3A_926, %get3A_933 : vector<16xf32>
        %add3A_957 = arith.addf %get3A_940, %get3A_947 : vector<16xf32>
        %add3A_958 = arith.addf %add3A_948, %add3A_949 : vector<16xf32>
        %add3A_959 = arith.addf %add3A_950, %add3A_951 : vector<16xf32>
        %add3A_960 = arith.addf %add3A_952, %add3A_953 : vector<16xf32>
        %add3A_961 = arith.addf %add3A_954, %add3A_955 : vector<16xf32>
        %add3A_962 = arith.addf %add3A_956, %add3A_957 : vector<16xf32>
        %add3A_963 = arith.addf %add3A_958, %add3A_959 : vector<16xf32>
        %add3A_964 = arith.addf %add3A_960, %add3A_961 : vector<16xf32>
        %add3A_965 = arith.addf %add3A_963, %add3A_964 : vector<16xf32>
        %add3A_966 = arith.addf %add3A_965, %add3A_962 : vector<16xf32>
        %mul3A_967 = arith.constant 5.000000e-02 : f32
        %mul3A_968 = vector.broadcast %mul3A_967 : f32 to vector<16xf32>
        %mul3A_969 = arith.mulf %add3A_966, %mul3A_968 : vector<16xf32>
        %swap3A_970 = arith.index_cast %scan3A_287 : i32 to index
        %swap3A_971 = arith.index_cast %scan3A_470 : i32 to index
        %swap3A_972 = arith.constant 32 : index
        %swap3A_973 = tpu.vector_load %arg7[%swap3A_970, %swap3A_971, %swap3A_972] {strides = array<i32>} : memref<8x16x128xf32, #tpu.memory_space<vmem>>, vector<1x1x16xf32>,
        %swap3A_974 = vector.shape_cast %swap3A_973 : vector<1x1x16xf32> to vector<16xf32>
        %swap3A_975 = vector.shape_cast %mul3A_969 : vector<16xf32> to vector<1x1x16xf32>
        tpu.vector_store %arg7[%swap3A_970, %swap3A_971, %swap3A_972], %swap3A_975 {strides = array<i32>} : memref<8x16x128xf32, #tpu.memory_space<vmem>>, vector<1x1x16xf32>,
        %add3A_976 = arith.constant 0 : i32
        %add3A_977 = arith.addi %mul3A_473, %add3A_976 : i32
        %get3A_978 = arith.index_cast %rem3A_289 : i32 to index
        %get3A_979 = arith.index_cast %add3A_977 : i32 to index
        %get3A_980 = arith.constant 48 : index
        %get3A_981 = tpu.vector_load %arg6[%get3A_978, %get3A_979, %get3A_980] {strides = array<i32>} : memref<2x320x128xf32, #tpu.memory_space<vmem>>, vector<1x1x16xf32>,
        %get3A_982 = vector.shape_cast %get3A_981 : vector<1x1x16xf32> to vector<16xf32>
        %add3A_983 = arith.constant 1 : i32
        %add3A_984 = arith.addi %mul3A_473, %add3A_983 : i32
        %get3A_985 = arith.index_cast %rem3A_289 : i32 to index
        %get3A_986 = arith.index_cast %add3A_984 : i32 to index
        %get3A_987 = arith.constant 48 : index
        %get3A_988 = tpu.vector_load %arg6[%get3A_985, %get3A_986, %get3A_987] {strides = array<i32>} : memref<2x320x128xf32, #tpu.memory_space<vmem>>, vector<1x1x16xf32>,
        %get3A_989 = vector.shape_cast %get3A_988 : vector<1x1x16xf32> to vector<16xf32>
        %add3A_990 = arith.constant 2 : i32
        %add3A_991 = arith.addi %mul3A_473, %add3A_990 : i32
        %get3A_992 = arith.index_cast %rem3A_289 : i32 to index
        %get3A_993 = arith.index_cast %add3A_991 : i32 to index
        %get3A_994 = arith.constant 48 : index
        %get3A_995 = tpu.vector_load %arg6[%get3A_992, %get3A_993, %get3A_994] {strides = array<i32>} : memref<2x320x128xf32, #tpu.memory_space<vmem>>, vector<1x1x16xf32>,
        %get3A_996 = vector.shape_cast %get3A_995 : vector<1x1x16xf32> to vector<16xf32>
        %add3A_997 = arith.constant 3 : i32
        %add3A_998 = arith.addi %mul3A_473, %add3A_997 : i32
        %get3A_999 = arith.index_cast %rem3A_289 : i32 to index
        %get3A_1000 = arith.index_cast %add3A_998 : i32 to index
        %get3A_1001 = arith.constant 48 : index
        %get3A_1002 = tpu.vector_load %arg6[%get3A_999, %get3A_1000, %get3A_1001] {strides = array<i32>} : memref<2x320x128xf32, #tpu.memory_space<vmem>>, vector<1x1x16xf32>,
        %get3A_1003 = vector.shape_cast %get3A_1002 : vector<1x1x16xf32> to vector<16xf32>
        %add3A_1004 = arith.constant 4 : i32
        %add3A_1005 = arith.addi %mul3A_473, %add3A_1004 : i32
        %get3A_1006 = arith.index_cast %rem3A_289 : i32 to index
        %get3A_1007 = arith.index_cast %add3A_1005 : i32 to index
        %get3A_1008 = arith.constant 48 : index
        %get3A_1009 = tpu.vector_load %arg6[%get3A_1006, %get3A_1007, %get3A_1008] {strides = array<i32>} : memref<2x320x128xf32, #tpu.memory_space<vmem>>, vector<1x1x16xf32>,
        %get3A_1010 = vector.shape_cast %get3A_1009 : vector<1x1x16xf32> to vector<16xf32>
        %add3A_1011 = arith.constant 5 : i32
        %add3A_1012 = arith.addi %mul3A_473, %add3A_1011 : i32
        %get3A_1013 = arith.index_cast %rem3A_289 : i32 to index
        %get3A_1014 = arith.index_cast %add3A_1012 : i32 to index
        %get3A_1015 = arith.constant 48 : index
        %get3A_1016 = tpu.vector_load %arg6[%get3A_1013, %get3A_1014, %get3A_1015] {strides = array<i32>} : memref<2x320x128xf32, #tpu.memory_space<vmem>>, vector<1x1x16xf32>,
        %get3A_1017 = vector.shape_cast %get3A_1016 : vector<1x1x16xf32> to vector<16xf32>
        %add3A_1018 = arith.constant 6 : i32
        %add3A_1019 = arith.addi %mul3A_473, %add3A_1018 : i32
        %get3A_1020 = arith.index_cast %rem3A_289 : i32 to index
        %get3A_1021 = arith.index_cast %add3A_1019 : i32 to index
        %get3A_1022 = arith.constant 48 : index
        %get3A_1023 = tpu.vector_load %arg6[%get3A_1020, %get3A_1021, %get3A_1022] {strides = array<i32>} : memref<2x320x128xf32, #tpu.memory_space<vmem>>, vector<1x1x16xf32>,
        %get3A_1024 = vector.shape_cast %get3A_1023 : vector<1x1x16xf32> to vector<16xf32>
        %add3A_1025 = arith.constant 7 : i32
        %add3A_1026 = arith.addi %mul3A_473, %add3A_1025 : i32
        %get3A_1027 = arith.index_cast %rem3A_289 : i32 to index
        %get3A_1028 = arith.index_cast %add3A_1026 : i32 to index
        %get3A_1029 = arith.constant 48 : index
        %get3A_1030 = tpu.vector_load %arg6[%get3A_1027, %get3A_1028, %get3A_1029] {strides = array<i32>} : memref<2x320x128xf32, #tpu.memory_space<vmem>>, vector<1x1x16xf32>,
        %get3A_1031 = vector.shape_cast %get3A_1030 : vector<1x1x16xf32> to vector<16xf32>
        %add3A_1032 = arith.constant 8 : i32
        %add3A_1033 = arith.addi %mul3A_473, %add3A_1032 : i32
        %get3A_1034 = arith.index_cast %rem3A_289 : i32 to index
        %get3A_1035 = arith.index_cast %add3A_1033 : i32 to index
        %get3A_1036 = arith.constant 48 : index
        %get3A_1037 = tpu.vector_load %arg6[%get3A_1034, %get3A_1035, %get3A_1036] {strides = array<i32>} : memref<2x320x128xf32, #tpu.memory_space<vmem>>, vector<1x1x16xf32>,
        %get3A_1038 = vector.shape_cast %get3A_1037 : vector<1x1x16xf32> to vector<16xf32>
        %add3A_1039 = arith.constant 9 : i32
        %add3A_1040 = arith.addi %mul3A_473, %add3A_1039 : i32
        %get3A_1041 = arith.index_cast %rem3A_289 : i32 to index
        %get3A_1042 = arith.index_cast %add3A_1040 : i32 to index
        %get3A_1043 = arith.constant 48 : index
        %get3A_1044 = tpu.vector_load %arg6[%get3A_1041, %get3A_1042, %get3A_1043] {strides = array<i32>} : memref<2x320x128xf32, #tpu.memory_space<vmem>>, vector<1x1x16xf32>,
        %get3A_1045 = vector.shape_cast %get3A_1044 : vector<1x1x16xf32> to vector<16xf32>
        %add3A_1046 = arith.constant 10 : i32
        %add3A_1047 = arith.addi %mul3A_473, %add3A_1046 : i32
        %get3A_1048 = arith.index_cast %rem3A_289 : i32 to index
        %get3A_1049 = arith.index_cast %add3A_1047 : i32 to index
        %get3A_1050 = arith.constant 48 : index
        %get3A_1051 = tpu.vector_load %arg6[%get3A_1048, %get3A_1049, %get3A_1050] {strides = array<i32>} : memref<2x320x128xf32, #tpu.memory_space<vmem>>, vector<1x1x16xf32>,
        %get3A_1052 = vector.shape_cast %get3A_1051 : vector<1x1x16xf32> to vector<16xf32>
        %add3A_1053 = arith.constant 11 : i32
        %add3A_1054 = arith.addi %mul3A_473, %add3A_1053 : i32
        %get3A_1055 = arith.index_cast %rem3A_289 : i32 to index
        %get3A_1056 = arith.index_cast %add3A_1054 : i32 to index
        %get3A_1057 = arith.constant 48 : index
        %get3A_1058 = tpu.vector_load %arg6[%get3A_1055, %get3A_1056, %get3A_1057] {strides = array<i32>} : memref<2x320x128xf32, #tpu.memory_space<vmem>>, vector<1x1x16xf32>,
        %get3A_1059 = vector.shape_cast %get3A_1058 : vector<1x1x16xf32> to vector<16xf32>
        %add3A_1060 = arith.constant 12 : i32
        %add3A_1061 = arith.addi %mul3A_473, %add3A_1060 : i32
        %get3A_1062 = arith.index_cast %rem3A_289 : i32 to index
        %get3A_1063 = arith.index_cast %add3A_1061 : i32 to index
        %get3A_1064 = arith.constant 48 : index
        %get3A_1065 = tpu.vector_load %arg6[%get3A_1062, %get3A_1063, %get3A_1064] {strides = array<i32>} : memref<2x320x128xf32, #tpu.memory_space<vmem>>, vector<1x1x16xf32>,
        %get3A_1066 = vector.shape_cast %get3A_1065 : vector<1x1x16xf32> to vector<16xf32>
        %add3A_1067 = arith.constant 13 : i32
        %add3A_1068 = arith.addi %mul3A_473, %add3A_1067 : i32
        %get3A_1069 = arith.index_cast %rem3A_289 : i32 to index
        %get3A_1070 = arith.index_cast %add3A_1068 : i32 to index
        %get3A_1071 = arith.constant 48 : index
        %get3A_1072 = tpu.vector_load %arg6[%get3A_1069, %get3A_1070, %get3A_1071] {strides = array<i32>} : memref<2x320x128xf32, #tpu.memory_space<vmem>>, vector<1x1x16xf32>,
        %get3A_1073 = vector.shape_cast %get3A_1072 : vector<1x1x16xf32> to vector<16xf32>
        %add3A_1074 = arith.constant 14 : i32
        %add3A_1075 = arith.addi %mul3A_473, %add3A_1074 : i32
        %get3A_1076 = arith.index_cast %rem3A_289 : i32 to index
        %get3A_1077 = arith.index_cast %add3A_1075 : i32 to index
        %get3A_1078 = arith.constant 48 : index
        %get3A_1079 = tpu.vector_load %arg6[%get3A_1076, %get3A_1077, %get3A_1078] {strides = array<i32>} : memref<2x320x128xf32, #tpu.memory_space<vmem>>, vector<1x1x16xf32>,
        %get3A_1080 = vector.shape_cast %get3A_1079 : vector<1x1x16xf32> to vector<16xf32>
        %add3A_1081 = arith.constant 15 : i32
        %add3A_1082 = arith.addi %mul3A_473, %add3A_1081 : i32
        %get3A_1083 = arith.index_cast %rem3A_289 : i32 to index
        %get3A_1084 = arith.index_cast %add3A_1082 : i32 to index
        %get3A_1085 = arith.constant 48 : index
        %get3A_1086 = tpu.vector_load %arg6[%get3A_1083, %get3A_1084, %get3A_1085] {strides = array<i32>} : memref<2x320x128xf32, #tpu.memory_space<vmem>>, vector<1x1x16xf32>,
        %get3A_1087 = vector.shape_cast %get3A_1086 : vector<1x1x16xf32> to vector<16xf32>
        %add3A_1088 = arith.constant 16 : i32
        %add3A_1089 = arith.addi %mul3A_473, %add3A_1088 : i32
        %get3A_1090 = arith.index_cast %rem3A_289 : i32 to index
        %get3A_1091 = arith.index_cast %add3A_1089 : i32 to index
        %get3A_1092 = arith.constant 48 : index
        %get3A_1093 = tpu.vector_load %arg6[%get3A_1090, %get3A_1091, %get3A_1092] {strides = array<i32>} : memref<2x320x128xf32, #tpu.memory_space<vmem>>, vector<1x1x16xf32>,
        %get3A_1094 = vector.shape_cast %get3A_1093 : vector<1x1x16xf32> to vector<16xf32>
        %add3A_1095 = arith.constant 17 : i32
        %add3A_1096 = arith.addi %mul3A_473, %add3A_1095 : i32
        %get3A_1097 = arith.index_cast %rem3A_289 : i32 to index
        %get3A_1098 = arith.index_cast %add3A_1096 : i32 to index
        %get3A_1099 = arith.constant 48 : index
        %get3A_1100 = tpu.vector_load %arg6[%get3A_1097, %get3A_1098, %get3A_1099] {strides = array<i32>} : memref<2x320x128xf32, #tpu.memory_space<vmem>>, vector<1x1x16xf32>,
        %get3A_1101 = vector.shape_cast %get3A_1100 : vector<1x1x16xf32> to vector<16xf32>
        %add3A_1102 = arith.constant 18 : i32
        %add3A_1103 = arith.addi %mul3A_473, %add3A_1102 : i32
        %get3A_1104 = arith.index_cast %rem3A_289 : i32 to index
        %get3A_1105 = arith.index_cast %add3A_1103 : i32 to index
        %get3A_1106 = arith.constant 48 : index
        %get3A_1107 = tpu.vector_load %arg6[%get3A_1104, %get3A_1105, %get3A_1106] {strides = array<i32>} : memref<2x320x128xf32, #tpu.memory_space<vmem>>, vector<1x1x16xf32>,
        %get3A_1108 = vector.shape_cast %get3A_1107 : vector<1x1x16xf32> to vector<16xf32>
        %add3A_1109 = arith.constant 19 : i32
        %add3A_1110 = arith.addi %mul3A_473, %add3A_1109 : i32
        %get3A_1111 = arith.index_cast %rem3A_289 : i32 to index
        %get3A_1112 = arith.index_cast %add3A_1110 : i32 to index
        %get3A_1113 = arith.constant 48 : index
        %get3A_1114 = tpu.vector_load %arg6[%get3A_1111, %get3A_1112, %get3A_1113] {strides = array<i32>} : memref<2x320x128xf32, #tpu.memory_space<vmem>>, vector<1x1x16xf32>,
        %get3A_1115 = vector.shape_cast %get3A_1114 : vector<1x1x16xf32> to vector<16xf32>
        %add3A_1116 = arith.addf %get3A_982, %get3A_989 : vector<16xf32>
        %add3A_1117 = arith.addf %get3A_996, %get3A_1003 : vector<16xf32>
        %add3A_1118 = arith.addf %get3A_1010, %get3A_1017 : vector<16xf32>
        %add3A_1119 = arith.addf %get3A_1024, %get3A_1031 : vector<16xf32>
        %add3A_1120 = arith.addf %get3A_1038, %get3A_1045 : vector<16xf32>
        %add3A_1121 = arith.addf %get3A_1052, %get3A_1059 : vector<16xf32>
        %add3A_1122 = arith.addf %get3A_1066, %get3A_1073 : vector<16xf32>
        %add3A_1123 = arith.addf %get3A_1080, %get3A_1087 : vector<16xf32>
        %add3A_1124 = arith.addf %get3A_1094, %get3A_1101 : vector<16xf32>
        %add3A_1125 = arith.addf %get3A_1108, %get3A_1115 : vector<16xf32>
        %add3A_1126 = arith.addf %add3A_1116, %add3A_1117 : vector<16xf32>
        %add3A_1127 = arith.addf %add3A_1118, %add3A_1119 : vector<16xf32>
        %add3A_1128 = arith.addf %add3A_1120, %add3A_1121 : vector<16xf32>
        %add3A_1129 = arith.addf %add3A_1122, %add3A_1123 : vector<16xf32>
        %add3A_1130 = arith.addf %add3A_1124, %add3A_1125 : vector<16xf32>
        %add3A_1131 = arith.addf %add3A_1126, %add3A_1127 : vector<16xf32>
        %add3A_1132 = arith.addf %add3A_1128, %add3A_1129 : vector<16xf32>
        %add3A_1133 = arith.addf %add3A_1131, %add3A_1132 : vector<16xf32>
        %add3A_1134 = arith.addf %add3A_1133, %add3A_1130 : vector<16xf32>
        %mul3A_1135 = arith.constant 5.000000e-02 : f32
        %mul3A_1136 = vector.broadcast %mul3A_1135 : f32 to vector<16xf32>
        %mul3A_1137 = arith.mulf %add3A_1134, %mul3A_1136 : vector<16xf32>
        %swap3A_1138 = arith.index_cast %scan3A_287 : i32 to index
        %swap3A_1139 = arith.index_cast %scan3A_470 : i32 to index
        %swap3A_1140 = arith.constant 48 : index
        %swap3A_1141 = tpu.vector_load %arg7[%swap3A_1138, %swap3A_1139, %swap3A_1140] {strides = array<i32>} : memref<8x16x128xf32, #tpu.memory_space<vmem>>, vector<1x1x16xf32>,
        %swap3A_1142 = vector.shape_cast %swap3A_1141 : vector<1x1x16xf32> to vector<16xf32>
        %swap3A_1143 = vector.shape_cast %mul3A_1137 : vector<16xf32> to vector<1x1x16xf32>
        tpu.vector_store %arg7[%swap3A_1138, %swap3A_1139, %swap3A_1140], %swap3A_1143 {strides = array<i32>} : memref<8x16x128xf32, #tpu.memory_space<vmem>>, vector<1x1x16xf32>,
        %add3A_1144 = arith.constant 0 : i32
        %add3A_1145 = arith.addi %mul3A_473, %add3A_1144 : i32
        %get3A_1146 = arith.index_cast %rem3A_289 : i32 to index
        %get3A_1147 = arith.index_cast %add3A_1145 : i32 to index
        %get3A_1148 = arith.constant 64 : index
        %get3A_1149 = tpu.vector_load %arg6[%get3A_1146, %get3A_1147, %get3A_1148] {strides = array<i32>} : memref<2x320x128xf32, #tpu.memory_space<vmem>>, vector<1x1x16xf32>,
        %get3A_1150 = vector.shape_cast %get3A_1149 : vector<1x1x16xf32> to vector<16xf32>
        %add3A_1151 = arith.constant 1 : i32
        %add3A_1152 = arith.addi %mul3A_473, %add3A_1151 : i32
        %get3A_1153 = arith.index_cast %rem3A_289 : i32 to index
        %get3A_1154 = arith.index_cast %add3A_1152 : i32 to index
        %get3A_1155 = arith.constant 64 : index
        %get3A_1156 = tpu.vector_load %arg6[%get3A_1153, %get3A_1154, %get3A_1155] {strides = array<i32>} : memref<2x320x128xf32, #tpu.memory_space<vmem>>, vector<1x1x16xf32>,
        %get3A_1157 = vector.shape_cast %get3A_1156 : vector<1x1x16xf32> to vector<16xf32>
        %add3A_1158 = arith.constant 2 : i32
        %add3A_1159 = arith.addi %mul3A_473, %add3A_1158 : i32
        %get3A_1160 = arith.index_cast %rem3A_289 : i32 to index
        %get3A_1161 = arith.index_cast %add3A_1159 : i32 to index
        %get3A_1162 = arith.constant 64 : index
        %get3A_1163 = tpu.vector_load %arg6[%get3A_1160, %get3A_1161, %get3A_1162] {strides = array<i32>} : memref<2x320x128xf32, #tpu.memory_space<vmem>>, vector<1x1x16xf32>,
        %get3A_1164 = vector.shape_cast %get3A_1163 : vector<1x1x16xf32> to vector<16xf32>
        %add3A_1165 = arith.constant 3 : i32
        %add3A_1166 = arith.addi %mul3A_473, %add3A_1165 : i32
        %get3A_1167 = arith.index_cast %rem3A_289 : i32 to index
        %get3A_1168 = arith.index_cast %add3A_1166 : i32 to index
        %get3A_1169 = arith.constant 64 : index
        %get3A_1170 = tpu.vector_load %arg6[%get3A_1167, %get3A_1168, %get3A_1169] {strides = array<i32>} : memref<2x320x128xf32, #tpu.memory_space<vmem>>, vector<1x1x16xf32>,
        %get3A_1171 = vector.shape_cast %get3A_1170 : vector<1x1x16xf32> to vector<16xf32>
        %add3A_1172 = arith.constant 4 : i32
        %add3A_1173 = arith.addi %mul3A_473, %add3A_1172 : i32
        %get3A_1174 = arith.index_cast %rem3A_289 : i32 to index
        %get3A_1175 = arith.index_cast %add3A_1173 : i32 to index
        %get3A_1176 = arith.constant 64 : index
        %get3A_1177 = tpu.vector_load %arg6[%get3A_1174, %get3A_1175, %get3A_1176] {strides = array<i32>} : memref<2x320x128xf32, #tpu.memory_space<vmem>>, vector<1x1x16xf32>,
        %get3A_1178 = vector.shape_cast %get3A_1177 : vector<1x1x16xf32> to vector<16xf32>
        %add3A_1179 = arith.constant 5 : i32
        %add3A_1180 = arith.addi %mul3A_473, %add3A_1179 : i32
        %get3A_1181 = arith.index_cast %rem3A_289 : i32 to index
        %get3A_1182 = arith.index_cast %add3A_1180 : i32 to index
        %get3A_1183 = arith.constant 64 : index
        %get3A_1184 = tpu.vector_load %arg6[%get3A_1181, %get3A_1182, %get3A_1183] {strides = array<i32>} : memref<2x320x128xf32, #tpu.memory_space<vmem>>, vector<1x1x16xf32>,
        %get3A_1185 = vector.shape_cast %get3A_1184 : vector<1x1x16xf32> to vector<16xf32>
        %add3A_1186 = arith.constant 6 : i32
        %add3A_1187 = arith.addi %mul3A_473, %add3A_1186 : i32
        %get3A_1188 = arith.index_cast %rem3A_289 : i32 to index
        %get3A_1189 = arith.index_cast %add3A_1187 : i32 to index
        %get3A_1190 = arith.constant 64 : index
        %get3A_1191 = tpu.vector_load %arg6[%get3A_1188, %get3A_1189, %get3A_1190] {strides = array<i32>} : memref<2x320x128xf32, #tpu.memory_space<vmem>>, vector<1x1x16xf32>,
        %get3A_1192 = vector.shape_cast %get3A_1191 : vector<1x1x16xf32> to vector<16xf32>
        %add3A_1193 = arith.constant 7 : i32
        %add3A_1194 = arith.addi %mul3A_473, %add3A_1193 : i32
        %get3A_1195 = arith.index_cast %rem3A_289 : i32 to index
        %get3A_1196 = arith.index_cast %add3A_1194 : i32 to index
        %get3A_1197 = arith.constant 64 : index
        %get3A_1198 = tpu.vector_load %arg6[%get3A_1195, %get3A_1196, %get3A_1197] {strides = array<i32>} : memref<2x320x128xf32, #tpu.memory_space<vmem>>, vector<1x1x16xf32>,
        %get3A_1199 = vector.shape_cast %get3A_1198 : vector<1x1x16xf32> to vector<16xf32>
        %add3A_1200 = arith.constant 8 : i32
        %add3A_1201 = arith.addi %mul3A_473, %add3A_1200 : i32
        %get3A_1202 = arith.index_cast %rem3A_289 : i32 to index
        %get3A_1203 = arith.index_cast %add3A_1201 : i32 to index
        %get3A_1204 = arith.constant 64 : index
        %get3A_1205 = tpu.vector_load %arg6[%get3A_1202, %get3A_1203, %get3A_1204] {strides = array<i32>} : memref<2x320x128xf32, #tpu.memory_space<vmem>>, vector<1x1x16xf32>,
        %get3A_1206 = vector.shape_cast %get3A_1205 : vector<1x1x16xf32> to vector<16xf32>
        %add3A_1207 = arith.constant 9 : i32
        %add3A_1208 = arith.addi %mul3A_473, %add3A_1207 : i32
        %get3A_1209 = arith.index_cast %rem3A_289 : i32 to index
        %get3A_1210 = arith.index_cast %add3A_1208 : i32 to index
        %get3A_1211 = arith.constant 64 : index
        %get3A_1212 = tpu.vector_load %arg6[%get3A_1209, %get3A_1210, %get3A_1211] {strides = array<i32>} : memref<2x320x128xf32, #tpu.memory_space<vmem>>, vector<1x1x16xf32>,
        %get3A_1213 = vector.shape_cast %get3A_1212 : vector<1x1x16xf32> to vector<16xf32>
        %add3A_1214 = arith.constant 10 : i32
        %add3A_1215 = arith.addi %mul3A_473, %add3A_1214 : i32
        %get3A_1216 = arith.index_cast %rem3A_289 : i32 to index
        %get3A_1217 = arith.index_cast %add3A_1215 : i32 to index
        %get3A_1218 = arith.constant 64 : index
        %get3A_1219 = tpu.vector_load %arg6[%get3A_1216, %get3A_1217, %get3A_1218] {strides = array<i32>} : memref<2x320x128xf32, #tpu.memory_space<vmem>>, vector<1x1x16xf32>,
        %get3A_1220 = vector.shape_cast %get3A_1219 : vector<1x1x16xf32> to vector<16xf32>
        %add3A_1221 = arith.constant 11 : i32
        %add3A_1222 = arith.addi %mul3A_473, %add3A_1221 : i32
        %get3A_1223 = arith.index_cast %rem3A_289 : i32 to index
        %get3A_1224 = arith.index_cast %add3A_1222 : i32 to index
        %get3A_1225 = arith.constant 64 : index
        %get3A_1226 = tpu.vector_load %arg6[%get3A_1223, %get3A_1224, %get3A_1225] {strides = array<i32>} : memref<2x320x128xf32, #tpu.memory_space<vmem>>, vector<1x1x16xf32>,
        %get3A_1227 = vector.shape_cast %get3A_1226 : vector<1x1x16xf32> to vector<16xf32>
        %add3A_1228 = arith.constant 12 : i32
        %add3A_1229 = arith.addi %mul3A_473, %add3A_1228 : i32
        %get3A_1230 = arith.index_cast %rem3A_289 : i32 to index
        %get3A_1231 = arith.index_cast %add3A_1229 : i32 to index
        %get3A_1232 = arith.constant 64 : index
        %get3A_1233 = tpu.vector_load %arg6[%get3A_1230, %get3A_1231, %get3A_1232] {strides = array<i32>} : memref<2x320x128xf32, #tpu.memory_space<vmem>>, vector<1x1x16xf32>,
        %get3A_1234 = vector.shape_cast %get3A_1233 : vector<1x1x16xf32> to vector<16xf32>
        %add3A_1235 = arith.constant 13 : i32
        %add3A_1236 = arith.addi %mul3A_473, %add3A_1235 : i32
        %get3A_1237 = arith.index_cast %rem3A_289 : i32 to index
        %get3A_1238 = arith.index_cast %add3A_1236 : i32 to index
        %get3A_1239 = arith.constant 64 : index
        %get3A_1240 = tpu.vector_load %arg6[%get3A_1237, %get3A_1238, %get3A_1239] {strides = array<i32>} : memref<2x320x128xf32, #tpu.memory_space<vmem>>, vector<1x1x16xf32>,
        %get3A_1241 = vector.shape_cast %get3A_1240 : vector<1x1x16xf32> to vector<16xf32>
        %add3A_1242 = arith.constant 14 : i32
        %add3A_1243 = arith.addi %mul3A_473, %add3A_1242 : i32
        %get3A_1244 = arith.index_cast %rem3A_289 : i32 to index
        %get3A_1245 = arith.index_cast %add3A_1243 : i32 to index
        %get3A_1246 = arith.constant 64 : index
        %get3A_1247 = tpu.vector_load %arg6[%get3A_1244, %get3A_1245, %get3A_1246] {strides = array<i32>} : memref<2x320x128xf32, #tpu.memory_space<vmem>>, vector<1x1x16xf32>,
        %get3A_1248 = vector.shape_cast %get3A_1247 : vector<1x1x16xf32> to vector<16xf32>
        %add3A_1249 = arith.constant 15 : i32
        %add3A_1250 = arith.addi %mul3A_473, %add3A_1249 : i32
        %get3A_1251 = arith.index_cast %rem3A_289 : i32 to index
        %get3A_1252 = arith.index_cast %add3A_1250 : i32 to index
        %get3A_1253 = arith.constant 64 : index
        %get3A_1254 = tpu.vector_load %arg6[%get3A_1251, %get3A_1252, %get3A_1253] {strides = array<i32>} : memref<2x320x128xf32, #tpu.memory_space<vmem>>, vector<1x1x16xf32>,
        %get3A_1255 = vector.shape_cast %get3A_1254 : vector<1x1x16xf32> to vector<16xf32>
        %add3A_1256 = arith.constant 16 : i32
        %add3A_1257 = arith.addi %mul3A_473, %add3A_1256 : i32
        %get3A_1258 = arith.index_cast %rem3A_289 : i32 to index
        %get3A_1259 = arith.index_cast %add3A_1257 : i32 to index
        %get3A_1260 = arith.constant 64 : index
        %get3A_1261 = tpu.vector_load %arg6[%get3A_1258, %get3A_1259, %get3A_1260] {strides = array<i32>} : memref<2x320x128xf32, #tpu.memory_space<vmem>>, vector<1x1x16xf32>,
        %get3A_1262 = vector.shape_cast %get3A_1261 : vector<1x1x16xf32> to vector<16xf32>
        %add3A_1263 = arith.constant 17 : i32
        %add3A_1264 = arith.addi %mul3A_473, %add3A_1263 : i32
        %get3A_1265 = arith.index_cast %rem3A_289 : i32 to index
        %get3A_1266 = arith.index_cast %add3A_1264 : i32 to index
        %get3A_1267 = arith.constant 64 : index
        %get3A_1268 = tpu.vector_load %arg6[%get3A_1265, %get3A_1266, %get3A_1267] {strides = array<i32>} : memref<2x320x128xf32, #tpu.memory_space<vmem>>, vector<1x1x16xf32>,
        %get3A_1269 = vector.shape_cast %get3A_1268 : vector<1x1x16xf32> to vector<16xf32>
        %add3A_1270 = arith.constant 18 : i32
        %add3A_1271 = arith.addi %mul3A_473, %add3A_1270 : i32
        %get3A_1272 = arith.index_cast %rem3A_289 : i32 to index
        %get3A_1273 = arith.index_cast %add3A_1271 : i32 to index
        %get3A_1274 = arith.constant 64 : index
        %get3A_1275 = tpu.vector_load %arg6[%get3A_1272, %get3A_1273, %get3A_1274] {strides = array<i32>} : memref<2x320x128xf32, #tpu.memory_space<vmem>>, vector<1x1x16xf32>,
        %get3A_1276 = vector.shape_cast %get3A_1275 : vector<1x1x16xf32> to vector<16xf32>
        %add3A_1277 = arith.constant 19 : i32
        %add3A_1278 = arith.addi %mul3A_473, %add3A_1277 : i32
        %get3A_1279 = arith.index_cast %rem3A_289 : i32 to index
        %get3A_1280 = arith.index_cast %add3A_1278 : i32 to index
        %get3A_1281 = arith.constant 64 : index
        %get3A_1282 = tpu.vector_load %arg6[%get3A_1279, %get3A_1280, %get3A_1281] {strides = array<i32>} : memref<2x320x128xf32, #tpu.memory_space<vmem>>, vector<1x1x16xf32>,
        %get3A_1283 = vector.shape_cast %get3A_1282 : vector<1x1x16xf32> to vector<16xf32>
        %add3A_1284 = arith.addf %get3A_1150, %get3A_1157 : vector<16xf32>
        %add3A_1285 = arith.addf %get3A_1164, %get3A_1171 : vector<16xf32>
        %add3A_1286 = arith.addf %get3A_1178, %get3A_1185 : vector<16xf32>
        %add3A_1287 = arith.addf %get3A_1192, %get3A_1199 : vector<16xf32>
        %add3A_1288 = arith.addf %get3A_1206, %get3A_1213 : vector<16xf32>
        %add3A_1289 = arith.addf %get3A_1220, %get3A_1227 : vector<16xf32>
        %add3A_1290 = arith.addf %get3A_1234, %get3A_1241 : vector<16xf32>
        %add3A_1291 = arith.addf %get3A_1248, %get3A_1255 : vector<16xf32>
        %add3A_1292 = arith.addf %get3A_1262, %get3A_1269 : vector<16xf32>
        %add3A_1293 = arith.addf %get3A_1276, %get3A_1283 : vector<16xf32>
        %add3A_1294 = arith.addf %add3A_1284, %add3A_1285 : vector<16xf32>
        %add3A_1295 = arith.addf %add3A_1286, %add3A_1287 : vector<16xf32>
        %add3A_1296 = arith.addf %add3A_1288, %add3A_1289 : vector<16xf32>
        %add3A_1297 = arith.addf %add3A_1290, %add3A_1291 : vector<16xf32>
        %add3A_1298 = arith.addf %add3A_1292, %add3A_1293 : vector<16xf32>
        %add3A_1299 = arith.addf %add3A_1294, %add3A_1295 : vector<16xf32>
        %add3A_1300 = arith.addf %add3A_1296, %add3A_1297 : vector<16xf32>
        %add3A_1301 = arith.addf %add3A_1299, %add3A_1300 : vector<16xf32>
        %add3A_1302 = arith.addf %add3A_1301, %add3A_1298 : vector<16xf32>
        %mul3A_1303 = arith.constant 5.000000e-02 : f32
        %mul3A_1304 = vector.broadcast %mul3A_1303 : f32 to vector<16xf32>
        %mul3A_1305 = arith.mulf %add3A_1302, %mul3A_1304 : vector<16xf32>
        %swap3A_1306 = arith.index_cast %scan3A_287 : i32 to index
        %swap3A_1307 = arith.index_cast %scan3A_470 : i32 to index
        %swap3A_1308 = arith.constant 64 : index
        %swap3A_1309 = tpu.vector_load %arg7[%swap3A_1306, %swap3A_1307, %swap3A_1308] {strides = array<i32>} : memref<8x16x128xf32, #tpu.memory_space<vmem>>, vector<1x1x16xf32>,
        %swap3A_1310 = vector.shape_cast %swap3A_1309 : vector<1x1x16xf32> to vector<16xf32>
        %swap3A_1311 = vector.shape_cast %mul3A_1305 : vector<16xf32> to vector<1x1x16xf32>
        tpu.vector_store %arg7[%swap3A_1306, %swap3A_1307, %swap3A_1308], %swap3A_1311 {strides = array<i32>} : memref<8x16x128xf32, #tpu.memory_space<vmem>>, vector<1x1x16xf32>,
        %add3A_1312 = arith.constant 0 : i32
        %add3A_1313 = arith.addi %mul3A_473, %add3A_1312 : i32
        %get3A_1314 = arith.index_cast %rem3A_289 : i32 to index
        %get3A_1315 = arith.index_cast %add3A_1313 : i32 to index
        %get3A_1316 = arith.constant 80 : index
        %get3A_1317 = tpu.vector_load %arg6[%get3A_1314, %get3A_1315, %get3A_1316] {strides = array<i32>} : memref<2x320x128xf32, #tpu.memory_space<vmem>>, vector<1x1x16xf32>,
        %get3A_1318 = vector.shape_cast %get3A_1317 : vector<1x1x16xf32> to vector<16xf32>
        %add3A_1319 = arith.constant 1 : i32
        %add3A_1320 = arith.addi %mul3A_473, %add3A_1319 : i32
        %get3A_1321 = arith.index_cast %rem3A_289 : i32 to index
        %get3A_1322 = arith.index_cast %add3A_1320 : i32 to index
        %get3A_1323 = arith.constant 80 : index
        %get3A_1324 = tpu.vector_load %arg6[%get3A_1321, %get3A_1322, %get3A_1323] {strides = array<i32>} : memref<2x320x128xf32, #tpu.memory_space<vmem>>, vector<1x1x16xf32>,
        %get3A_1325 = vector.shape_cast %get3A_1324 : vector<1x1x16xf32> to vector<16xf32>
        %add3A_1326 = arith.constant 2 : i32
        %add3A_1327 = arith.addi %mul3A_473, %add3A_1326 : i32
        %get3A_1328 = arith.index_cast %rem3A_289 : i32 to index
        %get3A_1329 = arith.index_cast %add3A_1327 : i32 to index
        %get3A_1330 = arith.constant 80 : index
        %get3A_1331 = tpu.vector_load %arg6[%get3A_1328, %get3A_1329, %get3A_1330] {strides = array<i32>} : memref<2x320x128xf32, #tpu.memory_space<vmem>>, vector<1x1x16xf32>,
        %get3A_1332 = vector.shape_cast %get3A_1331 : vector<1x1x16xf32> to vector<16xf32>
        %add3A_1333 = arith.constant 3 : i32
        %add3A_1334 = arith.addi %mul3A_473, %add3A_1333 : i32
        %get3A_1335 = arith.index_cast %rem3A_289 : i32 to index
        %get3A_1336 = arith.index_cast %add3A_1334 : i32 to index
        %get3A_1337 = arith.constant 80 : index
        %get3A_1338 = tpu.vector_load %arg6[%get3A_1335, %get3A_1336, %get3A_1337] {strides = array<i32>} : memref<2x320x128xf32, #tpu.memory_space<vmem>>, vector<1x1x16xf32>,
        %get3A_1339 = vector.shape_cast %get3A_1338 : vector<1x1x16xf32> to vector<16xf32>
        %add3A_1340 = arith.constant 4 : i32
        %add3A_1341 = arith.addi %mul3A_473, %add3A_1340 : i32
        %get3A_1342 = arith.index_cast %rem3A_289 : i32 to index
        %get3A_1343 = arith.index_cast %add3A_1341 : i32 to index
        %get3A_1344 = arith.constant 80 : index
        %get3A_1345 = tpu.vector_load %arg6[%get3A_1342, %get3A_1343, %get3A_1344] {strides = array<i32>} : memref<2x320x128xf32, #tpu.memory_space<vmem>>, vector<1x1x16xf32>,
        %get3A_1346 = vector.shape_cast %get3A_1345 : vector<1x1x16xf32> to vector<16xf32>
        %add3A_1347 = arith.constant 5 : i32
        %add3A_1348 = arith.addi %mul3A_473, %add3A_1347 : i32
        %get3A_1349 = arith.index_cast %rem3A_289 : i32 to index
        %get3A_1350 = arith.index_cast %add3A_1348 : i32 to index
        %get3A_1351 = arith.constant 80 : index
        %get3A_1352 = tpu.vector_load %arg6[%get3A_1349, %get3A_1350, %get3A_1351] {strides = array<i32>} : memref<2x320x128xf32, #tpu.memory_space<vmem>>, vector<1x1x16xf32>,
        %get3A_1353 = vector.shape_cast %get3A_1352 : vector<1x1x16xf32> to vector<16xf32>
        %add3A_1354 = arith.constant 6 : i32
        %add3A_1355 = arith.addi %mul3A_473, %add3A_1354 : i32
        %get3A_1356 = arith.index_cast %rem3A_289 : i32 to index
        %get3A_1357 = arith.index_cast %add3A_1355 : i32 to index
        %get3A_1358 = arith.constant 80 : index
        %get3A_1359 = tpu.vector_load %arg6[%get3A_1356, %get3A_1357, %get3A_1358] {strides = array<i32>} : memref<2x320x128xf32, #tpu.memory_space<vmem>>, vector<1x1x16xf32>,
        %get3A_1360 = vector.shape_cast %get3A_1359 : vector<1x1x16xf32> to vector<16xf32>
        %add3A_1361 = arith.constant 7 : i32
        %add3A_1362 = arith.addi %mul3A_473, %add3A_1361 : i32
        %get3A_1363 = arith.index_cast %rem3A_289 : i32 to index
        %get3A_1364 = arith.index_cast %add3A_1362 : i32 to index
        %get3A_1365 = arith.constant 80 : index
        %get3A_1366 = tpu.vector_load %arg6[%get3A_1363, %get3A_1364, %get3A_1365] {strides = array<i32>} : memref<2x320x128xf32, #tpu.memory_space<vmem>>, vector<1x1x16xf32>,
        %get3A_1367 = vector.shape_cast %get3A_1366 : vector<1x1x16xf32> to vector<16xf32>
        %add3A_1368 = arith.constant 8 : i32
        %add3A_1369 = arith.addi %mul3A_473, %add3A_1368 : i32
        %get3A_1370 = arith.index_cast %rem3A_289 : i32 to index
        %get3A_1371 = arith.index_cast %add3A_1369 : i32 to index
        %get3A_1372 = arith.constant 80 : index
        %get3A_1373 = tpu.vector_load %arg6[%get3A_1370, %get3A_1371, %get3A_1372] {strides = array<i32>} : memref<2x320x128xf32, #tpu.memory_space<vmem>>, vector<1x1x16xf32>,
        %get3A_1374 = vector.shape_cast %get3A_1373 : vector<1x1x16xf32> to vector<16xf32>
        %add3A_1375 = arith.constant 9 : i32
        %add3A_1376 = arith.addi %mul3A_473, %add3A_1375 : i32
        %get3A_1377 = arith.index_cast %rem3A_289 : i32 to index
        %get3A_1378 = arith.index_cast %add3A_1376 : i32 to index
        %get3A_1379 = arith.constant 80 : index
        %get3A_1380 = tpu.vector_load %arg6[%get3A_1377, %get3A_1378, %get3A_1379] {strides = array<i32>} : memref<2x320x128xf32, #tpu.memory_space<vmem>>, vector<1x1x16xf32>,
        %get3A_1381 = vector.shape_cast %get3A_1380 : vector<1x1x16xf32> to vector<16xf32>
        %add3A_1382 = arith.constant 10 : i32
        %add3A_1383 = arith.addi %mul3A_473, %add3A_1382 : i32
        %get3A_1384 = arith.index_cast %rem3A_289 : i32 to index
        %get3A_1385 = arith.index_cast %add3A_1383 : i32 to index
        %get3A_1386 = arith.constant 80 : index
        %get3A_1387 = tpu.vector_load %arg6[%get3A_1384, %get3A_1385, %get3A_1386] {strides = array<i32>} : memref<2x320x128xf32, #tpu.memory_space<vmem>>, vector<1x1x16xf32>,
        %get3A_1388 = vector.shape_cast %get3A_1387 : vector<1x1x16xf32> to vector<16xf32>
        %add3A_1389 = arith.constant 11 : i32
        %add3A_1390 = arith.addi %mul3A_473, %add3A_1389 : i32
        %get3A_1391 = arith.index_cast %rem3A_289 : i32 to index
        %get3A_1392 = arith.index_cast %add3A_1390 : i32 to index
        %get3A_1393 = arith.constant 80 : index
        %get3A_1394 = tpu.vector_load %arg6[%get3A_1391, %get3A_1392, %get3A_1393] {strides = array<i32>} : memref<2x320x128xf32, #tpu.memory_space<vmem>>, vector<1x1x16xf32>,
        %get3A_1395 = vector.shape_cast %get3A_1394 : vector<1x1x16xf32> to vector<16xf32>
        %add3A_1396 = arith.constant 12 : i32
        %add3A_1397 = arith.addi %mul3A_473, %add3A_1396 : i32
        %get3A_1398 = arith.index_cast %rem3A_289 : i32 to index
        %get3A_1399 = arith.index_cast %add3A_1397 : i32 to index
        %get3A_1400 = arith.constant 80 : index
        %get3A_1401 = tpu.vector_load %arg6[%get3A_1398, %get3A_1399, %get3A_1400] {strides = array<i32>} : memref<2x320x128xf32, #tpu.memory_space<vmem>>, vector<1x1x16xf32>,
        %get3A_1402 = vector.shape_cast %get3A_1401 : vector<1x1x16xf32> to vector<16xf32>
        %add3A_1403 = arith.constant 13 : i32
        %add3A_1404 = arith.addi %mul3A_473, %add3A_1403 : i32
        %get3A_1405 = arith.index_cast %rem3A_289 : i32 to index
        %get3A_1406 = arith.index_cast %add3A_1404 : i32 to index
        %get3A_1407 = arith.constant 80 : index
        %get3A_1408 = tpu.vector_load %arg6[%get3A_1405, %get3A_1406, %get3A_1407] {strides = array<i32>} : memref<2x320x128xf32, #tpu.memory_space<vmem>>, vector<1x1x16xf32>,
        %get3A_1409 = vector.shape_cast %get3A_1408 : vector<1x1x16xf32> to vector<16xf32>
        %add3A_1410 = arith.constant 14 : i32
        %add3A_1411 = arith.addi %mul3A_473, %add3A_1410 : i32
        %get3A_1412 = arith.index_cast %rem3A_289 : i32 to index
        %get3A_1413 = arith.index_cast %add3A_1411 : i32 to index
        %get3A_1414 = arith.constant 80 : index
        %get3A_1415 = tpu.vector_load %arg6[%get3A_1412, %get3A_1413, %get3A_1414] {strides = array<i32>} : memref<2x320x128xf32, #tpu.memory_space<vmem>>, vector<1x1x16xf32>,
        %get3A_1416 = vector.shape_cast %get3A_1415 : vector<1x1x16xf32> to vector<16xf32>
        %add3A_1417 = arith.constant 15 : i32
        %add3A_1418 = arith.addi %mul3A_473, %add3A_1417 : i32
        %get3A_1419 = arith.index_cast %rem3A_289 : i32 to index
        %get3A_1420 = arith.index_cast %add3A_1418 : i32 to index
        %get3A_1421 = arith.constant 80 : index
        %get3A_1422 = tpu.vector_load %arg6[%get3A_1419, %get3A_1420, %get3A_1421] {strides = array<i32>} : memref<2x320x128xf32, #tpu.memory_space<vmem>>, vector<1x1x16xf32>,
        %get3A_1423 = vector.shape_cast %get3A_1422 : vector<1x1x16xf32> to vector<16xf32>
        %add3A_1424 = arith.constant 16 : i32
        %add3A_1425 = arith.addi %mul3A_473, %add3A_1424 : i32
        %get3A_1426 = arith.index_cast %rem3A_289 : i32 to index
        %get3A_1427 = arith.index_cast %add3A_1425 : i32 to index
        %get3A_1428 = arith.constant 80 : index
        %get3A_1429 = tpu.vector_load %arg6[%get3A_1426, %get3A_1427, %get3A_1428] {strides = array<i32>} : memref<2x320x128xf32, #tpu.memory_space<vmem>>, vector<1x1x16xf32>,
        %get3A_1430 = vector.shape_cast %get3A_1429 : vector<1x1x16xf32> to vector<16xf32>
        %add3A_1431 = arith.constant 17 : i32
        %add3A_1432 = arith.addi %mul3A_473, %add3A_1431 : i32
        %get3A_1433 = arith.index_cast %rem3A_289 : i32 to index
        %get3A_1434 = arith.index_cast %add3A_1432 : i32 to index
        %get3A_1435 = arith.constant 80 : index
        %get3A_1436 = tpu.vector_load %arg6[%get3A_1433, %get3A_1434, %get3A_1435] {strides = array<i32>} : memref<2x320x128xf32, #tpu.memory_space<vmem>>, vector<1x1x16xf32>,
        %get3A_1437 = vector.shape_cast %get3A_1436 : vector<1x1x16xf32> to vector<16xf32>
        %add3A_1438 = arith.constant 18 : i32
        %add3A_1439 = arith.addi %mul3A_473, %add3A_1438 : i32
        %get3A_1440 = arith.index_cast %rem3A_289 : i32 to index
        %get3A_1441 = arith.index_cast %add3A_1439 : i32 to index
        %get3A_1442 = arith.constant 80 : index
        %get3A_1443 = tpu.vector_load %arg6[%get3A_1440, %get3A_1441, %get3A_1442] {strides = array<i32>} : memref<2x320x128xf32, #tpu.memory_space<vmem>>, vector<1x1x16xf32>,
        %get3A_1444 = vector.shape_cast %get3A_1443 : vector<1x1x16xf32> to vector<16xf32>
        %add3A_1445 = arith.constant 19 : i32
        %add3A_1446 = arith.addi %mul3A_473, %add3A_1445 : i32
        %get3A_1447 = arith.index_cast %rem3A_289 : i32 to index
        %get3A_1448 = arith.index_cast %add3A_1446 : i32 to index
        %get3A_1449 = arith.constant 80 : index
        %get3A_1450 = tpu.vector_load %arg6[%get3A_1447, %get3A_1448, %get3A_1449] {strides = array<i32>} : memref<2x320x128xf32, #tpu.memory_space<vmem>>, vector<1x1x16xf32>,
        %get3A_1451 = vector.shape_cast %get3A_1450 : vector<1x1x16xf32> to vector<16xf32>
        %add3A_1452 = arith.addf %get3A_1318, %get3A_1325 : vector<16xf32>
        %add3A_1453 = arith.addf %get3A_1332, %get3A_1339 : vector<16xf32>
        %add3A_1454 = arith.addf %get3A_1346, %get3A_1353 : vector<16xf32>
        %add3A_1455 = arith.addf %get3A_1360, %get3A_1367 : vector<16xf32>
        %add3A_1456 = arith.addf %get3A_1374, %get3A_1381 : vector<16xf32>
        %add3A_1457 = arith.addf %get3A_1388, %get3A_1395 : vector<16xf32>
        %add3A_1458 = arith.addf %get3A_1402, %get3A_1409 : vector<16xf32>
        %add3A_1459 = arith.addf %get3A_1416, %get3A_1423 : vector<16xf32>
        %add3A_1460 = arith.addf %get3A_1430, %get3A_1437 : vector<16xf32>
        %add3A_1461 = arith.addf %get3A_1444, %get3A_1451 : vector<16xf32>
        %add3A_1462 = arith.addf %add3A_1452, %add3A_1453 : vector<16xf32>
        %add3A_1463 = arith.addf %add3A_1454, %add3A_1455 : vector<16xf32>
        %add3A_1464 = arith.addf %add3A_1456, %add3A_1457 : vector<16xf32>
        %add3A_1465 = arith.addf %add3A_1458, %add3A_1459 : vector<16xf32>
        %add3A_1466 = arith.addf %add3A_1460, %add3A_1461 : vector<16xf32>
        %add3A_1467 = arith.addf %add3A_1462, %add3A_1463 : vector<16xf32>
        %add3A_1468 = arith.addf %add3A_1464, %add3A_1465 : vector<16xf32>
        %add3A_1469 = arith.addf %add3A_1467, %add3A_1468 : vector<16xf32>
        %add3A_1470 = arith.addf %add3A_1469, %add3A_1466 : vector<16xf32>
        %mul3A_1471 = arith.constant 5.000000e-02 : f32
        %mul3A_1472 = vector.broadcast %mul3A_1471 : f32 to vector<16xf32>
        %mul3A_1473 = arith.mulf %add3A_1470, %mul3A_1472 : vector<16xf32>
        %swap3A_1474 = arith.index_cast %scan3A_287 : i32 to index
        %swap3A_1475 = arith.index_cast %scan3A_470 : i32 to index
        %swap3A_1476 = arith.constant 80 : index
        %swap3A_1477 = tpu.vector_load %arg7[%swap3A_1474, %swap3A_1475, %swap3A_1476] {strides = array<i32>} : memref<8x16x128xf32, #tpu.memory_space<vmem>>, vector<1x1x16xf32>,
        %swap3A_1478 = vector.shape_cast %swap3A_1477 : vector<1x1x16xf32> to vector<16xf32>
        %swap3A_1479 = vector.shape_cast %mul3A_1473 : vector<16xf32> to vector<1x1x16xf32>
        tpu.vector_store %arg7[%swap3A_1474, %swap3A_1475, %swap3A_1476], %swap3A_1479 {strides = array<i32>} : memref<8x16x128xf32, #tpu.memory_space<vmem>>, vector<1x1x16xf32>,
        %add3A_1480 = arith.constant 0 : i32
        %add3A_1481 = arith.addi %mul3A_473, %add3A_1480 : i32
        %get3A_1482 = arith.index_cast %rem3A_289 : i32 to index
        %get3A_1483 = arith.index_cast %add3A_1481 : i32 to index
        %get3A_1484 = arith.constant 96 : index
        %get3A_1485 = tpu.vector_load %arg6[%get3A_1482, %get3A_1483, %get3A_1484] {strides = array<i32>} : memref<2x320x128xf32, #tpu.memory_space<vmem>>, vector<1x1x16xf32>,
        %get3A_1486 = vector.shape_cast %get3A_1485 : vector<1x1x16xf32> to vector<16xf32>
        %add3A_1487 = arith.constant 1 : i32
        %add3A_1488 = arith.addi %mul3A_473, %add3A_1487 : i32
        %get3A_1489 = arith.index_cast %rem3A_289 : i32 to index
        %get3A_1490 = arith.index_cast %add3A_1488 : i32 to index
        %get3A_1491 = arith.constant 96 : index
        %get3A_1492 = tpu.vector_load %arg6[%get3A_1489, %get3A_1490, %get3A_1491] {strides = array<i32>} : memref<2x320x128xf32, #tpu.memory_space<vmem>>, vector<1x1x16xf32>,
        %get3A_1493 = vector.shape_cast %get3A_1492 : vector<1x1x16xf32> to vector<16xf32>
        %add3A_1494 = arith.constant 2 : i32
        %add3A_1495 = arith.addi %mul3A_473, %add3A_1494 : i32
        %get3A_1496 = arith.index_cast %rem3A_289 : i32 to index
        %get3A_1497 = arith.index_cast %add3A_1495 : i32 to index
        %get3A_1498 = arith.constant 96 : index
        %get3A_1499 = tpu.vector_load %arg6[%get3A_1496, %get3A_1497, %get3A_1498] {strides = array<i32>} : memref<2x320x128xf32, #tpu.memory_space<vmem>>, vector<1x1x16xf32>,
        %get3A_1500 = vector.shape_cast %get3A_1499 : vector<1x1x16xf32> to vector<16xf32>
        %add3A_1501 = arith.constant 3 : i32
        %add3A_1502 = arith.addi %mul3A_473, %add3A_1501 : i32
        %get3A_1503 = arith.index_cast %rem3A_289 : i32 to index
        %get3A_1504 = arith.index_cast %add3A_1502 : i32 to index
        %get3A_1505 = arith.constant 96 : index
        %get3A_1506 = tpu.vector_load %arg6[%get3A_1503, %get3A_1504, %get3A_1505] {strides = array<i32>} : memref<2x320x128xf32, #tpu.memory_space<vmem>>, vector<1x1x16xf32>,
        %get3A_1507 = vector.shape_cast %get3A_1506 : vector<1x1x16xf32> to vector<16xf32>
        %add3A_1508 = arith.constant 4 : i32
        %add3A_1509 = arith.addi %mul3A_473, %add3A_1508 : i32
        %get3A_1510 = arith.index_cast %rem3A_289 : i32 to index
        %get3A_1511 = arith.index_cast %add3A_1509 : i32 to index
        %get3A_1512 = arith.constant 96 : index
        %get3A_1513 = tpu.vector_load %arg6[%get3A_1510, %get3A_1511, %get3A_1512] {strides = array<i32>} : memref<2x320x128xf32, #tpu.memory_space<vmem>>, vector<1x1x16xf32>,
        %get3A_1514 = vector.shape_cast %get3A_1513 : vector<1x1x16xf32> to vector<16xf32>
        %add3A_1515 = arith.constant 5 : i32
        %add3A_1516 = arith.addi %mul3A_473, %add3A_1515 : i32
        %get3A_1517 = arith.index_cast %rem3A_289 : i32 to index
        %get3A_1518 = arith.index_cast %add3A_1516 : i32 to index
        %get3A_1519 = arith.constant 96 : index
        %get3A_1520 = tpu.vector_load %arg6[%get3A_1517, %get3A_1518, %get3A_1519] {strides = array<i32>} : memref<2x320x128xf32, #tpu.memory_space<vmem>>, vector<1x1x16xf32>,
        %get3A_1521 = vector.shape_cast %get3A_1520 : vector<1x1x16xf32> to vector<16xf32>
        %add3A_1522 = arith.constant 6 : i32
        %add3A_1523 = arith.addi %mul3A_473, %add3A_1522 : i32
        %get3A_1524 = arith.index_cast %rem3A_289 : i32 to index
        %get3A_1525 = arith.index_cast %add3A_1523 : i32 to index
        %get3A_1526 = arith.constant 96 : index
        %get3A_1527 = tpu.vector_load %arg6[%get3A_1524, %get3A_1525, %get3A_1526] {strides = array<i32>} : memref<2x320x128xf32, #tpu.memory_space<vmem>>, vector<1x1x16xf32>,
        %get3A_1528 = vector.shape_cast %get3A_1527 : vector<1x1x16xf32> to vector<16xf32>
        %add3A_1529 = arith.constant 7 : i32
        %add3A_1530 = arith.addi %mul3A_473, %add3A_1529 : i32
        %get3A_1531 = arith.index_cast %rem3A_289 : i32 to index
        %get3A_1532 = arith.index_cast %add3A_1530 : i32 to index
        %get3A_1533 = arith.constant 96 : index
        %get3A_1534 = tpu.vector_load %arg6[%get3A_1531, %get3A_1532, %get3A_1533] {strides = array<i32>} : memref<2x320x128xf32, #tpu.memory_space<vmem>>, vector<1x1x16xf32>,
        %get3A_1535 = vector.shape_cast %get3A_1534 : vector<1x1x16xf32> to vector<16xf32>
        %add3A_1536 = arith.constant 8 : i32
        %add3A_1537 = arith.addi %mul3A_473, %add3A_1536 : i32
        %get3A_1538 = arith.index_cast %rem3A_289 : i32 to index
        %get3A_1539 = arith.index_cast %add3A_1537 : i32 to index
        %get3A_1540 = arith.constant 96 : index
        %get3A_1541 = tpu.vector_load %arg6[%get3A_1538, %get3A_1539, %get3A_1540] {strides = array<i32>} : memref<2x320x128xf32, #tpu.memory_space<vmem>>, vector<1x1x16xf32>,
        %get3A_1542 = vector.shape_cast %get3A_1541 : vector<1x1x16xf32> to vector<16xf32>
        %add3A_1543 = arith.constant 9 : i32
        %add3A_1544 = arith.addi %mul3A_473, %add3A_1543 : i32
        %get3A_1545 = arith.index_cast %rem3A_289 : i32 to index
        %get3A_1546 = arith.index_cast %add3A_1544 : i32 to index
        %get3A_1547 = arith.constant 96 : index
        %get3A_1548 = tpu.vector_load %arg6[%get3A_1545, %get3A_1546, %get3A_1547] {strides = array<i32>} : memref<2x320x128xf32, #tpu.memory_space<vmem>>, vector<1x1x16xf32>,
        %get3A_1549 = vector.shape_cast %get3A_1548 : vector<1x1x16xf32> to vector<16xf32>
        %add3A_1550 = arith.constant 10 : i32
        %add3A_1551 = arith.addi %mul3A_473, %add3A_1550 : i32
        %get3A_1552 = arith.index_cast %rem3A_289 : i32 to index
        %get3A_1553 = arith.index_cast %add3A_1551 : i32 to index
        %get3A_1554 = arith.constant 96 : index
        %get3A_1555 = tpu.vector_load %arg6[%get3A_1552, %get3A_1553, %get3A_1554] {strides = array<i32>} : memref<2x320x128xf32, #tpu.memory_space<vmem>>, vector<1x1x16xf32>,
        %get3A_1556 = vector.shape_cast %get3A_1555 : vector<1x1x16xf32> to vector<16xf32>
        %add3A_1557 = arith.constant 11 : i32
        %add3A_1558 = arith.addi %mul3A_473, %add3A_1557 : i32
        %get3A_1559 = arith.index_cast %rem3A_289 : i32 to index
        %get3A_1560 = arith.index_cast %add3A_1558 : i32 to index
        %get3A_1561 = arith.constant 96 : index
        %get3A_1562 = tpu.vector_load %arg6[%get3A_1559, %get3A_1560, %get3A_1561] {strides = array<i32>} : memref<2x320x128xf32, #tpu.memory_space<vmem>>, vector<1x1x16xf32>,
        %get3A_1563 = vector.shape_cast %get3A_1562 : vector<1x1x16xf32> to vector<16xf32>
        %add3A_1564 = arith.constant 12 : i32
        %add3A_1565 = arith.addi %mul3A_473, %add3A_1564 : i32
        %get3A_1566 = arith.index_cast %rem3A_289 : i32 to index
        %get3A_1567 = arith.index_cast %add3A_1565 : i32 to index
        %get3A_1568 = arith.constant 96 : index
        %get3A_1569 = tpu.vector_load %arg6[%get3A_1566, %get3A_1567, %get3A_1568] {strides = array<i32>} : memref<2x320x128xf32, #tpu.memory_space<vmem>>, vector<1x1x16xf32>,
        %get3A_1570 = vector.shape_cast %get3A_1569 : vector<1x1x16xf32> to vector<16xf32>
        %add3A_1571 = arith.constant 13 : i32
        %add3A_1572 = arith.addi %mul3A_473, %add3A_1571 : i32
        %get3A_1573 = arith.index_cast %rem3A_289 : i32 to index
        %get3A_1574 = arith.index_cast %add3A_1572 : i32 to index
        %get3A_1575 = arith.constant 96 : index
        %get3A_1576 = tpu.vector_load %arg6[%get3A_1573, %get3A_1574, %get3A_1575] {strides = array<i32>} : memref<2x320x128xf32, #tpu.memory_space<vmem>>, vector<1x1x16xf32>,
        %get3A_1577 = vector.shape_cast %get3A_1576 : vector<1x1x16xf32> to vector<16xf32>
        %add3A_1578 = arith.constant 14 : i32
        %add3A_1579 = arith.addi %mul3A_473, %add3A_1578 : i32
        %get3A_1580 = arith.index_cast %rem3A_289 : i32 to index
        %get3A_1581 = arith.index_cast %add3A_1579 : i32 to index
        %get3A_1582 = arith.constant 96 : index
        %get3A_1583 = tpu.vector_load %arg6[%get3A_1580, %get3A_1581, %get3A_1582] {strides = array<i32>} : memref<2x320x128xf32, #tpu.memory_space<vmem>>, vector<1x1x16xf32>,
        %get3A_1584 = vector.shape_cast %get3A_1583 : vector<1x1x16xf32> to vector<16xf32>
        %add3A_1585 = arith.constant 15 : i32
        %add3A_1586 = arith.addi %mul3A_473, %add3A_1585 : i32
        %get3A_1587 = arith.index_cast %rem3A_289 : i32 to index
        %get3A_1588 = arith.index_cast %add3A_1586 : i32 to index
        %get3A_1589 = arith.constant 96 : index
        %get3A_1590 = tpu.vector_load %arg6[%get3A_1587, %get3A_1588, %get3A_1589] {strides = array<i32>} : memref<2x320x128xf32, #tpu.memory_space<vmem>>, vector<1x1x16xf32>,
        %get3A_1591 = vector.shape_cast %get3A_1590 : vector<1x1x16xf32> to vector<16xf32>
        %add3A_1592 = arith.constant 16 : i32
        %add3A_1593 = arith.addi %mul3A_473, %add3A_1592 : i32
        %get3A_1594 = arith.index_cast %rem3A_289 : i32 to index
        %get3A_1595 = arith.index_cast %add3A_1593 : i32 to index
        %get3A_1596 = arith.constant 96 : index
        %get3A_1597 = tpu.vector_load %arg6[%get3A_1594, %get3A_1595, %get3A_1596] {strides = array<i32>} : memref<2x320x128xf32, #tpu.memory_space<vmem>>, vector<1x1x16xf32>,
        %get3A_1598 = vector.shape_cast %get3A_1597 : vector<1x1x16xf32> to vector<16xf32>
        %add3A_1599 = arith.constant 17 : i32
        %add3A_1600 = arith.addi %mul3A_473, %add3A_1599 : i32
        %get3A_1601 = arith.index_cast %rem3A_289 : i32 to index
        %get3A_1602 = arith.index_cast %add3A_1600 : i32 to index
        %get3A_1603 = arith.constant 96 : index
        %get3A_1604 = tpu.vector_load %arg6[%get3A_1601, %get3A_1602, %get3A_1603] {strides = array<i32>} : memref<2x320x128xf32, #tpu.memory_space<vmem>>, vector<1x1x16xf32>,
        %get3A_1605 = vector.shape_cast %get3A_1604 : vector<1x1x16xf32> to vector<16xf32>
        %add3A_1606 = arith.constant 18 : i32
        %add3A_1607 = arith.addi %mul3A_473, %add3A_1606 : i32
        %get3A_1608 = arith.index_cast %rem3A_289 : i32 to index
        %get3A_1609 = arith.index_cast %add3A_1607 : i32 to index
        %get3A_1610 = arith.constant 96 : index
        %get3A_1611 = tpu.vector_load %arg6[%get3A_1608, %get3A_1609, %get3A_1610] {strides = array<i32>} : memref<2x320x128xf32, #tpu.memory_space<vmem>>, vector<1x1x16xf32>,
        %get3A_1612 = vector.shape_cast %get3A_1611 : vector<1x1x16xf32> to vector<16xf32>
        %add3A_1613 = arith.constant 19 : i32
        %add3A_1614 = arith.addi %mul3A_473, %add3A_1613 : i32
        %get3A_1615 = arith.index_cast %rem3A_289 : i32 to index
        %get3A_1616 = arith.index_cast %add3A_1614 : i32 to index
        %get3A_1617 = arith.constant 96 : index
        %get3A_1618 = tpu.vector_load %arg6[%get3A_1615, %get3A_1616, %get3A_1617] {strides = array<i32>} : memref<2x320x128xf32, #tpu.memory_space<vmem>>, vector<1x1x16xf32>,
        %get3A_1619 = vector.shape_cast %get3A_1618 : vector<1x1x16xf32> to vector<16xf32>
        %add3A_1620 = arith.addf %get3A_1486, %get3A_1493 : vector<16xf32>
        %add3A_1621 = arith.addf %get3A_1500, %get3A_1507 : vector<16xf32>
        %add3A_1622 = arith.addf %get3A_1514, %get3A_1521 : vector<16xf32>
        %add3A_1623 = arith.addf %get3A_1528, %get3A_1535 : vector<16xf32>
        %add3A_1624 = arith.addf %get3A_1542, %get3A_1549 : vector<16xf32>
        %add3A_1625 = arith.addf %get3A_1556, %get3A_1563 : vector<16xf32>
        %add3A_1626 = arith.addf %get3A_1570, %get3A_1577 : vector<16xf32>
        %add3A_1627 = arith.addf %get3A_1584, %get3A_1591 : vector<16xf32>
        %add3A_1628 = arith.addf %get3A_1598, %get3A_1605 : vector<16xf32>
        %add3A_1629 = arith.addf %get3A_1612, %get3A_1619 : vector<16xf32>
        %add3A_1630 = arith.addf %add3A_1620, %add3A_1621 : vector<16xf32>
        %add3A_1631 = arith.addf %add3A_1622, %add3A_1623 : vector<16xf32>
        %add3A_1632 = arith.addf %add3A_1624, %add3A_1625 : vector<16xf32>
        %add3A_1633 = arith.addf %add3A_1626, %add3A_1627 : vector<16xf32>
        %add3A_1634 = arith.addf %add3A_1628, %add3A_1629 : vector<16xf32>
        %add3A_1635 = arith.addf %add3A_1630, %add3A_1631 : vector<16xf32>
        %add3A_1636 = arith.addf %add3A_1632, %add3A_1633 : vector<16xf32>
        %add3A_1637 = arith.addf %add3A_1635, %add3A_1636 : vector<16xf32>
        %add3A_1638 = arith.addf %add3A_1637, %add3A_1634 : vector<16xf32>
        %mul3A_1639 = arith.constant 5.000000e-02 : f32
        %mul3A_1640 = vector.broadcast %mul3A_1639 : f32 to vector<16xf32>
        %mul3A_1641 = arith.mulf %add3A_1638, %mul3A_1640 : vector<16xf32>
        %swap3A_1642 = arith.index_cast %scan3A_287 : i32 to index
        %swap3A_1643 = arith.index_cast %scan3A_470 : i32 to index
        %swap3A_1644 = arith.constant 96 : index
        %swap3A_1645 = tpu.vector_load %arg7[%swap3A_1642, %swap3A_1643, %swap3A_1644] {strides = array<i32>} : memref<8x16x128xf32, #tpu.memory_space<vmem>>, vector<1x1x16xf32>,
        %swap3A_1646 = vector.shape_cast %swap3A_1645 : vector<1x1x16xf32> to vector<16xf32>
        %swap3A_1647 = vector.shape_cast %mul3A_1641 : vector<16xf32> to vector<1x1x16xf32>
        tpu.vector_store %arg7[%swap3A_1642, %swap3A_1643, %swap3A_1644], %swap3A_1647 {strides = array<i32>} : memref<8x16x128xf32, #tpu.memory_space<vmem>>, vector<1x1x16xf32>,
        %add3A_1648 = arith.constant 0 : i32
        %add3A_1649 = arith.addi %mul3A_473, %add3A_1648 : i32
        %get3A_1650 = arith.index_cast %rem3A_289 : i32 to index
        %get3A_1651 = arith.index_cast %add3A_1649 : i32 to index
        %get3A_1652 = arith.constant 112 : index
        %get3A_1653 = tpu.vector_load %arg6[%get3A_1650, %get3A_1651, %get3A_1652] {strides = array<i32>} : memref<2x320x128xf32, #tpu.memory_space<vmem>>, vector<1x1x16xf32>,
        %get3A_1654 = vector.shape_cast %get3A_1653 : vector<1x1x16xf32> to vector<16xf32>
        %add3A_1655 = arith.constant 1 : i32
        %add3A_1656 = arith.addi %mul3A_473, %add3A_1655 : i32
        %get3A_1657 = arith.index_cast %rem3A_289 : i32 to index
        %get3A_1658 = arith.index_cast %add3A_1656 : i32 to index
        %get3A_1659 = arith.constant 112 : index
        %get3A_1660 = tpu.vector_load %arg6[%get3A_1657, %get3A_1658, %get3A_1659] {strides = array<i32>} : memref<2x320x128xf32, #tpu.memory_space<vmem>>, vector<1x1x16xf32>,
        %get3A_1661 = vector.shape_cast %get3A_1660 : vector<1x1x16xf32> to vector<16xf32>
        %add3A_1662 = arith.constant 2 : i32
        %add3A_1663 = arith.addi %mul3A_473, %add3A_1662 : i32
        %get3A_1664 = arith.index_cast %rem3A_289 : i32 to index
        %get3A_1665 = arith.index_cast %add3A_1663 : i32 to index
        %get3A_1666 = arith.constant 112 : index
        %get3A_1667 = tpu.vector_load %arg6[%get3A_1664, %get3A_1665, %get3A_1666] {strides = array<i32>} : memref<2x320x128xf32, #tpu.memory_space<vmem>>, vector<1x1x16xf32>,
        %get3A_1668 = vector.shape_cast %get3A_1667 : vector<1x1x16xf32> to vector<16xf32>
        %add3A_1669 = arith.constant 3 : i32
        %add3A_1670 = arith.addi %mul3A_473, %add3A_1669 : i32
        %get3A_1671 = arith.index_cast %rem3A_289 : i32 to index
        %get3A_1672 = arith.index_cast %add3A_1670 : i32 to index
        %get3A_1673 = arith.constant 112 : index
        %get3A_1674 = tpu.vector_load %arg6[%get3A_1671, %get3A_1672, %get3A_1673] {strides = array<i32>} : memref<2x320x128xf32, #tpu.memory_space<vmem>>, vector<1x1x16xf32>,
        %get3A_1675 = vector.shape_cast %get3A_1674 : vector<1x1x16xf32> to vector<16xf32>
        %add3A_1676 = arith.constant 4 : i32
        %add3A_1677 = arith.addi %mul3A_473, %add3A_1676 : i32
        %get3A_1678 = arith.index_cast %rem3A_289 : i32 to index
        %get3A_1679 = arith.index_cast %add3A_1677 : i32 to index
        %get3A_1680 = arith.constant 112 : index
        %get3A_1681 = tpu.vector_load %arg6[%get3A_1678, %get3A_1679, %get3A_1680] {strides = array<i32>} : memref<2x320x128xf32, #tpu.memory_space<vmem>>, vector<1x1x16xf32>,
        %get3A_1682 = vector.shape_cast %get3A_1681 : vector<1x1x16xf32> to vector<16xf32>
        %add3A_1683 = arith.constant 5 : i32
        %add3A_1684 = arith.addi %mul3A_473, %add3A_1683 : i32
        %get3A_1685 = arith.index_cast %rem3A_289 : i32 to index
        %get3A_1686 = arith.index_cast %add3A_1684 : i32 to index
        %get3A_1687 = arith.constant 112 : index
        %get3A_1688 = tpu.vector_load %arg6[%get3A_1685, %get3A_1686, %get3A_1687] {strides = array<i32>} : memref<2x320x128xf32, #tpu.memory_space<vmem>>, vector<1x1x16xf32>,
        %get3A_1689 = vector.shape_cast %get3A_1688 : vector<1x1x16xf32> to vector<16xf32>
        %add3A_1690 = arith.constant 6 : i32
        %add3A_1691 = arith.addi %mul3A_473, %add3A_1690 : i32
        %get3A_1692 = arith.index_cast %rem3A_289 : i32 to index
        %get3A_1693 = arith.index_cast %add3A_1691 : i32 to index
        %get3A_1694 = arith.constant 112 : index
        %get3A_1695 = tpu.vector_load %arg6[%get3A_1692, %get3A_1693, %get3A_1694] {strides = array<i32>} : memref<2x320x128xf32, #tpu.memory_space<vmem>>, vector<1x1x16xf32>,
        %get3A_1696 = vector.shape_cast %get3A_1695 : vector<1x1x16xf32> to vector<16xf32>
        %add3A_1697 = arith.constant 7 : i32
        %add3A_1698 = arith.addi %mul3A_473, %add3A_1697 : i32
        %get3A_1699 = arith.index_cast %rem3A_289 : i32 to index
        %get3A_1700 = arith.index_cast %add3A_1698 : i32 to index
        %get3A_1701 = arith.constant 112 : index
        %get3A_1702 = tpu.vector_load %arg6[%get3A_1699, %get3A_1700, %get3A_1701] {strides = array<i32>} : memref<2x320x128xf32, #tpu.memory_space<vmem>>, vector<1x1x16xf32>,
        %get3A_1703 = vector.shape_cast %get3A_1702 : vector<1x1x16xf32> to vector<16xf32>
        %add3A_1704 = arith.constant 8 : i32
        %add3A_1705 = arith.addi %mul3A_473, %add3A_1704 : i32
        %get3A_1706 = arith.index_cast %rem3A_289 : i32 to index
        %get3A_1707 = arith.index_cast %add3A_1705 : i32 to index
        %get3A_1708 = arith.constant 112 : index
        %get3A_1709 = tpu.vector_load %arg6[%get3A_1706, %get3A_1707, %get3A_1708] {strides = array<i32>} : memref<2x320x128xf32, #tpu.memory_space<vmem>>, vector<1x1x16xf32>,
        %get3A_1710 = vector.shape_cast %get3A_1709 : vector<1x1x16xf32> to vector<16xf32>
        %add3A_1711 = arith.constant 9 : i32
        %add3A_1712 = arith.addi %mul3A_473, %add3A_1711 : i32
        %get3A_1713 = arith.index_cast %rem3A_289 : i32 to index
        %get3A_1714 = arith.index_cast %add3A_1712 : i32 to index
        %get3A_1715 = arith.constant 112 : index
        %get3A_1716 = tpu.vector_load %arg6[%get3A_1713, %get3A_1714, %get3A_1715] {strides = array<i32>} : memref<2x320x128xf32, #tpu.memory_space<vmem>>, vector<1x1x16xf32>,
        %get3A_1717 = vector.shape_cast %get3A_1716 : vector<1x1x16xf32> to vector<16xf32>
        %add3A_1718 = arith.constant 10 : i32
        %add3A_1719 = arith.addi %mul3A_473, %add3A_1718 : i32
        %get3A_1720 = arith.index_cast %rem3A_289 : i32 to index
        %get3A_1721 = arith.index_cast %add3A_1719 : i32 to index
        %get3A_1722 = arith.constant 112 : index
        %get3A_1723 = tpu.vector_load %arg6[%get3A_1720, %get3A_1721, %get3A_1722] {strides = array<i32>} : memref<2x320x128xf32, #tpu.memory_space<vmem>>, vector<1x1x16xf32>,
        %get3A_1724 = vector.shape_cast %get3A_1723 : vector<1x1x16xf32> to vector<16xf32>
        %add3A_1725 = arith.constant 11 : i32
        %add3A_1726 = arith.addi %mul3A_473, %add3A_1725 : i32
        %get3A_1727 = arith.index_cast %rem3A_289 : i32 to index
        %get3A_1728 = arith.index_cast %add3A_1726 : i32 to index
        %get3A_1729 = arith.constant 112 : index
        %get3A_1730 = tpu.vector_load %arg6[%get3A_1727, %get3A_1728, %get3A_1729] {strides = array<i32>} : memref<2x320x128xf32, #tpu.memory_space<vmem>>, vector<1x1x16xf32>,
        %get3A_1731 = vector.shape_cast %get3A_1730 : vector<1x1x16xf32> to vector<16xf32>
        %add3A_1732 = arith.constant 12 : i32
        %add3A_1733 = arith.addi %mul3A_473, %add3A_1732 : i32
        %get3A_1734 = arith.index_cast %rem3A_289 : i32 to index
        %get3A_1735 = arith.index_cast %add3A_1733 : i32 to index
        %get3A_1736 = arith.constant 112 : index
        %get3A_1737 = tpu.vector_load %arg6[%get3A_1734, %get3A_1735, %get3A_1736] {strides = array<i32>} : memref<2x320x128xf32, #tpu.memory_space<vmem>>, vector<1x1x16xf32>,
        %get3A_1738 = vector.shape_cast %get3A_1737 : vector<1x1x16xf32> to vector<16xf32>
        %add3A_1739 = arith.constant 13 : i32
        %add3A_1740 = arith.addi %mul3A_473, %add3A_1739 : i32
        %get3A_1741 = arith.index_cast %rem3A_289 : i32 to index
        %get3A_1742 = arith.index_cast %add3A_1740 : i32 to index
        %get3A_1743 = arith.constant 112 : index
        %get3A_1744 = tpu.vector_load %arg6[%get3A_1741, %get3A_1742, %get3A_1743] {strides = array<i32>} : memref<2x320x128xf32, #tpu.memory_space<vmem>>, vector<1x1x16xf32>,
        %get3A_1745 = vector.shape_cast %get3A_1744 : vector<1x1x16xf32> to vector<16xf32>
        %add3A_1746 = arith.constant 14 : i32
        %add3A_1747 = arith.addi %mul3A_473, %add3A_1746 : i32
        %get3A_1748 = arith.index_cast %rem3A_289 : i32 to index
        %get3A_1749 = arith.index_cast %add3A_1747 : i32 to index
        %get3A_1750 = arith.constant 112 : index
        %get3A_1751 = tpu.vector_load %arg6[%get3A_1748, %get3A_1749, %get3A_1750] {strides = array<i32>} : memref<2x320x128xf32, #tpu.memory_space<vmem>>, vector<1x1x16xf32>,
        %get3A_1752 = vector.shape_cast %get3A_1751 : vector<1x1x16xf32> to vector<16xf32>
        %add3A_1753 = arith.constant 15 : i32
        %add3A_1754 = arith.addi %mul3A_473, %add3A_1753 : i32
        %get3A_1755 = arith.index_cast %rem3A_289 : i32 to index
        %get3A_1756 = arith.index_cast %add3A_1754 : i32 to index
        %get3A_1757 = arith.constant 112 : index
        %get3A_1758 = tpu.vector_load %arg6[%get3A_1755, %get3A_1756, %get3A_1757] {strides = array<i32>} : memref<2x320x128xf32, #tpu.memory_space<vmem>>, vector<1x1x16xf32>,
        %get3A_1759 = vector.shape_cast %get3A_1758 : vector<1x1x16xf32> to vector<16xf32>
        %add3A_1760 = arith.constant 16 : i32
        %add3A_1761 = arith.addi %mul3A_473, %add3A_1760 : i32
        %get3A_1762 = arith.index_cast %rem3A_289 : i32 to index
        %get3A_1763 = arith.index_cast %add3A_1761 : i32 to index
        %get3A_1764 = arith.constant 112 : index
        %get3A_1765 = tpu.vector_load %arg6[%get3A_1762, %get3A_1763, %get3A_1764] {strides = array<i32>} : memref<2x320x128xf32, #tpu.memory_space<vmem>>, vector<1x1x16xf32>,
        %get3A_1766 = vector.shape_cast %get3A_1765 : vector<1x1x16xf32> to vector<16xf32>
        %add3A_1767 = arith.constant 17 : i32
        %add3A_1768 = arith.addi %mul3A_473, %add3A_1767 : i32
        %get3A_1769 = arith.index_cast %rem3A_289 : i32 to index
        %get3A_1770 = arith.index_cast %add3A_1768 : i32 to index
        %get3A_1771 = arith.constant 112 : index
        %get3A_1772 = tpu.vector_load %arg6[%get3A_1769, %get3A_1770, %get3A_1771] {strides = array<i32>} : memref<2x320x128xf32, #tpu.memory_space<vmem>>, vector<1x1x16xf32>,
        %get3A_1773 = vector.shape_cast %get3A_1772 : vector<1x1x16xf32> to vector<16xf32>
        %add3A_1774 = arith.constant 18 : i32
        %add3A_1775 = arith.addi %mul3A_473, %add3A_1774 : i32
        %get3A_1776 = arith.index_cast %rem3A_289 : i32 to index
        %get3A_1777 = arith.index_cast %add3A_1775 : i32 to index
        %get3A_1778 = arith.constant 112 : index
        %get3A_1779 = tpu.vector_load %arg6[%get3A_1776, %get3A_1777, %get3A_1778] {strides = array<i32>} : memref<2x320x128xf32, #tpu.memory_space<vmem>>, vector<1x1x16xf32>,
        %get3A_1780 = vector.shape_cast %get3A_1779 : vector<1x1x16xf32> to vector<16xf32>
        %add3A_1781 = arith.constant 19 : i32
        %add3A_1782 = arith.addi %mul3A_473, %add3A_1781 : i32
        %get3A_1783 = arith.index_cast %rem3A_289 : i32 to index
        %get3A_1784 = arith.index_cast %add3A_1782 : i32 to index
        %get3A_1785 = arith.constant 112 : index
        %get3A_1786 = tpu.vector_load %arg6[%get3A_1783, %get3A_1784, %get3A_1785] {strides = array<i32>} : memref<2x320x128xf32, #tpu.memory_space<vmem>>, vector<1x1x16xf32>,
        %get3A_1787 = vector.shape_cast %get3A_1786 : vector<1x1x16xf32> to vector<16xf32>
        %add3A_1788 = arith.addf %get3A_1654, %get3A_1661 : vector<16xf32>
        %add3A_1789 = arith.addf %get3A_1668, %get3A_1675 : vector<16xf32>
        %add3A_1790 = arith.addf %get3A_1682, %get3A_1689 : vector<16xf32>
        %add3A_1791 = arith.addf %get3A_1696, %get3A_1703 : vector<16xf32>
        %add3A_1792 = arith.addf %get3A_1710, %get3A_1717 : vector<16xf32>
        %add3A_1793 = arith.addf %get3A_1724, %get3A_1731 : vector<16xf32>
        %add3A_1794 = arith.addf %get3A_1738, %get3A_1745 : vector<16xf32>
        %add3A_1795 = arith.addf %get3A_1752, %get3A_1759 : vector<16xf32>
        %add3A_1796 = arith.addf %get3A_1766, %get3A_1773 : vector<16xf32>
        %add3A_1797 = arith.addf %get3A_1780, %get3A_1787 : vector<16xf32>
        %add3A_1798 = arith.addf %add3A_1788, %add3A_1789 : vector<16xf32>
        %add3A_1799 = arith.addf %add3A_1790, %add3A_1791 : vector<16xf32>
        %add3A_1800 = arith.addf %add3A_1792, %add3A_1793 : vector<16xf32>
        %add3A_1801 = arith.addf %add3A_1794, %add3A_1795 : vector<16xf32>
        %add3A_1802 = arith.addf %add3A_1796, %add3A_1797 : vector<16xf32>
        %add3A_1803 = arith.addf %add3A_1798, %add3A_1799 : vector<16xf32>
        %add3A_1804 = arith.addf %add3A_1800, %add3A_1801 : vector<16xf32>
        %add3A_1805 = arith.addf %add3A_1803, %add3A_1804 : vector<16xf32>
        %add3A_1806 = arith.addf %add3A_1805, %add3A_1802 : vector<16xf32>
        %mul3A_1807 = arith.constant 5.000000e-02 : f32
        %mul3A_1808 = vector.broadcast %mul3A_1807 : f32 to vector<16xf32>
        %mul3A_1809 = arith.mulf %add3A_1806, %mul3A_1808 : vector<16xf32>
        %swap3A_1810 = arith.index_cast %scan3A_287 : i32 to index
        %swap3A_1811 = arith.index_cast %scan3A_470 : i32 to index
        %swap3A_1812 = arith.constant 112 : index
        %swap3A_1813 = tpu.vector_load %arg7[%swap3A_1810, %swap3A_1811, %swap3A_1812] {strides = array<i32>} : memref<8x16x128xf32, #tpu.memory_space<vmem>>, vector<1x1x16xf32>,
        %swap3A_1814 = vector.shape_cast %swap3A_1813 : vector<1x1x16xf32> to vector<16xf32>
        %swap3A_1815 = vector.shape_cast %mul3A_1809 : vector<16xf32> to vector<1x1x16xf32>
        tpu.vector_store %arg7[%swap3A_1810, %swap3A_1811, %swap3A_1812], %swap3A_1815 {strides = array<i32>} : memref<8x16x128xf32, #tpu.memory_space<vmem>>, vector<1x1x16xf32>,
        %scan3A_1816 = arith.constant 0 : i32
        scf.yield %scan3A_1816 : i32
      }
      %scan3A_451 = arith.constant 16 : i32
      %mul3A_452 = arith.constant 128 : i32
      %mul3A_453 = arith.muli %add3A, %mul3A_452 : i32
      %mul3A_454 = arith.constant 16 : i32
      %mul3A_455 = arith.muli %scan3A_287, %mul3A_454 : i32
      %add3A_456 = arith.addi %mul3A_453, %mul3A_455 : i32
      %dma_start3A_457 = arith.constant 0 : i32
      %dma_start3A_458 = arith.constant 0 : i32
      %dma_start3A_459 = tpu.memref_slice %arg7[%scan3A_287, %dma_start3A_457, %dma_start3A_458] : memref<8x16x128xf32, #tpu.memory_space<vmem>> -> memref<1x16x128xf32, #tpu.memory_space<vmem>>
      %dma_start3A_460 = tpu.memref_squeeze %dma_start3A_459 : memref<1x16x128xf32, #tpu.memory_space<vmem>> -> memref<16x128xf32, #tpu.memory_space<vmem>>
      %dma_start3A_461 = arith.constant 0 : i32
      %dma_start3A_462 = tpu.memref_slice %arg4[%add3A_456, %dma_start3A_461] : memref<4096x128xf32, #tpu.memory_space<hbm>> -> memref<16x128xf32, #tpu.memory_space<hbm>>
      %dma_start3A_463 = arith.constant 0 : i32
      %dma_start3A_464 = tpu.memref_slice %arg4[%add3A_456, %dma_start3A_463] : memref<4096x128xf32, #tpu.memory_space<hbm>> -> memref<16x128xf32, #tpu.memory_space<hbm>>
      %dma_start3A_465 = arith.constant 0 : i32
      %dma_start3A_466 = arith.constant 0 : i32
      %dma_start3A_467 = tpu.memref_slice %arg7[%scan3A_287, %dma_start3A_465, %dma_start3A_466] : memref<8x16x128xf32, #tpu.memory_space<vmem>> -> memref<1x16x128xf32, #tpu.memory_space<vmem>>
      %dma_start3A_468 = tpu.memref_squeeze %dma_start3A_467 : memref<1x16x128xf32, #tpu.memory_space<vmem>> -> memref<16x128xf32, #tpu.memory_space<vmem>>
      tpu.enqueue_dma source(%dma_start3A_468 : memref<16x128xf32, #tpu.memory_space<vmem>>) target(%dma_start3A_464 : memref<16x128xf32, #tpu.memory_space<hbm>>) target_semaphore(%arg9 : memref<!tpu.dma_semaphore, #tpu.memory_space<semaphore_mem>>)
      %scan3A_469 = arith.constant 0 : i32
      scf.yield %scan3A_469 : i32
    }
    %scan3A_59 = arith.constant 7 : i32
    %dma_wait3A = arith.constant 0 : i32
    %dma_wait3A_60 = arith.constant 0 : i32
    %dma_wait3A_61 = arith.constant 0 : i32
    %dma_wait3A_62 = tpu.memref_slice %arg6[%dma_wait3A, %dma_wait3A_60, %dma_wait3A_61] : memref<2x320x128xf32, #tpu.memory_space<vmem>> -> memref<1x320x128xf32, #tpu.memory_space<vmem>>
    %dma_wait3A_63 = tpu.memref_squeeze %dma_wait3A_62 : memref<1x320x128xf32, #tpu.memory_space<vmem>> -> memref<320x128xf32, #tpu.memory_space<vmem>>
    %dma_wait3A_64 = arith.constant 0 : i32
    %dma_wait3A_65 = arith.constant 0 : i32
    %dma_wait3A_66 = tpu.memref_slice %dma_wait3A_63[%dma_wait3A_64, %dma_wait3A_65] : memref<320x128xf32, #tpu.memory_space<vmem>> -> memref<80x128xf32, #tpu.memory_space<vmem>>
    %dma_wait3A_67 = arith.constant 0 : i32
    %dma_wait3A_68 = arith.constant 0 : i32
    %dma_wait3A_69 = tpu.memref_slice %arg3[%dma_wait3A_67, %dma_wait3A_68] : memref<100000x128xf32, #tpu.memory_space<hbm>> -> memref<80x128xf32, #tpu.memory_space<hbm>>
    %dma_wait3A_70 = arith.constant 0 : i32
    %dma_wait3A_71 = arith.constant 0 : i32
    %dma_wait3A_72 = tpu.memref_slice %arg6[%dma_wait3A, %dma_wait3A_70, %dma_wait3A_71] : memref<2x320x128xf32, #tpu.memory_space<vmem>> -> memref<1x320x128xf32, #tpu.memory_space<vmem>>
    %dma_wait3A_73 = tpu.memref_squeeze %dma_wait3A_72 : memref<1x320x128xf32, #tpu.memory_space<vmem>> -> memref<320x128xf32, #tpu.memory_space<vmem>>
    %dma_wait3A_74 = arith.constant 0 : i32
    %dma_wait3A_75 = arith.constant 0 : i32
    %dma_wait3A_76 = tpu.memref_slice %dma_wait3A_73[%dma_wait3A_74, %dma_wait3A_75] : memref<320x128xf32, #tpu.memory_space<vmem>> -> memref<80x128xf32, #tpu.memory_space<vmem>>
    %dma_wait3A_77 = arith.constant 0 : i32
    %dma_wait3A_78 = arith.constant 0 : i32
    %dma_wait3A_79 = tpu.memref_slice %arg3[%dma_wait3A_77, %dma_wait3A_78] : memref<100000x128xf32, #tpu.memory_space<hbm>> -> memref<80x128xf32, #tpu.memory_space<hbm>>
    tpu.wait_dma2 semaphore(%arg8 : memref<!tpu.dma_semaphore, #tpu.memory_space<semaphore_mem>>) src(%dma_wait3A_79 : memref<80x128xf32, #tpu.memory_space<hbm>>) dst(%dma_wait3A_76 : memref<80x128xf32, #tpu.memory_space<vmem>>)
    %dma_wait3A_80 = arith.constant 0 : i32
    %dma_wait3A_81 = arith.constant 0 : i32
    %dma_wait3A_82 = arith.constant 0 : i32
    %dma_wait3A_83 = tpu.memref_slice %arg6[%dma_wait3A_80, %dma_wait3A_81, %dma_wait3A_82] : memref<2x320x128xf32, #tpu.memory_space<vmem>> -> memref<1x320x128xf32, #tpu.memory_space<vmem>>
    %dma_wait3A_84 = tpu.memref_squeeze %dma_wait3A_83 : memref<1x320x128xf32, #tpu.memory_space<vmem>> -> memref<320x128xf32, #tpu.memory_space<vmem>>
    %dma_wait3A_85 = arith.constant 0 : i32
    %dma_wait3A_86 = arith.constant 0 : i32
    %dma_wait3A_87 = tpu.memref_slice %dma_wait3A_84[%dma_wait3A_85, %dma_wait3A_86] : memref<320x128xf32, #tpu.memory_space<vmem>> -> memref<80x128xf32, #tpu.memory_space<vmem>>
    %dma_wait3A_88 = arith.constant 0 : i32
    %dma_wait3A_89 = arith.constant 0 : i32
    %dma_wait3A_90 = tpu.memref_slice %arg3[%dma_wait3A_88, %dma_wait3A_89] : memref<100000x128xf32, #tpu.memory_space<hbm>> -> memref<80x128xf32, #tpu.memory_space<hbm>>
    %dma_wait3A_91 = arith.constant 0 : i32
    %dma_wait3A_92 = arith.constant 0 : i32
    %dma_wait3A_93 = tpu.memref_slice %arg6[%dma_wait3A_80, %dma_wait3A_91, %dma_wait3A_92] : memref<2x320x128xf32, #tpu.memory_space<vmem>> -> memref<1x320x128xf32, #tpu.memory_space<vmem>>
    %dma_wait3A_94 = tpu.memref_squeeze %dma_wait3A_93 : memref<1x320x128xf32, #tpu.memory_space<vmem>> -> memref<320x128xf32, #tpu.memory_space<vmem>>
    %dma_wait3A_95 = arith.constant 0 : i32
    %dma_wait3A_96 = arith.constant 0 : i32
    %dma_wait3A_97 = tpu.memref_slice %dma_wait3A_94[%dma_wait3A_95, %dma_wait3A_96] : memref<320x128xf32, #tpu.memory_space<vmem>> -> memref<80x128xf32, #tpu.memory_space<vmem>>
    %dma_wait3A_98 = arith.constant 0 : i32
    %dma_wait3A_99 = arith.constant 0 : i32
    %dma_wait3A_100 = tpu.memref_slice %arg3[%dma_wait3A_98, %dma_wait3A_99] : memref<100000x128xf32, #tpu.memory_space<hbm>> -> memref<80x128xf32, #tpu.memory_space<hbm>>
    tpu.wait_dma2 semaphore(%arg8 : memref<!tpu.dma_semaphore, #tpu.memory_space<semaphore_mem>>) src(%dma_wait3A_100 : memref<80x128xf32, #tpu.memory_space<hbm>>) dst(%dma_wait3A_97 : memref<80x128xf32, #tpu.memory_space<vmem>>)
    %dma_wait3A_101 = arith.constant 0 : i32
    %dma_wait3A_102 = arith.constant 0 : i32
    %dma_wait3A_103 = arith.constant 0 : i32
    %dma_wait3A_104 = tpu.memref_slice %arg6[%dma_wait3A_101, %dma_wait3A_102, %dma_wait3A_103] : memref<2x320x128xf32, #tpu.memory_space<vmem>> -> memref<1x320x128xf32, #tpu.memory_space<vmem>>
    %dma_wait3A_105 = tpu.memref_squeeze %dma_wait3A_104 : memref<1x320x128xf32, #tpu.memory_space<vmem>> -> memref<320x128xf32, #tpu.memory_space<vmem>>
    %dma_wait3A_106 = arith.constant 0 : i32
    %dma_wait3A_107 = arith.constant 0 : i32
    %dma_wait3A_108 = tpu.memref_slice %dma_wait3A_105[%dma_wait3A_106, %dma_wait3A_107] : memref<320x128xf32, #tpu.memory_space<vmem>> -> memref<80x128xf32, #tpu.memory_space<vmem>>
    %dma_wait3A_109 = arith.constant 0 : i32
    %dma_wait3A_110 = arith.constant 0 : i32
    %dma_wait3A_111 = tpu.memref_slice %arg3[%dma_wait3A_109, %dma_wait3A_110] : memref<100000x128xf32, #tpu.memory_space<hbm>> -> memref<80x128xf32, #tpu.memory_space<hbm>>
    %dma_wait3A_112 = arith.constant 0 : i32
    %dma_wait3A_113 = arith.constant 0 : i32
    %dma_wait3A_114 = tpu.memref_slice %arg6[%dma_wait3A_101, %dma_wait3A_112, %dma_wait3A_113] : memref<2x320x128xf32, #tpu.memory_space<vmem>> -> memref<1x320x128xf32, #tpu.memory_space<vmem>>
    %dma_wait3A_115 = tpu.memref_squeeze %dma_wait3A_114 : memref<1x320x128xf32, #tpu.memory_space<vmem>> -> memref<320x128xf32, #tpu.memory_space<vmem>>
    %dma_wait3A_116 = arith.constant 0 : i32
    %dma_wait3A_117 = arith.constant 0 : i32
    %dma_wait3A_118 = tpu.memref_slice %dma_wait3A_115[%dma_wait3A_116, %dma_wait3A_117] : memref<320x128xf32, #tpu.memory_space<vmem>> -> memref<80x128xf32, #tpu.memory_space<vmem>>
    %dma_wait3A_119 = arith.constant 0 : i32
    %dma_wait3A_120 = arith.constant 0 : i32
    %dma_wait3A_121 = tpu.memref_slice %arg3[%dma_wait3A_119, %dma_wait3A_120] : memref<100000x128xf32, #tpu.memory_space<hbm>> -> memref<80x128xf32, #tpu.memory_space<hbm>>
    tpu.wait_dma2 semaphore(%arg8 : memref<!tpu.dma_semaphore, #tpu.memory_space<semaphore_mem>>) src(%dma_wait3A_121 : memref<80x128xf32, #tpu.memory_space<hbm>>) dst(%dma_wait3A_118 : memref<80x128xf32, #tpu.memory_space<vmem>>)
    %dma_wait3A_122 = arith.constant 0 : i32
    %dma_wait3A_123 = arith.constant 0 : i32
    %dma_wait3A_124 = arith.constant 0 : i32
    %dma_wait3A_125 = tpu.memref_slice %arg6[%dma_wait3A_122, %dma_wait3A_123, %dma_wait3A_124] : memref<2x320x128xf32, #tpu.memory_space<vmem>> -> memref<1x320x128xf32, #tpu.memory_space<vmem>>
    %dma_wait3A_126 = tpu.memref_squeeze %dma_wait3A_125 : memref<1x320x128xf32, #tpu.memory_space<vmem>> -> memref<320x128xf32, #tpu.memory_space<vmem>>
    %dma_wait3A_127 = arith.constant 0 : i32
    %dma_wait3A_128 = arith.constant 0 : i32
    %dma_wait3A_129 = tpu.memref_slice %dma_wait3A_126[%dma_wait3A_127, %dma_wait3A_128] : memref<320x128xf32, #tpu.memory_space<vmem>> -> memref<80x128xf32, #tpu.memory_space<vmem>>
    %dma_wait3A_130 = arith.constant 0 : i32
    %dma_wait3A_131 = arith.constant 0 : i32
    %dma_wait3A_132 = tpu.memref_slice %arg3[%dma_wait3A_130, %dma_wait3A_131] : memref<100000x128xf32, #tpu.memory_space<hbm>> -> memref<80x128xf32, #tpu.memory_space<hbm>>
    %dma_wait3A_133 = arith.constant 0 : i32
    %dma_wait3A_134 = arith.constant 0 : i32
    %dma_wait3A_135 = tpu.memref_slice %arg6[%dma_wait3A_122, %dma_wait3A_133, %dma_wait3A_134] : memref<2x320x128xf32, #tpu.memory_space<vmem>> -> memref<1x320x128xf32, #tpu.memory_space<vmem>>
    %dma_wait3A_136 = tpu.memref_squeeze %dma_wait3A_135 : memref<1x320x128xf32, #tpu.memory_space<vmem>> -> memref<320x128xf32, #tpu.memory_space<vmem>>
    %dma_wait3A_137 = arith.constant 0 : i32
    %dma_wait3A_138 = arith.constant 0 : i32
    %dma_wait3A_139 = tpu.memref_slice %dma_wait3A_136[%dma_wait3A_137, %dma_wait3A_138] : memref<320x128xf32, #tpu.memory_space<vmem>> -> memref<80x128xf32, #tpu.memory_space<vmem>>
    %dma_wait3A_140 = arith.constant 0 : i32
    %dma_wait3A_141 = arith.constant 0 : i32
    %dma_wait3A_142 = tpu.memref_slice %arg3[%dma_wait3A_140, %dma_wait3A_141] : memref<100000x128xf32, #tpu.memory_space<hbm>> -> memref<80x128xf32, #tpu.memory_space<hbm>>
    tpu.wait_dma2 semaphore(%arg8 : memref<!tpu.dma_semaphore, #tpu.memory_space<semaphore_mem>>) src(%dma_wait3A_142 : memref<80x128xf32, #tpu.memory_space<hbm>>) dst(%dma_wait3A_139 : memref<80x128xf32, #tpu.memory_space<vmem>>)
    %scan3A_143 = arith.constant 0 : i32
    %scan3A_144 = arith.constant 0 : i32
    %scan3A_145 = arith.constant 16 : i32
    %scan3A_146 = arith.addi %scan3A_144, %scan3A_145 : i32
    %scan3A_147 = arith.constant 1 : i32
    %scan3A_148 = scf.for %scan3A_287 = %scan3A_144 to %scan3A_146 step %scan3A_147 iter_args(%scan3A_288 = %scan3A_143) -> (i32)  : i32 {
      %mul3A_289 = arith.constant 20 : i32
      %mul3A_290 = arith.muli %scan3A_287, %mul3A_289 : i32
      %add3A_291 = arith.constant 0 : i32
      %add3A_292 = arith.addi %mul3A_290, %add3A_291 : i32
      %get3A = arith.constant 1 : i32
      %get3A_293 = arith.index_cast %get3A : i32 to index
      %get3A_294 = arith.index_cast %add3A_292 : i32 to index
      %get3A_295 = arith.constant 0 : index
      %get3A_296 = tpu.vector_load %arg6[%get3A_293, %get3A_294, %get3A_295] {strides = array<i32>} : memref<2x320x128xf32, #tpu.memory_space<vmem>>, vector<1x1x16xf32>,
      %get3A_297 = vector.shape_cast %get3A_296 : vector<1x1x16xf32> to vector<16xf32>
      %add3A_298 = arith.constant 1 : i32
      %add3A_299 = arith.addi %mul3A_290, %add3A_298 : i32
      %get3A_300 = arith.constant 1 : i32
      %get3A_301 = arith.index_cast %get3A_300 : i32 to index
      %get3A_302 = arith.index_cast %add3A_299 : i32 to index
      %get3A_303 = arith.constant 0 : index
      %get3A_304 = tpu.vector_load %arg6[%get3A_301, %get3A_302, %get3A_303] {strides = array<i32>} : memref<2x320x128xf32, #tpu.memory_space<vmem>>, vector<1x1x16xf32>,
      %get3A_305 = vector.shape_cast %get3A_304 : vector<1x1x16xf32> to vector<16xf32>
      %add3A_306 = arith.constant 2 : i32
      %add3A_307 = arith.addi %mul3A_290, %add3A_306 : i32
      %get3A_308 = arith.constant 1 : i32
      %get3A_309 = arith.index_cast %get3A_308 : i32 to index
      %get3A_310 = arith.index_cast %add3A_307 : i32 to index
      %get3A_311 = arith.constant 0 : index
      %get3A_312 = tpu.vector_load %arg6[%get3A_309, %get3A_310, %get3A_311] {strides = array<i32>} : memref<2x320x128xf32, #tpu.memory_space<vmem>>, vector<1x1x16xf32>,
      %get3A_313 = vector.shape_cast %get3A_312 : vector<1x1x16xf32> to vector<16xf32>
      %add3A_314 = arith.constant 3 : i32
      %add3A_315 = arith.addi %mul3A_290, %add3A_314 : i32
      %get3A_316 = arith.constant 1 : i32
      %get3A_317 = arith.index_cast %get3A_316 : i32 to index
      %get3A_318 = arith.index_cast %add3A_315 : i32 to index
      %get3A_319 = arith.constant 0 : index
      %get3A_320 = tpu.vector_load %arg6[%get3A_317, %get3A_318, %get3A_319] {strides = array<i32>} : memref<2x320x128xf32, #tpu.memory_space<vmem>>, vector<1x1x16xf32>,
      %get3A_321 = vector.shape_cast %get3A_320 : vector<1x1x16xf32> to vector<16xf32>
      %add3A_322 = arith.constant 4 : i32
      %add3A_323 = arith.addi %mul3A_290, %add3A_322 : i32
      %get3A_324 = arith.constant 1 : i32
      %get3A_325 = arith.index_cast %get3A_324 : i32 to index
      %get3A_326 = arith.index_cast %add3A_323 : i32 to index
      %get3A_327 = arith.constant 0 : index
      %get3A_328 = tpu.vector_load %arg6[%get3A_325, %get3A_326, %get3A_327] {strides = array<i32>} : memref<2x320x128xf32, #tpu.memory_space<vmem>>, vector<1x1x16xf32>,
      %get3A_329 = vector.shape_cast %get3A_328 : vector<1x1x16xf32> to vector<16xf32>
      %add3A_330 = arith.constant 5 : i32
      %add3A_331 = arith.addi %mul3A_290, %add3A_330 : i32
      %get3A_332 = arith.constant 1 : i32
      %get3A_333 = arith.index_cast %get3A_332 : i32 to index
      %get3A_334 = arith.index_cast %add3A_331 : i32 to index
      %get3A_335 = arith.constant 0 : index
      %get3A_336 = tpu.vector_load %arg6[%get3A_333, %get3A_334, %get3A_335] {strides = array<i32>} : memref<2x320x128xf32, #tpu.memory_space<vmem>>, vector<1x1x16xf32>,
      %get3A_337 = vector.shape_cast %get3A_336 : vector<1x1x16xf32> to vector<16xf32>
      %add3A_338 = arith.constant 6 : i32
      %add3A_339 = arith.addi %mul3A_290, %add3A_338 : i32
      %get3A_340 = arith.constant 1 : i32
      %get3A_341 = arith.index_cast %get3A_340 : i32 to index
      %get3A_342 = arith.index_cast %add3A_339 : i32 to index
      %get3A_343 = arith.constant 0 : index
      %get3A_344 = tpu.vector_load %arg6[%get3A_341, %get3A_342, %get3A_343] {strides = array<i32>} : memref<2x320x128xf32, #tpu.memory_space<vmem>>, vector<1x1x16xf32>,
      %get3A_345 = vector.shape_cast %get3A_344 : vector<1x1x16xf32> to vector<16xf32>
      %add3A_346 = arith.constant 7 : i32
      %add3A_347 = arith.addi %mul3A_290, %add3A_346 : i32
      %get3A_348 = arith.constant 1 : i32
      %get3A_349 = arith.index_cast %get3A_348 : i32 to index
      %get3A_350 = arith.index_cast %add3A_347 : i32 to index
      %get3A_351 = arith.constant 0 : index
      %get3A_352 = tpu.vector_load %arg6[%get3A_349, %get3A_350, %get3A_351] {strides = array<i32>} : memref<2x320x128xf32, #tpu.memory_space<vmem>>, vector<1x1x16xf32>,
      %get3A_353 = vector.shape_cast %get3A_352 : vector<1x1x16xf32> to vector<16xf32>
      %add3A_354 = arith.constant 8 : i32
      %add3A_355 = arith.addi %mul3A_290, %add3A_354 : i32
      %get3A_356 = arith.constant 1 : i32
      %get3A_357 = arith.index_cast %get3A_356 : i32 to index
      %get3A_358 = arith.index_cast %add3A_355 : i32 to index
      %get3A_359 = arith.constant 0 : index
      %get3A_360 = tpu.vector_load %arg6[%get3A_357, %get3A_358, %get3A_359] {strides = array<i32>} : memref<2x320x128xf32, #tpu.memory_space<vmem>>, vector<1x1x16xf32>,
      %get3A_361 = vector.shape_cast %get3A_360 : vector<1x1x16xf32> to vector<16xf32>
      %add3A_362 = arith.constant 9 : i32
      %add3A_363 = arith.addi %mul3A_290, %add3A_362 : i32
      %get3A_364 = arith.constant 1 : i32
      %get3A_365 = arith.index_cast %get3A_364 : i32 to index
      %get3A_366 = arith.index_cast %add3A_363 : i32 to index
      %get3A_367 = arith.constant 0 : index
      %get3A_368 = tpu.vector_load %arg6[%get3A_365, %get3A_366, %get3A_367] {strides = array<i32>} : memref<2x320x128xf32, #tpu.memory_space<vmem>>, vector<1x1x16xf32>,
      %get3A_369 = vector.shape_cast %get3A_368 : vector<1x1x16xf32> to vector<16xf32>
      %add3A_370 = arith.constant 10 : i32
      %add3A_371 = arith.addi %mul3A_290, %add3A_370 : i32
      %get3A_372 = arith.constant 1 : i32
      %get3A_373 = arith.index_cast %get3A_372 : i32 to index
      %get3A_374 = arith.index_cast %add3A_371 : i32 to index
      %get3A_375 = arith.constant 0 : index
      %get3A_376 = tpu.vector_load %arg6[%get3A_373, %get3A_374, %get3A_375] {strides = array<i32>} : memref<2x320x128xf32, #tpu.memory_space<vmem>>, vector<1x1x16xf32>,
      %get3A_377 = vector.shape_cast %get3A_376 : vector<1x1x16xf32> to vector<16xf32>
      %add3A_378 = arith.constant 11 : i32
      %add3A_379 = arith.addi %mul3A_290, %add3A_378 : i32
      %get3A_380 = arith.constant 1 : i32
      %get3A_381 = arith.index_cast %get3A_380 : i32 to index
      %get3A_382 = arith.index_cast %add3A_379 : i32 to index
      %get3A_383 = arith.constant 0 : index
      %get3A_384 = tpu.vector_load %arg6[%get3A_381, %get3A_382, %get3A_383] {strides = array<i32>} : memref<2x320x128xf32, #tpu.memory_space<vmem>>, vector<1x1x16xf32>,
      %get3A_385 = vector.shape_cast %get3A_384 : vector<1x1x16xf32> to vector<16xf32>
      %add3A_386 = arith.constant 12 : i32
      %add3A_387 = arith.addi %mul3A_290, %add3A_386 : i32
      %get3A_388 = arith.constant 1 : i32
      %get3A_389 = arith.index_cast %get3A_388 : i32 to index
      %get3A_390 = arith.index_cast %add3A_387 : i32 to index
      %get3A_391 = arith.constant 0 : index
      %get3A_392 = tpu.vector_load %arg6[%get3A_389, %get3A_390, %get3A_391] {strides = array<i32>} : memref<2x320x128xf32, #tpu.memory_space<vmem>>, vector<1x1x16xf32>,
      %get3A_393 = vector.shape_cast %get3A_392 : vector<1x1x16xf32> to vector<16xf32>
      %add3A_394 = arith.constant 13 : i32
      %add3A_395 = arith.addi %mul3A_290, %add3A_394 : i32
      %get3A_396 = arith.constant 1 : i32
      %get3A_397 = arith.index_cast %get3A_396 : i32 to index
      %get3A_398 = arith.index_cast %add3A_395 : i32 to index
      %get3A_399 = arith.constant 0 : index
      %get3A_400 = tpu.vector_load %arg6[%get3A_397, %get3A_398, %get3A_399] {strides = array<i32>} : memref<2x320x128xf32, #tpu.memory_space<vmem>>, vector<1x1x16xf32>,
      %get3A_401 = vector.shape_cast %get3A_400 : vector<1x1x16xf32> to vector<16xf32>
      %add3A_402 = arith.constant 14 : i32
      %add3A_403 = arith.addi %mul3A_290, %add3A_402 : i32
      %get3A_404 = arith.constant 1 : i32
      %get3A_405 = arith.index_cast %get3A_404 : i32 to index
      %get3A_406 = arith.index_cast %add3A_403 : i32 to index
      %get3A_407 = arith.constant 0 : index
      %get3A_408 = tpu.vector_load %arg6[%get3A_405, %get3A_406, %get3A_407] {strides = array<i32>} : memref<2x320x128xf32, #tpu.memory_space<vmem>>, vector<1x1x16xf32>,
      %get3A_409 = vector.shape_cast %get3A_408 : vector<1x1x16xf32> to vector<16xf32>
      %add3A_410 = arith.constant 15 : i32
      %add3A_411 = arith.addi %mul3A_290, %add3A_410 : i32
      %get3A_412 = arith.constant 1 : i32
      %get3A_413 = arith.index_cast %get3A_412 : i32 to index
      %get3A_414 = arith.index_cast %add3A_411 : i32 to index
      %get3A_415 = arith.constant 0 : index
      %get3A_416 = tpu.vector_load %arg6[%get3A_413, %get3A_414, %get3A_415] {strides = array<i32>} : memref<2x320x128xf32, #tpu.memory_space<vmem>>, vector<1x1x16xf32>,
      %get3A_417 = vector.shape_cast %get3A_416 : vector<1x1x16xf32> to vector<16xf32>
      %add3A_418 = arith.constant 16 : i32
      %add3A_419 = arith.addi %mul3A_290, %add3A_418 : i32
      %get3A_420 = arith.constant 1 : i32
      %get3A_421 = arith.index_cast %get3A_420 : i32 to index
      %get3A_422 = arith.index_cast %add3A_419 : i32 to index
      %get3A_423 = arith.constant 0 : index
      %get3A_424 = tpu.vector_load %arg6[%get3A_421, %get3A_422, %get3A_423] {strides = array<i32>} : memref<2x320x128xf32, #tpu.memory_space<vmem>>, vector<1x1x16xf32>,
      %get3A_425 = vector.shape_cast %get3A_424 : vector<1x1x16xf32> to vector<16xf32>
      %add3A_426 = arith.constant 17 : i32
      %add3A_427 = arith.addi %mul3A_290, %add3A_426 : i32
      %get3A_428 = arith.constant 1 : i32
      %get3A_429 = arith.index_cast %get3A_428 : i32 to index
      %get3A_430 = arith.index_cast %add3A_427 : i32 to index
      %get3A_431 = arith.constant 0 : index
      %get3A_432 = tpu.vector_load %arg6[%get3A_429, %get3A_430, %get3A_431] {strides = array<i32>} : memref<2x320x128xf32, #tpu.memory_space<vmem>>, vector<1x1x16xf32>,
      %get3A_433 = vector.shape_cast %get3A_432 : vector<1x1x16xf32> to vector<16xf32>
      %add3A_434 = arith.constant 18 : i32
      %add3A_435 = arith.addi %mul3A_290, %add3A_434 : i32
      %get3A_436 = arith.constant 1 : i32
      %get3A_437 = arith.index_cast %get3A_436 : i32 to index
      %get3A_438 = arith.index_cast %add3A_435 : i32 to index
      %get3A_439 = arith.constant 0 : index
      %get3A_440 = tpu.vector_load %arg6[%get3A_437, %get3A_438, %get3A_439] {strides = array<i32>} : memref<2x320x128xf32, #tpu.memory_space<vmem>>, vector<1x1x16xf32>,
      %get3A_441 = vector.shape_cast %get3A_440 : vector<1x1x16xf32> to vector<16xf32>
      %add3A_442 = arith.constant 19 : i32
      %add3A_443 = arith.addi %mul3A_290, %add3A_442 : i32
      %get3A_444 = arith.constant 1 : i32
      %get3A_445 = arith.index_cast %get3A_444 : i32 to index
      %get3A_446 = arith.index_cast %add3A_443 : i32 to index
      %get3A_447 = arith.constant 0 : index
      %get3A_448 = tpu.vector_load %arg6[%get3A_445, %get3A_446, %get3A_447] {strides = array<i32>} : memref<2x320x128xf32, #tpu.memory_space<vmem>>, vector<1x1x16xf32>,
      %get3A_449 = vector.shape_cast %get3A_448 : vector<1x1x16xf32> to vector<16xf32>
      %add3A_450 = arith.addf %get3A_297, %get3A_305 : vector<16xf32>
      %add3A_451 = arith.addf %get3A_313, %get3A_321 : vector<16xf32>
      %add3A_452 = arith.addf %get3A_329, %get3A_337 : vector<16xf32>
      %add3A_453 = arith.addf %get3A_345, %get3A_353 : vector<16xf32>
      %add3A_454 = arith.addf %get3A_361, %get3A_369 : vector<16xf32>
      %add3A_455 = arith.addf %get3A_377, %get3A_385 : vector<16xf32>
      %add3A_456 = arith.addf %get3A_393, %get3A_401 : vector<16xf32>
      %add3A_457 = arith.addf %get3A_409, %get3A_417 : vector<16xf32>
      %add3A_458 = arith.addf %get3A_425, %get3A_433 : vector<16xf32>
      %add3A_459 = arith.addf %get3A_441, %get3A_449 : vector<16xf32>
      %add3A_460 = arith.addf %add3A_450, %add3A_451 : vector<16xf32>
      %add3A_461 = arith.addf %add3A_452, %add3A_453 : vector<16xf32>
      %add3A_462 = arith.addf %add3A_454, %add3A_455 : vector<16xf32>
      %add3A_463 = arith.addf %add3A_456, %add3A_457 : vector<16xf32>
      %add3A_464 = arith.addf %add3A_458, %add3A_459 : vector<16xf32>
      %add3A_465 = arith.addf %add3A_460, %add3A_461 : vector<16xf32>
      %add3A_466 = arith.addf %add3A_462, %add3A_463 : vector<16xf32>
      %add3A_467 = arith.addf %add3A_465, %add3A_466 : vector<16xf32>
      %add3A_468 = arith.addf %add3A_467, %add3A_464 : vector<16xf32>
      %mul3A_469 = arith.constant 5.000000e-02 : f32
      %mul3A_470 = vector.broadcast %mul3A_469 : f32 to vector<16xf32>
      %mul3A_471 = arith.mulf %add3A_468, %mul3A_470 : vector<16xf32>
      %swap3A = arith.constant 7 : i32
      %swap3A_472 = arith.index_cast %swap3A : i32 to index
      %swap3A_473 = arith.index_cast %scan3A_287 : i32 to index
      %swap3A_474 = arith.constant 0 : index
      %swap3A_475 = tpu.vector_load %arg7[%swap3A_472, %swap3A_473, %swap3A_474] {strides = array<i32>} : memref<8x16x128xf32, #tpu.memory_space<vmem>>, vector<1x1x16xf32>,
      %swap3A_476 = vector.shape_cast %swap3A_475 : vector<1x1x16xf32> to vector<16xf32>
      %swap3A_477 = vector.shape_cast %mul3A_471 : vector<16xf32> to vector<1x1x16xf32>
      tpu.vector_store %arg7[%swap3A_472, %swap3A_473, %swap3A_474], %swap3A_477 {strides = array<i32>} : memref<8x16x128xf32, #tpu.memory_space<vmem>>, vector<1x1x16xf32>,
      %add3A_478 = arith.constant 0 : i32
      %add3A_479 = arith.addi %mul3A_290, %add3A_478 : i32
      %get3A_480 = arith.constant 1 : i32
      %get3A_481 = arith.index_cast %get3A_480 : i32 to index
      %get3A_482 = arith.index_cast %add3A_479 : i32 to index
      %get3A_483 = arith.constant 16 : index
      %get3A_484 = tpu.vector_load %arg6[%get3A_481, %get3A_482, %get3A_483] {strides = array<i32>} : memref<2x320x128xf32, #tpu.memory_space<vmem>>, vector<1x1x16xf32>,
      %get3A_485 = vector.shape_cast %get3A_484 : vector<1x1x16xf32> to vector<16xf32>
      %add3A_486 = arith.constant 1 : i32
      %add3A_487 = arith.addi %mul3A_290, %add3A_486 : i32
      %get3A_488 = arith.constant 1 : i32
      %get3A_489 = arith.index_cast %get3A_488 : i32 to index
      %get3A_490 = arith.index_cast %add3A_487 : i32 to index
      %get3A_491 = arith.constant 16 : index
      %get3A_492 = tpu.vector_load %arg6[%get3A_489, %get3A_490, %get3A_491] {strides = array<i32>} : memref<2x320x128xf32, #tpu.memory_space<vmem>>, vector<1x1x16xf32>,
      %get3A_493 = vector.shape_cast %get3A_492 : vector<1x1x16xf32> to vector<16xf32>
      %add3A_494 = arith.constant 2 : i32
      %add3A_495 = arith.addi %mul3A_290, %add3A_494 : i32
      %get3A_496 = arith.constant 1 : i32
      %get3A_497 = arith.index_cast %get3A_496 : i32 to index
      %get3A_498 = arith.index_cast %add3A_495 : i32 to index
      %get3A_499 = arith.constant 16 : index
      %get3A_500 = tpu.vector_load %arg6[%get3A_497, %get3A_498, %get3A_499] {strides = array<i32>} : memref<2x320x128xf32, #tpu.memory_space<vmem>>, vector<1x1x16xf32>,
      %get3A_501 = vector.shape_cast %get3A_500 : vector<1x1x16xf32> to vector<16xf32>
      %add3A_502 = arith.constant 3 : i32
      %add3A_503 = arith.addi %mul3A_290, %add3A_502 : i32
      %get3A_504 = arith.constant 1 : i32
      %get3A_505 = arith.index_cast %get3A_504 : i32 to index
      %get3A_506 = arith.index_cast %add3A_503 : i32 to index
      %get3A_507 = arith.constant 16 : index
      %get3A_508 = tpu.vector_load %arg6[%get3A_505, %get3A_506, %get3A_507] {strides = array<i32>} : memref<2x320x128xf32, #tpu.memory_space<vmem>>, vector<1x1x16xf32>,
      %get3A_509 = vector.shape_cast %get3A_508 : vector<1x1x16xf32> to vector<16xf32>
      %add3A_510 = arith.constant 4 : i32
      %add3A_511 = arith.addi %mul3A_290, %add3A_510 : i32
      %get3A_512 = arith.constant 1 : i32
      %get3A_513 = arith.index_cast %get3A_512 : i32 to index
      %get3A_514 = arith.index_cast %add3A_511 : i32 to index
      %get3A_515 = arith.constant 16 : index
      %get3A_516 = tpu.vector_load %arg6[%get3A_513, %get3A_514, %get3A_515] {strides = array<i32>} : memref<2x320x128xf32, #tpu.memory_space<vmem>>, vector<1x1x16xf32>,
      %get3A_517 = vector.shape_cast %get3A_516 : vector<1x1x16xf32> to vector<16xf32>
      %add3A_518 = arith.constant 5 : i32
      %add3A_519 = arith.addi %mul3A_290, %add3A_518 : i32
      %get3A_520 = arith.constant 1 : i32
      %get3A_521 = arith.index_cast %get3A_520 : i32 to index
      %get3A_522 = arith.index_cast %add3A_519 : i32 to index
      %get3A_523 = arith.constant 16 : index
      %get3A_524 = tpu.vector_load %arg6[%get3A_521, %get3A_522, %get3A_523] {strides = array<i32>} : memref<2x320x128xf32, #tpu.memory_space<vmem>>, vector<1x1x16xf32>,
      %get3A_525 = vector.shape_cast %get3A_524 : vector<1x1x16xf32> to vector<16xf32>
      %add3A_526 = arith.constant 6 : i32
      %add3A_527 = arith.addi %mul3A_290, %add3A_526 : i32
      %get3A_528 = arith.constant 1 : i32
      %get3A_529 = arith.index_cast %get3A_528 : i32 to index
      %get3A_530 = arith.index_cast %add3A_527 : i32 to index
      %get3A_531 = arith.constant 16 : index
      %get3A_532 = tpu.vector_load %arg6[%get3A_529, %get3A_530, %get3A_531] {strides = array<i32>} : memref<2x320x128xf32, #tpu.memory_space<vmem>>, vector<1x1x16xf32>,
      %get3A_533 = vector.shape_cast %get3A_532 : vector<1x1x16xf32> to vector<16xf32>
      %add3A_534 = arith.constant 7 : i32
      %add3A_535 = arith.addi %mul3A_290, %add3A_534 : i32
      %get3A_536 = arith.constant 1 : i32
      %get3A_537 = arith.index_cast %get3A_536 : i32 to index
      %get3A_538 = arith.index_cast %add3A_535 : i32 to index
      %get3A_539 = arith.constant 16 : index
      %get3A_540 = tpu.vector_load %arg6[%get3A_537, %get3A_538, %get3A_539] {strides = array<i32>} : memref<2x320x128xf32, #tpu.memory_space<vmem>>, vector<1x1x16xf32>,
      %get3A_541 = vector.shape_cast %get3A_540 : vector<1x1x16xf32> to vector<16xf32>
      %add3A_542 = arith.constant 8 : i32
      %add3A_543 = arith.addi %mul3A_290, %add3A_542 : i32
      %get3A_544 = arith.constant 1 : i32
      %get3A_545 = arith.index_cast %get3A_544 : i32 to index
      %get3A_546 = arith.index_cast %add3A_543 : i32 to index
      %get3A_547 = arith.constant 16 : index
      %get3A_548 = tpu.vector_load %arg6[%get3A_545, %get3A_546, %get3A_547] {strides = array<i32>} : memref<2x320x128xf32, #tpu.memory_space<vmem>>, vector<1x1x16xf32>,
      %get3A_549 = vector.shape_cast %get3A_548 : vector<1x1x16xf32> to vector<16xf32>
      %add3A_550 = arith.constant 9 : i32
      %add3A_551 = arith.addi %mul3A_290, %add3A_550 : i32
      %get3A_552 = arith.constant 1 : i32
      %get3A_553 = arith.index_cast %get3A_552 : i32 to index
      %get3A_554 = arith.index_cast %add3A_551 : i32 to index
      %get3A_555 = arith.constant 16 : index
      %get3A_556 = tpu.vector_load %arg6[%get3A_553, %get3A_554, %get3A_555] {strides = array<i32>} : memref<2x320x128xf32, #tpu.memory_space<vmem>>, vector<1x1x16xf32>,
      %get3A_557 = vector.shape_cast %get3A_556 : vector<1x1x16xf32> to vector<16xf32>
      %add3A_558 = arith.constant 10 : i32
      %add3A_559 = arith.addi %mul3A_290, %add3A_558 : i32
      %get3A_560 = arith.constant 1 : i32
      %get3A_561 = arith.index_cast %get3A_560 : i32 to index
      %get3A_562 = arith.index_cast %add3A_559 : i32 to index
      %get3A_563 = arith.constant 16 : index
      %get3A_564 = tpu.vector_load %arg6[%get3A_561, %get3A_562, %get3A_563] {strides = array<i32>} : memref<2x320x128xf32, #tpu.memory_space<vmem>>, vector<1x1x16xf32>,
      %get3A_565 = vector.shape_cast %get3A_564 : vector<1x1x16xf32> to vector<16xf32>
      %add3A_566 = arith.constant 11 : i32
      %add3A_567 = arith.addi %mul3A_290, %add3A_566 : i32
      %get3A_568 = arith.constant 1 : i32
      %get3A_569 = arith.index_cast %get3A_568 : i32 to index
      %get3A_570 = arith.index_cast %add3A_567 : i32 to index
      %get3A_571 = arith.constant 16 : index
      %get3A_572 = tpu.vector_load %arg6[%get3A_569, %get3A_570, %get3A_571] {strides = array<i32>} : memref<2x320x128xf32, #tpu.memory_space<vmem>>, vector<1x1x16xf32>,
      %get3A_573 = vector.shape_cast %get3A_572 : vector<1x1x16xf32> to vector<16xf32>
      %add3A_574 = arith.constant 12 : i32
      %add3A_575 = arith.addi %mul3A_290, %add3A_574 : i32
      %get3A_576 = arith.constant 1 : i32
      %get3A_577 = arith.index_cast %get3A_576 : i32 to index
      %get3A_578 = arith.index_cast %add3A_575 : i32 to index
      %get3A_579 = arith.constant 16 : index
      %get3A_580 = tpu.vector_load %arg6[%get3A_577, %get3A_578, %get3A_579] {strides = array<i32>} : memref<2x320x128xf32, #tpu.memory_space<vmem>>, vector<1x1x16xf32>,
      %get3A_581 = vector.shape_cast %get3A_580 : vector<1x1x16xf32> to vector<16xf32>
      %add3A_582 = arith.constant 13 : i32
      %add3A_583 = arith.addi %mul3A_290, %add3A_582 : i32
      %get3A_584 = arith.constant 1 : i32
      %get3A_585 = arith.index_cast %get3A_584 : i32 to index
      %get3A_586 = arith.index_cast %add3A_583 : i32 to index
      %get3A_587 = arith.constant 16 : index
      %get3A_588 = tpu.vector_load %arg6[%get3A_585, %get3A_586, %get3A_587] {strides = array<i32>} : memref<2x320x128xf32, #tpu.memory_space<vmem>>, vector<1x1x16xf32>,
      %get3A_589 = vector.shape_cast %get3A_588 : vector<1x1x16xf32> to vector<16xf32>
      %add3A_590 = arith.constant 14 : i32
      %add3A_591 = arith.addi %mul3A_290, %add3A_590 : i32
      %get3A_592 = arith.constant 1 : i32
      %get3A_593 = arith.index_cast %get3A_592 : i32 to index
      %get3A_594 = arith.index_cast %add3A_591 : i32 to index
      %get3A_595 = arith.constant 16 : index
      %get3A_596 = tpu.vector_load %arg6[%get3A_593, %get3A_594, %get3A_595] {strides = array<i32>} : memref<2x320x128xf32, #tpu.memory_space<vmem>>, vector<1x1x16xf32>,
      %get3A_597 = vector.shape_cast %get3A_596 : vector<1x1x16xf32> to vector<16xf32>
      %add3A_598 = arith.constant 15 : i32
      %add3A_599 = arith.addi %mul3A_290, %add3A_598 : i32
      %get3A_600 = arith.constant 1 : i32
      %get3A_601 = arith.index_cast %get3A_600 : i32 to index
      %get3A_602 = arith.index_cast %add3A_599 : i32 to index
      %get3A_603 = arith.constant 16 : index
      %get3A_604 = tpu.vector_load %arg6[%get3A_601, %get3A_602, %get3A_603] {strides = array<i32>} : memref<2x320x128xf32, #tpu.memory_space<vmem>>, vector<1x1x16xf32>,
      %get3A_605 = vector.shape_cast %get3A_604 : vector<1x1x16xf32> to vector<16xf32>
      %add3A_606 = arith.constant 16 : i32
      %add3A_607 = arith.addi %mul3A_290, %add3A_606 : i32
      %get3A_608 = arith.constant 1 : i32
      %get3A_609 = arith.index_cast %get3A_608 : i32 to index
      %get3A_610 = arith.index_cast %add3A_607 : i32 to index
      %get3A_611 = arith.constant 16 : index
      %get3A_612 = tpu.vector_load %arg6[%get3A_609, %get3A_610, %get3A_611] {strides = array<i32>} : memref<2x320x128xf32, #tpu.memory_space<vmem>>, vector<1x1x16xf32>,
      %get3A_613 = vector.shape_cast %get3A_612 : vector<1x1x16xf32> to vector<16xf32>
      %add3A_614 = arith.constant 17 : i32
      %add3A_615 = arith.addi %mul3A_290, %add3A_614 : i32
      %get3A_616 = arith.constant 1 : i32
      %get3A_617 = arith.index_cast %get3A_616 : i32 to index
      %get3A_618 = arith.index_cast %add3A_615 : i32 to index
      %get3A_619 = arith.constant 16 : index
      %get3A_620 = tpu.vector_load %arg6[%get3A_617, %get3A_618, %get3A_619] {strides = array<i32>} : memref<2x320x128xf32, #tpu.memory_space<vmem>>, vector<1x1x16xf32>,
      %get3A_621 = vector.shape_cast %get3A_620 : vector<1x1x16xf32> to vector<16xf32>
      %add3A_622 = arith.constant 18 : i32
      %add3A_623 = arith.addi %mul3A_290, %add3A_622 : i32
      %get3A_624 = arith.constant 1 : i32
      %get3A_625 = arith.index_cast %get3A_624 : i32 to index
      %get3A_626 = arith.index_cast %add3A_623 : i32 to index
      %get3A_627 = arith.constant 16 : index
      %get3A_628 = tpu.vector_load %arg6[%get3A_625, %get3A_626, %get3A_627] {strides = array<i32>} : memref<2x320x128xf32, #tpu.memory_space<vmem>>, vector<1x1x16xf32>,
      %get3A_629 = vector.shape_cast %get3A_628 : vector<1x1x16xf32> to vector<16xf32>
      %add3A_630 = arith.constant 19 : i32
      %add3A_631 = arith.addi %mul3A_290, %add3A_630 : i32
      %get3A_632 = arith.constant 1 : i32
      %get3A_633 = arith.index_cast %get3A_632 : i32 to index
      %get3A_634 = arith.index_cast %add3A_631 : i32 to index
      %get3A_635 = arith.constant 16 : index
      %get3A_636 = tpu.vector_load %arg6[%get3A_633, %get3A_634, %get3A_635] {strides = array<i32>} : memref<2x320x128xf32, #tpu.memory_space<vmem>>, vector<1x1x16xf32>,
      %get3A_637 = vector.shape_cast %get3A_636 : vector<1x1x16xf32> to vector<16xf32>
      %add3A_638 = arith.addf %get3A_485, %get3A_493 : vector<16xf32>
      %add3A_639 = arith.addf %get3A_501, %get3A_509 : vector<16xf32>
      %add3A_640 = arith.addf %get3A_517, %get3A_525 : vector<16xf32>
      %add3A_641 = arith.addf %get3A_533, %get3A_541 : vector<16xf32>
      %add3A_642 = arith.addf %get3A_549, %get3A_557 : vector<16xf32>
      %add3A_643 = arith.addf %get3A_565, %get3A_573 : vector<16xf32>
      %add3A_644 = arith.addf %get3A_581, %get3A_589 : vector<16xf32>
      %add3A_645 = arith.addf %get3A_597, %get3A_605 : vector<16xf32>
      %add3A_646 = arith.addf %get3A_613, %get3A_621 : vector<16xf32>
      %add3A_647 = arith.addf %get3A_629, %get3A_637 : vector<16xf32>
      %add3A_648 = arith.addf %add3A_638, %add3A_639 : vector<16xf32>
      %add3A_649 = arith.addf %add3A_640, %add3A_641 : vector<16xf32>
      %add3A_650 = arith.addf %add3A_642, %add3A_643 : vector<16xf32>
      %add3A_651 = arith.addf %add3A_644, %add3A_645 : vector<16xf32>
      %add3A_652 = arith.addf %add3A_646, %add3A_647 : vector<16xf32>
      %add3A_653 = arith.addf %add3A_648, %add3A_649 : vector<16xf32>
      %add3A_654 = arith.addf %add3A_650, %add3A_651 : vector<16xf32>
      %add3A_655 = arith.addf %add3A_653, %add3A_654 : vector<16xf32>
      %add3A_656 = arith.addf %add3A_655, %add3A_652 : vector<16xf32>
      %mul3A_657 = arith.constant 5.000000e-02 : f32
      %mul3A_658 = vector.broadcast %mul3A_657 : f32 to vector<16xf32>
      %mul3A_659 = arith.mulf %add3A_656, %mul3A_658 : vector<16xf32>
      %swap3A_660 = arith.constant 7 : i32
      %swap3A_661 = arith.index_cast %swap3A_660 : i32 to index
      %swap3A_662 = arith.index_cast %scan3A_287 : i32 to index
      %swap3A_663 = arith.constant 16 : index
      %swap3A_664 = tpu.vector_load %arg7[%swap3A_661, %swap3A_662, %swap3A_663] {strides = array<i32>} : memref<8x16x128xf32, #tpu.memory_space<vmem>>, vector<1x1x16xf32>,
      %swap3A_665 = vector.shape_cast %swap3A_664 : vector<1x1x16xf32> to vector<16xf32>
      %swap3A_666 = vector.shape_cast %mul3A_659 : vector<16xf32> to vector<1x1x16xf32>
      tpu.vector_store %arg7[%swap3A_661, %swap3A_662, %swap3A_663], %swap3A_666 {strides = array<i32>} : memref<8x16x128xf32, #tpu.memory_space<vmem>>, vector<1x1x16xf32>,
      %add3A_667 = arith.constant 0 : i32
      %add3A_668 = arith.addi %mul3A_290, %add3A_667 : i32
      %get3A_669 = arith.constant 1 : i32
      %get3A_670 = arith.index_cast %get3A_669 : i32 to index
      %get3A_671 = arith.index_cast %add3A_668 : i32 to index
      %get3A_672 = arith.constant 32 : index
      %get3A_673 = tpu.vector_load %arg6[%get3A_670, %get3A_671, %get3A_672] {strides = array<i32>} : memref<2x320x128xf32, #tpu.memory_space<vmem>>, vector<1x1x16xf32>,
      %get3A_674 = vector.shape_cast %get3A_673 : vector<1x1x16xf32> to vector<16xf32>
      %add3A_675 = arith.constant 1 : i32
      %add3A_676 = arith.addi %mul3A_290, %add3A_675 : i32
      %get3A_677 = arith.constant 1 : i32
      %get3A_678 = arith.index_cast %get3A_677 : i32 to index
      %get3A_679 = arith.index_cast %add3A_676 : i32 to index
      %get3A_680 = arith.constant 32 : index
      %get3A_681 = tpu.vector_load %arg6[%get3A_678, %get3A_679, %get3A_680] {strides = array<i32>} : memref<2x320x128xf32, #tpu.memory_space<vmem>>, vector<1x1x16xf32>,
      %get3A_682 = vector.shape_cast %get3A_681 : vector<1x1x16xf32> to vector<16xf32>
      %add3A_683 = arith.constant 2 : i32
      %add3A_684 = arith.addi %mul3A_290, %add3A_683 : i32
      %get3A_685 = arith.constant 1 : i32
      %get3A_686 = arith.index_cast %get3A_685 : i32 to index
      %get3A_687 = arith.index_cast %add3A_684 : i32 to index
      %get3A_688 = arith.constant 32 : index
      %get3A_689 = tpu.vector_load %arg6[%get3A_686, %get3A_687, %get3A_688] {strides = array<i32>} : memref<2x320x128xf32, #tpu.memory_space<vmem>>, vector<1x1x16xf32>,
      %get3A_690 = vector.shape_cast %get3A_689 : vector<1x1x16xf32> to vector<16xf32>
      %add3A_691 = arith.constant 3 : i32
      %add3A_692 = arith.addi %mul3A_290, %add3A_691 : i32
      %get3A_693 = arith.constant 1 : i32
      %get3A_694 = arith.index_cast %get3A_693 : i32 to index
      %get3A_695 = arith.index_cast %add3A_692 : i32 to index
      %get3A_696 = arith.constant 32 : index
      %get3A_697 = tpu.vector_load %arg6[%get3A_694, %get3A_695, %get3A_696] {strides = array<i32>} : memref<2x320x128xf32, #tpu.memory_space<vmem>>, vector<1x1x16xf32>,
      %get3A_698 = vector.shape_cast %get3A_697 : vector<1x1x16xf32> to vector<16xf32>
      %add3A_699 = arith.constant 4 : i32
      %add3A_700 = arith.addi %mul3A_290, %add3A_699 : i32
      %get3A_701 = arith.constant 1 : i32
      %get3A_702 = arith.index_cast %get3A_701 : i32 to index
      %get3A_703 = arith.index_cast %add3A_700 : i32 to index
      %get3A_704 = arith.constant 32 : index
      %get3A_705 = tpu.vector_load %arg6[%get3A_702, %get3A_703, %get3A_704] {strides = array<i32>} : memref<2x320x128xf32, #tpu.memory_space<vmem>>, vector<1x1x16xf32>,
      %get3A_706 = vector.shape_cast %get3A_705 : vector<1x1x16xf32> to vector<16xf32>
      %add3A_707 = arith.constant 5 : i32
      %add3A_708 = arith.addi %mul3A_290, %add3A_707 : i32
      %get3A_709 = arith.constant 1 : i32
      %get3A_710 = arith.index_cast %get3A_709 : i32 to index
      %get3A_711 = arith.index_cast %add3A_708 : i32 to index
      %get3A_712 = arith.constant 32 : index
      %get3A_713 = tpu.vector_load %arg6[%get3A_710, %get3A_711, %get3A_712] {strides = array<i32>} : memref<2x320x128xf32, #tpu.memory_space<vmem>>, vector<1x1x16xf32>,
      %get3A_714 = vector.shape_cast %get3A_713 : vector<1x1x16xf32> to vector<16xf32>
      %add3A_715 = arith.constant 6 : i32
      %add3A_716 = arith.addi %mul3A_290, %add3A_715 : i32
      %get3A_717 = arith.constant 1 : i32
      %get3A_718 = arith.index_cast %get3A_717 : i32 to index
      %get3A_719 = arith.index_cast %add3A_716 : i32 to index
      %get3A_720 = arith.constant 32 : index
      %get3A_721 = tpu.vector_load %arg6[%get3A_718, %get3A_719, %get3A_720] {strides = array<i32>} : memref<2x320x128xf32, #tpu.memory_space<vmem>>, vector<1x1x16xf32>,
      %get3A_722 = vector.shape_cast %get3A_721 : vector<1x1x16xf32> to vector<16xf32>
      %add3A_723 = arith.constant 7 : i32
      %add3A_724 = arith.addi %mul3A_290, %add3A_723 : i32
      %get3A_725 = arith.constant 1 : i32
      %get3A_726 = arith.index_cast %get3A_725 : i32 to index
      %get3A_727 = arith.index_cast %add3A_724 : i32 to index
      %get3A_728 = arith.constant 32 : index
      %get3A_729 = tpu.vector_load %arg6[%get3A_726, %get3A_727, %get3A_728] {strides = array<i32>} : memref<2x320x128xf32, #tpu.memory_space<vmem>>, vector<1x1x16xf32>,
      %get3A_730 = vector.shape_cast %get3A_729 : vector<1x1x16xf32> to vector<16xf32>
      %add3A_731 = arith.constant 8 : i32
      %add3A_732 = arith.addi %mul3A_290, %add3A_731 : i32
      %get3A_733 = arith.constant 1 : i32
      %get3A_734 = arith.index_cast %get3A_733 : i32 to index
      %get3A_735 = arith.index_cast %add3A_732 : i32 to index
      %get3A_736 = arith.constant 32 : index
      %get3A_737 = tpu.vector_load %arg6[%get3A_734, %get3A_735, %get3A_736] {strides = array<i32>} : memref<2x320x128xf32, #tpu.memory_space<vmem>>, vector<1x1x16xf32>,
      %get3A_738 = vector.shape_cast %get3A_737 : vector<1x1x16xf32> to vector<16xf32>
      %add3A_739 = arith.constant 9 : i32
      %add3A_740 = arith.addi %mul3A_290, %add3A_739 : i32
      %get3A_741 = arith.constant 1 : i32
      %get3A_742 = arith.index_cast %get3A_741 : i32 to index
      %get3A_743 = arith.index_cast %add3A_740 : i32 to index
      %get3A_744 = arith.constant 32 : index
      %get3A_745 = tpu.vector_load %arg6[%get3A_742, %get3A_743, %get3A_744] {strides = array<i32>} : memref<2x320x128xf32, #tpu.memory_space<vmem>>, vector<1x1x16xf32>,
      %get3A_746 = vector.shape_cast %get3A_745 : vector<1x1x16xf32> to vector<16xf32>
      %add3A_747 = arith.constant 10 : i32
      %add3A_748 = arith.addi %mul3A_290, %add3A_747 : i32
      %get3A_749 = arith.constant 1 : i32
      %get3A_750 = arith.index_cast %get3A_749 : i32 to index
      %get3A_751 = arith.index_cast %add3A_748 : i32 to index
      %get3A_752 = arith.constant 32 : index
      %get3A_753 = tpu.vector_load %arg6[%get3A_750, %get3A_751, %get3A_752] {strides = array<i32>} : memref<2x320x128xf32, #tpu.memory_space<vmem>>, vector<1x1x16xf32>,
      %get3A_754 = vector.shape_cast %get3A_753 : vector<1x1x16xf32> to vector<16xf32>
      %add3A_755 = arith.constant 11 : i32
      %add3A_756 = arith.addi %mul3A_290, %add3A_755 : i32
      %get3A_757 = arith.constant 1 : i32
      %get3A_758 = arith.index_cast %get3A_757 : i32 to index
      %get3A_759 = arith.index_cast %add3A_756 : i32 to index
      %get3A_760 = arith.constant 32 : index
      %get3A_761 = tpu.vector_load %arg6[%get3A_758, %get3A_759, %get3A_760] {strides = array<i32>} : memref<2x320x128xf32, #tpu.memory_space<vmem>>, vector<1x1x16xf32>,
      %get3A_762 = vector.shape_cast %get3A_761 : vector<1x1x16xf32> to vector<16xf32>
      %add3A_763 = arith.constant 12 : i32
      %add3A_764 = arith.addi %mul3A_290, %add3A_763 : i32
      %get3A_765 = arith.constant 1 : i32
      %get3A_766 = arith.index_cast %get3A_765 : i32 to index
      %get3A_767 = arith.index_cast %add3A_764 : i32 to index
      %get3A_768 = arith.constant 32 : index
      %get3A_769 = tpu.vector_load %arg6[%get3A_766, %get3A_767, %get3A_768] {strides = array<i32>} : memref<2x320x128xf32, #tpu.memory_space<vmem>>, vector<1x1x16xf32>,
      %get3A_770 = vector.shape_cast %get3A_769 : vector<1x1x16xf32> to vector<16xf32>
      %add3A_771 = arith.constant 13 : i32
      %add3A_772 = arith.addi %mul3A_290, %add3A_771 : i32
      %get3A_773 = arith.constant 1 : i32
      %get3A_774 = arith.index_cast %get3A_773 : i32 to index
      %get3A_775 = arith.index_cast %add3A_772 : i32 to index
      %get3A_776 = arith.constant 32 : index
      %get3A_777 = tpu.vector_load %arg6[%get3A_774, %get3A_775, %get3A_776] {strides = array<i32>} : memref<2x320x128xf32, #tpu.memory_space<vmem>>, vector<1x1x16xf32>,
      %get3A_778 = vector.shape_cast %get3A_777 : vector<1x1x16xf32> to vector<16xf32>
      %add3A_779 = arith.constant 14 : i32
      %add3A_780 = arith.addi %mul3A_290, %add3A_779 : i32
      %get3A_781 = arith.constant 1 : i32
      %get3A_782 = arith.index_cast %get3A_781 : i32 to index
      %get3A_783 = arith.index_cast %add3A_780 : i32 to index
      %get3A_784 = arith.constant 32 : index
      %get3A_785 = tpu.vector_load %arg6[%get3A_782, %get3A_783, %get3A_784] {strides = array<i32>} : memref<2x320x128xf32, #tpu.memory_space<vmem>>, vector<1x1x16xf32>,
      %get3A_786 = vector.shape_cast %get3A_785 : vector<1x1x16xf32> to vector<16xf32>
      %add3A_787 = arith.constant 15 : i32
      %add3A_788 = arith.addi %mul3A_290, %add3A_787 : i32
      %get3A_789 = arith.constant 1 : i32
      %get3A_790 = arith.index_cast %get3A_789 : i32 to index
      %get3A_791 = arith.index_cast %add3A_788 : i32 to index
      %get3A_792 = arith.constant 32 : index
      %get3A_793 = tpu.vector_load %arg6[%get3A_790, %get3A_791, %get3A_792] {strides = array<i32>} : memref<2x320x128xf32, #tpu.memory_space<vmem>>, vector<1x1x16xf32>,
      %get3A_794 = vector.shape_cast %get3A_793 : vector<1x1x16xf32> to vector<16xf32>
      %add3A_795 = arith.constant 16 : i32
      %add3A_796 = arith.addi %mul3A_290, %add3A_795 : i32
      %get3A_797 = arith.constant 1 : i32
      %get3A_798 = arith.index_cast %get3A_797 : i32 to index
      %get3A_799 = arith.index_cast %add3A_796 : i32 to index
      %get3A_800 = arith.constant 32 : index
      %get3A_801 = tpu.vector_load %arg6[%get3A_798, %get3A_799, %get3A_800] {strides = array<i32>} : memref<2x320x128xf32, #tpu.memory_space<vmem>>, vector<1x1x16xf32>,
      %get3A_802 = vector.shape_cast %get3A_801 : vector<1x1x16xf32> to vector<16xf32>
      %add3A_803 = arith.constant 17 : i32
      %add3A_804 = arith.addi %mul3A_290, %add3A_803 : i32
      %get3A_805 = arith.constant 1 : i32
      %get3A_806 = arith.index_cast %get3A_805 : i32 to index
      %get3A_807 = arith.index_cast %add3A_804 : i32 to index
      %get3A_808 = arith.constant 32 : index
      %get3A_809 = tpu.vector_load %arg6[%get3A_806, %get3A_807, %get3A_808] {strides = array<i32>} : memref<2x320x128xf32, #tpu.memory_space<vmem>>, vector<1x1x16xf32>,
      %get3A_810 = vector.shape_cast %get3A_809 : vector<1x1x16xf32> to vector<16xf32>
      %add3A_811 = arith.constant 18 : i32
      %add3A_812 = arith.addi %mul3A_290, %add3A_811 : i32
      %get3A_813 = arith.constant 1 : i32
      %get3A_814 = arith.index_cast %get3A_813 : i32 to index
      %get3A_815 = arith.index_cast %add3A_812 : i32 to index
      %get3A_816 = arith.constant 32 : index
      %get3A_817 = tpu.vector_load %arg6[%get3A_814, %get3A_815, %get3A_816] {strides = array<i32>} : memref<2x320x128xf32, #tpu.memory_space<vmem>>, vector<1x1x16xf32>,
      %get3A_818 = vector.shape_cast %get3A_817 : vector<1x1x16xf32> to vector<16xf32>
      %add3A_819 = arith.constant 19 : i32
      %add3A_820 = arith.addi %mul3A_290, %add3A_819 : i32
      %get3A_821 = arith.constant 1 : i32
      %get3A_822 = arith.index_cast %get3A_821 : i32 to index
      %get3A_823 = arith.index_cast %add3A_820 : i32 to index
      %get3A_824 = arith.constant 32 : index
      %get3A_825 = tpu.vector_load %arg6[%get3A_822, %get3A_823, %get3A_824] {strides = array<i32>} : memref<2x320x128xf32, #tpu.memory_space<vmem>>, vector<1x1x16xf32>,
      %get3A_826 = vector.shape_cast %get3A_825 : vector<1x1x16xf32> to vector<16xf32>
      %add3A_827 = arith.addf %get3A_674, %get3A_682 : vector<16xf32>
      %add3A_828 = arith.addf %get3A_690, %get3A_698 : vector<16xf32>
      %add3A_829 = arith.addf %get3A_706, %get3A_714 : vector<16xf32>
      %add3A_830 = arith.addf %get3A_722, %get3A_730 : vector<16xf32>
      %add3A_831 = arith.addf %get3A_738, %get3A_746 : vector<16xf32>
      %add3A_832 = arith.addf %get3A_754, %get3A_762 : vector<16xf32>
      %add3A_833 = arith.addf %get3A_770, %get3A_778 : vector<16xf32>
      %add3A_834 = arith.addf %get3A_786, %get3A_794 : vector<16xf32>
      %add3A_835 = arith.addf %get3A_802, %get3A_810 : vector<16xf32>
      %add3A_836 = arith.addf %get3A_818, %get3A_826 : vector<16xf32>
      %add3A_837 = arith.addf %add3A_827, %add3A_828 : vector<16xf32>
      %add3A_838 = arith.addf %add3A_829, %add3A_830 : vector<16xf32>
      %add3A_839 = arith.addf %add3A_831, %add3A_832 : vector<16xf32>
      %add3A_840 = arith.addf %add3A_833, %add3A_834 : vector<16xf32>
      %add3A_841 = arith.addf %add3A_835, %add3A_836 : vector<16xf32>
      %add3A_842 = arith.addf %add3A_837, %add3A_838 : vector<16xf32>
      %add3A_843 = arith.addf %add3A_839, %add3A_840 : vector<16xf32>
      %add3A_844 = arith.addf %add3A_842, %add3A_843 : vector<16xf32>
      %add3A_845 = arith.addf %add3A_844, %add3A_841 : vector<16xf32>
      %mul3A_846 = arith.constant 5.000000e-02 : f32
      %mul3A_847 = vector.broadcast %mul3A_846 : f32 to vector<16xf32>
      %mul3A_848 = arith.mulf %add3A_845, %mul3A_847 : vector<16xf32>
      %swap3A_849 = arith.constant 7 : i32
      %swap3A_850 = arith.index_cast %swap3A_849 : i32 to index
      %swap3A_851 = arith.index_cast %scan3A_287 : i32 to index
      %swap3A_852 = arith.constant 32 : index
      %swap3A_853 = tpu.vector_load %arg7[%swap3A_850, %swap3A_851, %swap3A_852] {strides = array<i32>} : memref<8x16x128xf32, #tpu.memory_space<vmem>>, vector<1x1x16xf32>,
      %swap3A_854 = vector.shape_cast %swap3A_853 : vector<1x1x16xf32> to vector<16xf32>
      %swap3A_855 = vector.shape_cast %mul3A_848 : vector<16xf32> to vector<1x1x16xf32>
      tpu.vector_store %arg7[%swap3A_850, %swap3A_851, %swap3A_852], %swap3A_855 {strides = array<i32>} : memref<8x16x128xf32, #tpu.memory_space<vmem>>, vector<1x1x16xf32>,
      %add3A_856 = arith.constant 0 : i32
      %add3A_857 = arith.addi %mul3A_290, %add3A_856 : i32
      %get3A_858 = arith.constant 1 : i32
      %get3A_859 = arith.index_cast %get3A_858 : i32 to index
      %get3A_860 = arith.index_cast %add3A_857 : i32 to index
      %get3A_861 = arith.constant 48 : index
      %get3A_862 = tpu.vector_load %arg6[%get3A_859, %get3A_860, %get3A_861] {strides = array<i32>} : memref<2x320x128xf32, #tpu.memory_space<vmem>>, vector<1x1x16xf32>,
      %get3A_863 = vector.shape_cast %get3A_862 : vector<1x1x16xf32> to vector<16xf32>
      %add3A_864 = arith.constant 1 : i32
      %add3A_865 = arith.addi %mul3A_290, %add3A_864 : i32
      %get3A_866 = arith.constant 1 : i32
      %get3A_867 = arith.index_cast %get3A_866 : i32 to index
      %get3A_868 = arith.index_cast %add3A_865 : i32 to index
      %get3A_869 = arith.constant 48 : index
      %get3A_870 = tpu.vector_load %arg6[%get3A_867, %get3A_868, %get3A_869] {strides = array<i32>} : memref<2x320x128xf32, #tpu.memory_space<vmem>>, vector<1x1x16xf32>,
      %get3A_871 = vector.shape_cast %get3A_870 : vector<1x1x16xf32> to vector<16xf32>
      %add3A_872 = arith.constant 2 : i32
      %add3A_873 = arith.addi %mul3A_290, %add3A_872 : i32
      %get3A_874 = arith.constant 1 : i32
      %get3A_875 = arith.index_cast %get3A_874 : i32 to index
      %get3A_876 = arith.index_cast %add3A_873 : i32 to index
      %get3A_877 = arith.constant 48 : index
      %get3A_878 = tpu.vector_load %arg6[%get3A_875, %get3A_876, %get3A_877] {strides = array<i32>} : memref<2x320x128xf32, #tpu.memory_space<vmem>>, vector<1x1x16xf32>,
      %get3A_879 = vector.shape_cast %get3A_878 : vector<1x1x16xf32> to vector<16xf32>
      %add3A_880 = arith.constant 3 : i32
      %add3A_881 = arith.addi %mul3A_290, %add3A_880 : i32
      %get3A_882 = arith.constant 1 : i32
      %get3A_883 = arith.index_cast %get3A_882 : i32 to index
      %get3A_884 = arith.index_cast %add3A_881 : i32 to index
      %get3A_885 = arith.constant 48 : index
      %get3A_886 = tpu.vector_load %arg6[%get3A_883, %get3A_884, %get3A_885] {strides = array<i32>} : memref<2x320x128xf32, #tpu.memory_space<vmem>>, vector<1x1x16xf32>,
      %get3A_887 = vector.shape_cast %get3A_886 : vector<1x1x16xf32> to vector<16xf32>
      %add3A_888 = arith.constant 4 : i32
      %add3A_889 = arith.addi %mul3A_290, %add3A_888 : i32
      %get3A_890 = arith.constant 1 : i32
      %get3A_891 = arith.index_cast %get3A_890 : i32 to index
      %get3A_892 = arith.index_cast %add3A_889 : i32 to index
      %get3A_893 = arith.constant 48 : index
      %get3A_894 = tpu.vector_load %arg6[%get3A_891, %get3A_892, %get3A_893] {strides = array<i32>} : memref<2x320x128xf32, #tpu.memory_space<vmem>>, vector<1x1x16xf32>,
      %get3A_895 = vector.shape_cast %get3A_894 : vector<1x1x16xf32> to vector<16xf32>
      %add3A_896 = arith.constant 5 : i32
      %add3A_897 = arith.addi %mul3A_290, %add3A_896 : i32
      %get3A_898 = arith.constant 1 : i32
      %get3A_899 = arith.index_cast %get3A_898 : i32 to index
      %get3A_900 = arith.index_cast %add3A_897 : i32 to index
      %get3A_901 = arith.constant 48 : index
      %get3A_902 = tpu.vector_load %arg6[%get3A_899, %get3A_900, %get3A_901] {strides = array<i32>} : memref<2x320x128xf32, #tpu.memory_space<vmem>>, vector<1x1x16xf32>,
      %get3A_903 = vector.shape_cast %get3A_902 : vector<1x1x16xf32> to vector<16xf32>
      %add3A_904 = arith.constant 6 : i32
      %add3A_905 = arith.addi %mul3A_290, %add3A_904 : i32
      %get3A_906 = arith.constant 1 : i32
      %get3A_907 = arith.index_cast %get3A_906 : i32 to index
      %get3A_908 = arith.index_cast %add3A_905 : i32 to index
      %get3A_909 = arith.constant 48 : index
      %get3A_910 = tpu.vector_load %arg6[%get3A_907, %get3A_908, %get3A_909] {strides = array<i32>} : memref<2x320x128xf32, #tpu.memory_space<vmem>>, vector<1x1x16xf32>,
      %get3A_911 = vector.shape_cast %get3A_910 : vector<1x1x16xf32> to vector<16xf32>
      %add3A_912 = arith.constant 7 : i32
      %add3A_913 = arith.addi %mul3A_290, %add3A_912 : i32
      %get3A_914 = arith.constant 1 : i32
      %get3A_915 = arith.index_cast %get3A_914 : i32 to index
      %get3A_916 = arith.index_cast %add3A_913 : i32 to index
      %get3A_917 = arith.constant 48 : index
      %get3A_918 = tpu.vector_load %arg6[%get3A_915, %get3A_916, %get3A_917] {strides = array<i32>} : memref<2x320x128xf32, #tpu.memory_space<vmem>>, vector<1x1x16xf32>,
      %get3A_919 = vector.shape_cast %get3A_918 : vector<1x1x16xf32> to vector<16xf32>
      %add3A_920 = arith.constant 8 : i32
      %add3A_921 = arith.addi %mul3A_290, %add3A_920 : i32
      %get3A_922 = arith.constant 1 : i32
      %get3A_923 = arith.index_cast %get3A_922 : i32 to index
      %get3A_924 = arith.index_cast %add3A_921 : i32 to index
      %get3A_925 = arith.constant 48 : index
      %get3A_926 = tpu.vector_load %arg6[%get3A_923, %get3A_924, %get3A_925] {strides = array<i32>} : memref<2x320x128xf32, #tpu.memory_space<vmem>>, vector<1x1x16xf32>,
      %get3A_927 = vector.shape_cast %get3A_926 : vector<1x1x16xf32> to vector<16xf32>
      %add3A_928 = arith.constant 9 : i32
      %add3A_929 = arith.addi %mul3A_290, %add3A_928 : i32
      %get3A_930 = arith.constant 1 : i32
      %get3A_931 = arith.index_cast %get3A_930 : i32 to index
      %get3A_932 = arith.index_cast %add3A_929 : i32 to index
      %get3A_933 = arith.constant 48 : index
      %get3A_934 = tpu.vector_load %arg6[%get3A_931, %get3A_932, %get3A_933] {strides = array<i32>} : memref<2x320x128xf32, #tpu.memory_space<vmem>>, vector<1x1x16xf32>,
      %get3A_935 = vector.shape_cast %get3A_934 : vector<1x1x16xf32> to vector<16xf32>
      %add3A_936 = arith.constant 10 : i32
      %add3A_937 = arith.addi %mul3A_290, %add3A_936 : i32
      %get3A_938 = arith.constant 1 : i32
      %get3A_939 = arith.index_cast %get3A_938 : i32 to index
      %get3A_940 = arith.index_cast %add3A_937 : i32 to index
      %get3A_941 = arith.constant 48 : index
      %get3A_942 = tpu.vector_load %arg6[%get3A_939, %get3A_940, %get3A_941] {strides = array<i32>} : memref<2x320x128xf32, #tpu.memory_space<vmem>>, vector<1x1x16xf32>,
      %get3A_943 = vector.shape_cast %get3A_942 : vector<1x1x16xf32> to vector<16xf32>
      %add3A_944 = arith.constant 11 : i32
      %add3A_945 = arith.addi %mul3A_290, %add3A_944 : i32
      %get3A_946 = arith.constant 1 : i32
      %get3A_947 = arith.index_cast %get3A_946 : i32 to index
      %get3A_948 = arith.index_cast %add3A_945 : i32 to index
      %get3A_949 = arith.constant 48 : index
      %get3A_950 = tpu.vector_load %arg6[%get3A_947, %get3A_948, %get3A_949] {strides = array<i32>} : memref<2x320x128xf32, #tpu.memory_space<vmem>>, vector<1x1x16xf32>,
      %get3A_951 = vector.shape_cast %get3A_950 : vector<1x1x16xf32> to vector<16xf32>
      %add3A_952 = arith.constant 12 : i32
      %add3A_953 = arith.addi %mul3A_290, %add3A_952 : i32
      %get3A_954 = arith.constant 1 : i32
      %get3A_955 = arith.index_cast %get3A_954 : i32 to index
      %get3A_956 = arith.index_cast %add3A_953 : i32 to index
      %get3A_957 = arith.constant 48 : index
      %get3A_958 = tpu.vector_load %arg6[%get3A_955, %get3A_956, %get3A_957] {strides = array<i32>} : memref<2x320x128xf32, #tpu.memory_space<vmem>>, vector<1x1x16xf32>,
      %get3A_959 = vector.shape_cast %get3A_958 : vector<1x1x16xf32> to vector<16xf32>
      %add3A_960 = arith.constant 13 : i32
      %add3A_961 = arith.addi %mul3A_290, %add3A_960 : i32
      %get3A_962 = arith.constant 1 : i32
      %get3A_963 = arith.index_cast %get3A_962 : i32 to index
      %get3A_964 = arith.index_cast %add3A_961 : i32 to index
      %get3A_965 = arith.constant 48 : index
      %get3A_966 = tpu.vector_load %arg6[%get3A_963, %get3A_964, %get3A_965] {strides = array<i32>} : memref<2x320x128xf32, #tpu.memory_space<vmem>>, vector<1x1x16xf32>,
      %get3A_967 = vector.shape_cast %get3A_966 : vector<1x1x16xf32> to vector<16xf32>
      %add3A_968 = arith.constant 14 : i32
      %add3A_969 = arith.addi %mul3A_290, %add3A_968 : i32
      %get3A_970 = arith.constant 1 : i32
      %get3A_971 = arith.index_cast %get3A_970 : i32 to index
      %get3A_972 = arith.index_cast %add3A_969 : i32 to index
      %get3A_973 = arith.constant 48 : index
      %get3A_974 = tpu.vector_load %arg6[%get3A_971, %get3A_972, %get3A_973] {strides = array<i32>} : memref<2x320x128xf32, #tpu.memory_space<vmem>>, vector<1x1x16xf32>,
      %get3A_975 = vector.shape_cast %get3A_974 : vector<1x1x16xf32> to vector<16xf32>
      %add3A_976 = arith.constant 15 : i32
      %add3A_977 = arith.addi %mul3A_290, %add3A_976 : i32
      %get3A_978 = arith.constant 1 : i32
      %get3A_979 = arith.index_cast %get3A_978 : i32 to index
      %get3A_980 = arith.index_cast %add3A_977 : i32 to index
      %get3A_981 = arith.constant 48 : index
      %get3A_982 = tpu.vector_load %arg6[%get3A_979, %get3A_980, %get3A_981] {strides = array<i32>} : memref<2x320x128xf32, #tpu.memory_space<vmem>>, vector<1x1x16xf32>,
      %get3A_983 = vector.shape_cast %get3A_982 : vector<1x1x16xf32> to vector<16xf32>
      %add3A_984 = arith.constant 16 : i32
      %add3A_985 = arith.addi %mul3A_290, %add3A_984 : i32
      %get3A_986 = arith.constant 1 : i32
      %get3A_987 = arith.index_cast %get3A_986 : i32 to index
      %get3A_988 = arith.index_cast %add3A_985 : i32 to index
      %get3A_989 = arith.constant 48 : index
      %get3A_990 = tpu.vector_load %arg6[%get3A_987, %get3A_988, %get3A_989] {strides = array<i32>} : memref<2x320x128xf32, #tpu.memory_space<vmem>>, vector<1x1x16xf32>,
      %get3A_991 = vector.shape_cast %get3A_990 : vector<1x1x16xf32> to vector<16xf32>
      %add3A_992 = arith.constant 17 : i32
      %add3A_993 = arith.addi %mul3A_290, %add3A_992 : i32
      %get3A_994 = arith.constant 1 : i32
      %get3A_995 = arith.index_cast %get3A_994 : i32 to index
      %get3A_996 = arith.index_cast %add3A_993 : i32 to index
      %get3A_997 = arith.constant 48 : index
      %get3A_998 = tpu.vector_load %arg6[%get3A_995, %get3A_996, %get3A_997] {strides = array<i32>} : memref<2x320x128xf32, #tpu.memory_space<vmem>>, vector<1x1x16xf32>,
      %get3A_999 = vector.shape_cast %get3A_998 : vector<1x1x16xf32> to vector<16xf32>
      %add3A_1000 = arith.constant 18 : i32
      %add3A_1001 = arith.addi %mul3A_290, %add3A_1000 : i32
      %get3A_1002 = arith.constant 1 : i32
      %get3A_1003 = arith.index_cast %get3A_1002 : i32 to index
      %get3A_1004 = arith.index_cast %add3A_1001 : i32 to index
      %get3A_1005 = arith.constant 48 : index
      %get3A_1006 = tpu.vector_load %arg6[%get3A_1003, %get3A_1004, %get3A_1005] {strides = array<i32>} : memref<2x320x128xf32, #tpu.memory_space<vmem>>, vector<1x1x16xf32>,
      %get3A_1007 = vector.shape_cast %get3A_1006 : vector<1x1x16xf32> to vector<16xf32>
      %add3A_1008 = arith.constant 19 : i32
      %add3A_1009 = arith.addi %mul3A_290, %add3A_1008 : i32
      %get3A_1010 = arith.constant 1 : i32
      %get3A_1011 = arith.index_cast %get3A_1010 : i32 to index
      %get3A_1012 = arith.index_cast %add3A_1009 : i32 to index
      %get3A_1013 = arith.constant 48 : index
      %get3A_1014 = tpu.vector_load %arg6[%get3A_1011, %get3A_1012, %get3A_1013] {strides = array<i32>} : memref<2x320x128xf32, #tpu.memory_space<vmem>>, vector<1x1x16xf32>,
      %get3A_1015 = vector.shape_cast %get3A_1014 : vector<1x1x16xf32> to vector<16xf32>
      %add3A_1016 = arith.addf %get3A_863, %get3A_871 : vector<16xf32>
      %add3A_1017 = arith.addf %get3A_879, %get3A_887 : vector<16xf32>
      %add3A_1018 = arith.addf %get3A_895, %get3A_903 : vector<16xf32>
      %add3A_1019 = arith.addf %get3A_911, %get3A_919 : vector<16xf32>
      %add3A_1020 = arith.addf %get3A_927, %get3A_935 : vector<16xf32>
      %add3A_1021 = arith.addf %get3A_943, %get3A_951 : vector<16xf32>
      %add3A_1022 = arith.addf %get3A_959, %get3A_967 : vector<16xf32>
      %add3A_1023 = arith.addf %get3A_975, %get3A_983 : vector<16xf32>
      %add3A_1024 = arith.addf %get3A_991, %get3A_999 : vector<16xf32>
      %add3A_1025 = arith.addf %get3A_1007, %get3A_1015 : vector<16xf32>
      %add3A_1026 = arith.addf %add3A_1016, %add3A_1017 : vector<16xf32>
      %add3A_1027 = arith.addf %add3A_1018, %add3A_1019 : vector<16xf32>
      %add3A_1028 = arith.addf %add3A_1020, %add3A_1021 : vector<16xf32>
      %add3A_1029 = arith.addf %add3A_1022, %add3A_1023 : vector<16xf32>
      %add3A_1030 = arith.addf %add3A_1024, %add3A_1025 : vector<16xf32>
      %add3A_1031 = arith.addf %add3A_1026, %add3A_1027 : vector<16xf32>
      %add3A_1032 = arith.addf %add3A_1028, %add3A_1029 : vector<16xf32>
      %add3A_1033 = arith.addf %add3A_1031, %add3A_1032 : vector<16xf32>
      %add3A_1034 = arith.addf %add3A_1033, %add3A_1030 : vector<16xf32>
      %mul3A_1035 = arith.constant 5.000000e-02 : f32
      %mul3A_1036 = vector.broadcast %mul3A_1035 : f32 to vector<16xf32>
      %mul3A_1037 = arith.mulf %add3A_1034, %mul3A_1036 : vector<16xf32>
      %swap3A_1038 = arith.constant 7 : i32
      %swap3A_1039 = arith.index_cast %swap3A_1038 : i32 to index
      %swap3A_1040 = arith.index_cast %scan3A_287 : i32 to index
      %swap3A_1041 = arith.constant 48 : index
      %swap3A_1042 = tpu.vector_load %arg7[%swap3A_1039, %swap3A_1040, %swap3A_1041] {strides = array<i32>} : memref<8x16x128xf32, #tpu.memory_space<vmem>>, vector<1x1x16xf32>,
      %swap3A_1043 = vector.shape_cast %swap3A_1042 : vector<1x1x16xf32> to vector<16xf32>
      %swap3A_1044 = vector.shape_cast %mul3A_1037 : vector<16xf32> to vector<1x1x16xf32>
      tpu.vector_store %arg7[%swap3A_1039, %swap3A_1040, %swap3A_1041], %swap3A_1044 {strides = array<i32>} : memref<8x16x128xf32, #tpu.memory_space<vmem>>, vector<1x1x16xf32>,
      %add3A_1045 = arith.constant 0 : i32
      %add3A_1046 = arith.addi %mul3A_290, %add3A_1045 : i32
      %get3A_1047 = arith.constant 1 : i32
      %get3A_1048 = arith.index_cast %get3A_1047 : i32 to index
      %get3A_1049 = arith.index_cast %add3A_1046 : i32 to index
      %get3A_1050 = arith.constant 64 : index
      %get3A_1051 = tpu.vector_load %arg6[%get3A_1048, %get3A_1049, %get3A_1050] {strides = array<i32>} : memref<2x320x128xf32, #tpu.memory_space<vmem>>, vector<1x1x16xf32>,
      %get3A_1052 = vector.shape_cast %get3A_1051 : vector<1x1x16xf32> to vector<16xf32>
      %add3A_1053 = arith.constant 1 : i32
      %add3A_1054 = arith.addi %mul3A_290, %add3A_1053 : i32
      %get3A_1055 = arith.constant 1 : i32
      %get3A_1056 = arith.index_cast %get3A_1055 : i32 to index
      %get3A_1057 = arith.index_cast %add3A_1054 : i32 to index
      %get3A_1058 = arith.constant 64 : index
      %get3A_1059 = tpu.vector_load %arg6[%get3A_1056, %get3A_1057, %get3A_1058] {strides = array<i32>} : memref<2x320x128xf32, #tpu.memory_space<vmem>>, vector<1x1x16xf32>,
      %get3A_1060 = vector.shape_cast %get3A_1059 : vector<1x1x16xf32> to vector<16xf32>
      %add3A_1061 = arith.constant 2 : i32
      %add3A_1062 = arith.addi %mul3A_290, %add3A_1061 : i32
      %get3A_1063 = arith.constant 1 : i32
      %get3A_1064 = arith.index_cast %get3A_1063 : i32 to index
      %get3A_1065 = arith.index_cast %add3A_1062 : i32 to index
      %get3A_1066 = arith.constant 64 : index
      %get3A_1067 = tpu.vector_load %arg6[%get3A_1064, %get3A_1065, %get3A_1066] {strides = array<i32>} : memref<2x320x128xf32, #tpu.memory_space<vmem>>, vector<1x1x16xf32>,
      %get3A_1068 = vector.shape_cast %get3A_1067 : vector<1x1x16xf32> to vector<16xf32>
      %add3A_1069 = arith.constant 3 : i32
      %add3A_1070 = arith.addi %mul3A_290, %add3A_1069 : i32
      %get3A_1071 = arith.constant 1 : i32
      %get3A_1072 = arith.index_cast %get3A_1071 : i32 to index
      %get3A_1073 = arith.index_cast %add3A_1070 : i32 to index
      %get3A_1074 = arith.constant 64 : index
      %get3A_1075 = tpu.vector_load %arg6[%get3A_1072, %get3A_1073, %get3A_1074] {strides = array<i32>} : memref<2x320x128xf32, #tpu.memory_space<vmem>>, vector<1x1x16xf32>,
      %get3A_1076 = vector.shape_cast %get3A_1075 : vector<1x1x16xf32> to vector<16xf32>
      %add3A_1077 = arith.constant 4 : i32
      %add3A_1078 = arith.addi %mul3A_290, %add3A_1077 : i32
      %get3A_1079 = arith.constant 1 : i32
      %get3A_1080 = arith.index_cast %get3A_1079 : i32 to index
      %get3A_1081 = arith.index_cast %add3A_1078 : i32 to index
      %get3A_1082 = arith.constant 64 : index
      %get3A_1083 = tpu.vector_load %arg6[%get3A_1080, %get3A_1081, %get3A_1082] {strides = array<i32>} : memref<2x320x128xf32, #tpu.memory_space<vmem>>, vector<1x1x16xf32>,
      %get3A_1084 = vector.shape_cast %get3A_1083 : vector<1x1x16xf32> to vector<16xf32>
      %add3A_1085 = arith.constant 5 : i32
      %add3A_1086 = arith.addi %mul3A_290, %add3A_1085 : i32
      %get3A_1087 = arith.constant 1 : i32
      %get3A_1088 = arith.index_cast %get3A_1087 : i32 to index
      %get3A_1089 = arith.index_cast %add3A_1086 : i32 to index
      %get3A_1090 = arith.constant 64 : index
      %get3A_1091 = tpu.vector_load %arg6[%get3A_1088, %get3A_1089, %get3A_1090] {strides = array<i32>} : memref<2x320x128xf32, #tpu.memory_space<vmem>>, vector<1x1x16xf32>,
      %get3A_1092 = vector.shape_cast %get3A_1091 : vector<1x1x16xf32> to vector<16xf32>
      %add3A_1093 = arith.constant 6 : i32
      %add3A_1094 = arith.addi %mul3A_290, %add3A_1093 : i32
      %get3A_1095 = arith.constant 1 : i32
      %get3A_1096 = arith.index_cast %get3A_1095 : i32 to index
      %get3A_1097 = arith.index_cast %add3A_1094 : i32 to index
      %get3A_1098 = arith.constant 64 : index
      %get3A_1099 = tpu.vector_load %arg6[%get3A_1096, %get3A_1097, %get3A_1098] {strides = array<i32>} : memref<2x320x128xf32, #tpu.memory_space<vmem>>, vector<1x1x16xf32>,
      %get3A_1100 = vector.shape_cast %get3A_1099 : vector<1x1x16xf32> to vector<16xf32>
      %add3A_1101 = arith.constant 7 : i32
      %add3A_1102 = arith.addi %mul3A_290, %add3A_1101 : i32
      %get3A_1103 = arith.constant 1 : i32
      %get3A_1104 = arith.index_cast %get3A_1103 : i32 to index
      %get3A_1105 = arith.index_cast %add3A_1102 : i32 to index
      %get3A_1106 = arith.constant 64 : index
      %get3A_1107 = tpu.vector_load %arg6[%get3A_1104, %get3A_1105, %get3A_1106] {strides = array<i32>} : memref<2x320x128xf32, #tpu.memory_space<vmem>>, vector<1x1x16xf32>,
      %get3A_1108 = vector.shape_cast %get3A_1107 : vector<1x1x16xf32> to vector<16xf32>
      %add3A_1109 = arith.constant 8 : i32
      %add3A_1110 = arith.addi %mul3A_290, %add3A_1109 : i32
      %get3A_1111 = arith.constant 1 : i32
      %get3A_1112 = arith.index_cast %get3A_1111 : i32 to index
      %get3A_1113 = arith.index_cast %add3A_1110 : i32 to index
      %get3A_1114 = arith.constant 64 : index
      %get3A_1115 = tpu.vector_load %arg6[%get3A_1112, %get3A_1113, %get3A_1114] {strides = array<i32>} : memref<2x320x128xf32, #tpu.memory_space<vmem>>, vector<1x1x16xf32>,
      %get3A_1116 = vector.shape_cast %get3A_1115 : vector<1x1x16xf32> to vector<16xf32>
      %add3A_1117 = arith.constant 9 : i32
      %add3A_1118 = arith.addi %mul3A_290, %add3A_1117 : i32
      %get3A_1119 = arith.constant 1 : i32
      %get3A_1120 = arith.index_cast %get3A_1119 : i32 to index
      %get3A_1121 = arith.index_cast %add3A_1118 : i32 to index
      %get3A_1122 = arith.constant 64 : index
      %get3A_1123 = tpu.vector_load %arg6[%get3A_1120, %get3A_1121, %get3A_1122] {strides = array<i32>} : memref<2x320x128xf32, #tpu.memory_space<vmem>>, vector<1x1x16xf32>,
      %get3A_1124 = vector.shape_cast %get3A_1123 : vector<1x1x16xf32> to vector<16xf32>
      %add3A_1125 = arith.constant 10 : i32
      %add3A_1126 = arith.addi %mul3A_290, %add3A_1125 : i32
      %get3A_1127 = arith.constant 1 : i32
      %get3A_1128 = arith.index_cast %get3A_1127 : i32 to index
      %get3A_1129 = arith.index_cast %add3A_1126 : i32 to index
      %get3A_1130 = arith.constant 64 : index
      %get3A_1131 = tpu.vector_load %arg6[%get3A_1128, %get3A_1129, %get3A_1130] {strides = array<i32>} : memref<2x320x128xf32, #tpu.memory_space<vmem>>, vector<1x1x16xf32>,
      %get3A_1132 = vector.shape_cast %get3A_1131 : vector<1x1x16xf32> to vector<16xf32>
      %add3A_1133 = arith.constant 11 : i32
      %add3A_1134 = arith.addi %mul3A_290, %add3A_1133 : i32
      %get3A_1135 = arith.constant 1 : i32
      %get3A_1136 = arith.index_cast %get3A_1135 : i32 to index
      %get3A_1137 = arith.index_cast %add3A_1134 : i32 to index
      %get3A_1138 = arith.constant 64 : index
      %get3A_1139 = tpu.vector_load %arg6[%get3A_1136, %get3A_1137, %get3A_1138] {strides = array<i32>} : memref<2x320x128xf32, #tpu.memory_space<vmem>>, vector<1x1x16xf32>,
      %get3A_1140 = vector.shape_cast %get3A_1139 : vector<1x1x16xf32> to vector<16xf32>
      %add3A_1141 = arith.constant 12 : i32
      %add3A_1142 = arith.addi %mul3A_290, %add3A_1141 : i32
      %get3A_1143 = arith.constant 1 : i32
      %get3A_1144 = arith.index_cast %get3A_1143 : i32 to index
      %get3A_1145 = arith.index_cast %add3A_1142 : i32 to index
      %get3A_1146 = arith.constant 64 : index
      %get3A_1147 = tpu.vector_load %arg6[%get3A_1144, %get3A_1145, %get3A_1146] {strides = array<i32>} : memref<2x320x128xf32, #tpu.memory_space<vmem>>, vector<1x1x16xf32>,
      %get3A_1148 = vector.shape_cast %get3A_1147 : vector<1x1x16xf32> to vector<16xf32>
      %add3A_1149 = arith.constant 13 : i32
      %add3A_1150 = arith.addi %mul3A_290, %add3A_1149 : i32
      %get3A_1151 = arith.constant 1 : i32
      %get3A_1152 = arith.index_cast %get3A_1151 : i32 to index
      %get3A_1153 = arith.index_cast %add3A_1150 : i32 to index
      %get3A_1154 = arith.constant 64 : index
      %get3A_1155 = tpu.vector_load %arg6[%get3A_1152, %get3A_1153, %get3A_1154] {strides = array<i32>} : memref<2x320x128xf32, #tpu.memory_space<vmem>>, vector<1x1x16xf32>,
      %get3A_1156 = vector.shape_cast %get3A_1155 : vector<1x1x16xf32> to vector<16xf32>
      %add3A_1157 = arith.constant 14 : i32
      %add3A_1158 = arith.addi %mul3A_290, %add3A_1157 : i32
      %get3A_1159 = arith.constant 1 : i32
      %get3A_1160 = arith.index_cast %get3A_1159 : i32 to index
      %get3A_1161 = arith.index_cast %add3A_1158 : i32 to index
      %get3A_1162 = arith.constant 64 : index
      %get3A_1163 = tpu.vector_load %arg6[%get3A_1160, %get3A_1161, %get3A_1162] {strides = array<i32>} : memref<2x320x128xf32, #tpu.memory_space<vmem>>, vector<1x1x16xf32>,
      %get3A_1164 = vector.shape_cast %get3A_1163 : vector<1x1x16xf32> to vector<16xf32>
      %add3A_1165 = arith.constant 15 : i32
      %add3A_1166 = arith.addi %mul3A_290, %add3A_1165 : i32
      %get3A_1167 = arith.constant 1 : i32
      %get3A_1168 = arith.index_cast %get3A_1167 : i32 to index
      %get3A_1169 = arith.index_cast %add3A_1166 : i32 to index
      %get3A_1170 = arith.constant 64 : index
      %get3A_1171 = tpu.vector_load %arg6[%get3A_1168, %get3A_1169, %get3A_1170] {strides = array<i32>} : memref<2x320x128xf32, #tpu.memory_space<vmem>>, vector<1x1x16xf32>,
      %get3A_1172 = vector.shape_cast %get3A_1171 : vector<1x1x16xf32> to vector<16xf32>
      %add3A_1173 = arith.constant 16 : i32
      %add3A_1174 = arith.addi %mul3A_290, %add3A_1173 : i32
      %get3A_1175 = arith.constant 1 : i32
      %get3A_1176 = arith.index_cast %get3A_1175 : i32 to index
      %get3A_1177 = arith.index_cast %add3A_1174 : i32 to index
      %get3A_1178 = arith.constant 64 : index
      %get3A_1179 = tpu.vector_load %arg6[%get3A_1176, %get3A_1177, %get3A_1178] {strides = array<i32>} : memref<2x320x128xf32, #tpu.memory_space<vmem>>, vector<1x1x16xf32>,
      %get3A_1180 = vector.shape_cast %get3A_1179 : vector<1x1x16xf32> to vector<16xf32>
      %add3A_1181 = arith.constant 17 : i32
      %add3A_1182 = arith.addi %mul3A_290, %add3A_1181 : i32
      %get3A_1183 = arith.constant 1 : i32
      %get3A_1184 = arith.index_cast %get3A_1183 : i32 to index
      %get3A_1185 = arith.index_cast %add3A_1182 : i32 to index
      %get3A_1186 = arith.constant 64 : index
      %get3A_1187 = tpu.vector_load %arg6[%get3A_1184, %get3A_1185, %get3A_1186] {strides = array<i32>} : memref<2x320x128xf32, #tpu.memory_space<vmem>>, vector<1x1x16xf32>,
      %get3A_1188 = vector.shape_cast %get3A_1187 : vector<1x1x16xf32> to vector<16xf32>
      %add3A_1189 = arith.constant 18 : i32
      %add3A_1190 = arith.addi %mul3A_290, %add3A_1189 : i32
      %get3A_1191 = arith.constant 1 : i32
      %get3A_1192 = arith.index_cast %get3A_1191 : i32 to index
      %get3A_1193 = arith.index_cast %add3A_1190 : i32 to index
      %get3A_1194 = arith.constant 64 : index
      %get3A_1195 = tpu.vector_load %arg6[%get3A_1192, %get3A_1193, %get3A_1194] {strides = array<i32>} : memref<2x320x128xf32, #tpu.memory_space<vmem>>, vector<1x1x16xf32>,
      %get3A_1196 = vector.shape_cast %get3A_1195 : vector<1x1x16xf32> to vector<16xf32>
      %add3A_1197 = arith.constant 19 : i32
      %add3A_1198 = arith.addi %mul3A_290, %add3A_1197 : i32
      %get3A_1199 = arith.constant 1 : i32
      %get3A_1200 = arith.index_cast %get3A_1199 : i32 to index
      %get3A_1201 = arith.index_cast %add3A_1198 : i32 to index
      %get3A_1202 = arith.constant 64 : index
      %get3A_1203 = tpu.vector_load %arg6[%get3A_1200, %get3A_1201, %get3A_1202] {strides = array<i32>} : memref<2x320x128xf32, #tpu.memory_space<vmem>>, vector<1x1x16xf32>,
      %get3A_1204 = vector.shape_cast %get3A_1203 : vector<1x1x16xf32> to vector<16xf32>
      %add3A_1205 = arith.addf %get3A_1052, %get3A_1060 : vector<16xf32>
      %add3A_1206 = arith.addf %get3A_1068, %get3A_1076 : vector<16xf32>
      %add3A_1207 = arith.addf %get3A_1084, %get3A_1092 : vector<16xf32>
      %add3A_1208 = arith.addf %get3A_1100, %get3A_1108 : vector<16xf32>
      %add3A_1209 = arith.addf %get3A_1116, %get3A_1124 : vector<16xf32>
      %add3A_1210 = arith.addf %get3A_1132, %get3A_1140 : vector<16xf32>
      %add3A_1211 = arith.addf %get3A_1148, %get3A_1156 : vector<16xf32>
      %add3A_1212 = arith.addf %get3A_1164, %get3A_1172 : vector<16xf32>
      %add3A_1213 = arith.addf %get3A_1180, %get3A_1188 : vector<16xf32>
      %add3A_1214 = arith.addf %get3A_1196, %get3A_1204 : vector<16xf32>
      %add3A_1215 = arith.addf %add3A_1205, %add3A_1206 : vector<16xf32>
      %add3A_1216 = arith.addf %add3A_1207, %add3A_1208 : vector<16xf32>
      %add3A_1217 = arith.addf %add3A_1209, %add3A_1210 : vector<16xf32>
      %add3A_1218 = arith.addf %add3A_1211, %add3A_1212 : vector<16xf32>
      %add3A_1219 = arith.addf %add3A_1213, %add3A_1214 : vector<16xf32>
      %add3A_1220 = arith.addf %add3A_1215, %add3A_1216 : vector<16xf32>
      %add3A_1221 = arith.addf %add3A_1217, %add3A_1218 : vector<16xf32>
      %add3A_1222 = arith.addf %add3A_1220, %add3A_1221 : vector<16xf32>
      %add3A_1223 = arith.addf %add3A_1222, %add3A_1219 : vector<16xf32>
      %mul3A_1224 = arith.constant 5.000000e-02 : f32
      %mul3A_1225 = vector.broadcast %mul3A_1224 : f32 to vector<16xf32>
      %mul3A_1226 = arith.mulf %add3A_1223, %mul3A_1225 : vector<16xf32>
      %swap3A_1227 = arith.constant 7 : i32
      %swap3A_1228 = arith.index_cast %swap3A_1227 : i32 to index
      %swap3A_1229 = arith.index_cast %scan3A_287 : i32 to index
      %swap3A_1230 = arith.constant 64 : index
      %swap3A_1231 = tpu.vector_load %arg7[%swap3A_1228, %swap3A_1229, %swap3A_1230] {strides = array<i32>} : memref<8x16x128xf32, #tpu.memory_space<vmem>>, vector<1x1x16xf32>,
      %swap3A_1232 = vector.shape_cast %swap3A_1231 : vector<1x1x16xf32> to vector<16xf32>
      %swap3A_1233 = vector.shape_cast %mul3A_1226 : vector<16xf32> to vector<1x1x16xf32>
      tpu.vector_store %arg7[%swap3A_1228, %swap3A_1229, %swap3A_1230], %swap3A_1233 {strides = array<i32>} : memref<8x16x128xf32, #tpu.memory_space<vmem>>, vector<1x1x16xf32>,
      %add3A_1234 = arith.constant 0 : i32
      %add3A_1235 = arith.addi %mul3A_290, %add3A_1234 : i32
      %get3A_1236 = arith.constant 1 : i32
      %get3A_1237 = arith.index_cast %get3A_1236 : i32 to index
      %get3A_1238 = arith.index_cast %add3A_1235 : i32 to index
      %get3A_1239 = arith.constant 80 : index
      %get3A_1240 = tpu.vector_load %arg6[%get3A_1237, %get3A_1238, %get3A_1239] {strides = array<i32>} : memref<2x320x128xf32, #tpu.memory_space<vmem>>, vector<1x1x16xf32>,
      %get3A_1241 = vector.shape_cast %get3A_1240 : vector<1x1x16xf32> to vector<16xf32>
      %add3A_1242 = arith.constant 1 : i32
      %add3A_1243 = arith.addi %mul3A_290, %add3A_1242 : i32
      %get3A_1244 = arith.constant 1 : i32
      %get3A_1245 = arith.index_cast %get3A_1244 : i32 to index
      %get3A_1246 = arith.index_cast %add3A_1243 : i32 to index
      %get3A_1247 = arith.constant 80 : index
      %get3A_1248 = tpu.vector_load %arg6[%get3A_1245, %get3A_1246, %get3A_1247] {strides = array<i32>} : memref<2x320x128xf32, #tpu.memory_space<vmem>>, vector<1x1x16xf32>,
      %get3A_1249 = vector.shape_cast %get3A_1248 : vector<1x1x16xf32> to vector<16xf32>
      %add3A_1250 = arith.constant 2 : i32
      %add3A_1251 = arith.addi %mul3A_290, %add3A_1250 : i32
      %get3A_1252 = arith.constant 1 : i32
      %get3A_1253 = arith.index_cast %get3A_1252 : i32 to index
      %get3A_1254 = arith.index_cast %add3A_1251 : i32 to index
      %get3A_1255 = arith.constant 80 : index
      %get3A_1256 = tpu.vector_load %arg6[%get3A_1253, %get3A_1254, %get3A_1255] {strides = array<i32>} : memref<2x320x128xf32, #tpu.memory_space<vmem>>, vector<1x1x16xf32>,
      %get3A_1257 = vector.shape_cast %get3A_1256 : vector<1x1x16xf32> to vector<16xf32>
      %add3A_1258 = arith.constant 3 : i32
      %add3A_1259 = arith.addi %mul3A_290, %add3A_1258 : i32
      %get3A_1260 = arith.constant 1 : i32
      %get3A_1261 = arith.index_cast %get3A_1260 : i32 to index
      %get3A_1262 = arith.index_cast %add3A_1259 : i32 to index
      %get3A_1263 = arith.constant 80 : index
      %get3A_1264 = tpu.vector_load %arg6[%get3A_1261, %get3A_1262, %get3A_1263] {strides = array<i32>} : memref<2x320x128xf32, #tpu.memory_space<vmem>>, vector<1x1x16xf32>,
      %get3A_1265 = vector.shape_cast %get3A_1264 : vector<1x1x16xf32> to vector<16xf32>
      %add3A_1266 = arith.constant 4 : i32
      %add3A_1267 = arith.addi %mul3A_290, %add3A_1266 : i32
      %get3A_1268 = arith.constant 1 : i32
      %get3A_1269 = arith.index_cast %get3A_1268 : i32 to index
      %get3A_1270 = arith.index_cast %add3A_1267 : i32 to index
      %get3A_1271 = arith.constant 80 : index
      %get3A_1272 = tpu.vector_load %arg6[%get3A_1269, %get3A_1270, %get3A_1271] {strides = array<i32>} : memref<2x320x128xf32, #tpu.memory_space<vmem>>, vector<1x1x16xf32>,
      %get3A_1273 = vector.shape_cast %get3A_1272 : vector<1x1x16xf32> to vector<16xf32>
      %add3A_1274 = arith.constant 5 : i32
      %add3A_1275 = arith.addi %mul3A_290, %add3A_1274 : i32
      %get3A_1276 = arith.constant 1 : i32
      %get3A_1277 = arith.index_cast %get3A_1276 : i32 to index
      %get3A_1278 = arith.index_cast %add3A_1275 : i32 to index
      %get3A_1279 = arith.constant 80 : index
      %get3A_1280 = tpu.vector_load %arg6[%get3A_1277, %get3A_1278, %get3A_1279] {strides = array<i32>} : memref<2x320x128xf32, #tpu.memory_space<vmem>>, vector<1x1x16xf32>,
      %get3A_1281 = vector.shape_cast %get3A_1280 : vector<1x1x16xf32> to vector<16xf32>
      %add3A_1282 = arith.constant 6 : i32
      %add3A_1283 = arith.addi %mul3A_290, %add3A_1282 : i32
      %get3A_1284 = arith.constant 1 : i32
      %get3A_1285 = arith.index_cast %get3A_1284 : i32 to index
      %get3A_1286 = arith.index_cast %add3A_1283 : i32 to index
      %get3A_1287 = arith.constant 80 : index
      %get3A_1288 = tpu.vector_load %arg6[%get3A_1285, %get3A_1286, %get3A_1287] {strides = array<i32>} : memref<2x320x128xf32, #tpu.memory_space<vmem>>, vector<1x1x16xf32>,
      %get3A_1289 = vector.shape_cast %get3A_1288 : vector<1x1x16xf32> to vector<16xf32>
      %add3A_1290 = arith.constant 7 : i32
      %add3A_1291 = arith.addi %mul3A_290, %add3A_1290 : i32
      %get3A_1292 = arith.constant 1 : i32
      %get3A_1293 = arith.index_cast %get3A_1292 : i32 to index
      %get3A_1294 = arith.index_cast %add3A_1291 : i32 to index
      %get3A_1295 = arith.constant 80 : index
      %get3A_1296 = tpu.vector_load %arg6[%get3A_1293, %get3A_1294, %get3A_1295] {strides = array<i32>} : memref<2x320x128xf32, #tpu.memory_space<vmem>>, vector<1x1x16xf32>,
      %get3A_1297 = vector.shape_cast %get3A_1296 : vector<1x1x16xf32> to vector<16xf32>
      %add3A_1298 = arith.constant 8 : i32
      %add3A_1299 = arith.addi %mul3A_290, %add3A_1298 : i32
      %get3A_1300 = arith.constant 1 : i32
      %get3A_1301 = arith.index_cast %get3A_1300 : i32 to index
      %get3A_1302 = arith.index_cast %add3A_1299 : i32 to index
      %get3A_1303 = arith.constant 80 : index
      %get3A_1304 = tpu.vector_load %arg6[%get3A_1301, %get3A_1302, %get3A_1303] {strides = array<i32>} : memref<2x320x128xf32, #tpu.memory_space<vmem>>, vector<1x1x16xf32>,
      %get3A_1305 = vector.shape_cast %get3A_1304 : vector<1x1x16xf32> to vector<16xf32>
      %add3A_1306 = arith.constant 9 : i32
      %add3A_1307 = arith.addi %mul3A_290, %add3A_1306 : i32
      %get3A_1308 = arith.constant 1 : i32
      %get3A_1309 = arith.index_cast %get3A_1308 : i32 to index
      %get3A_1310 = arith.index_cast %add3A_1307 : i32 to index
      %get3A_1311 = arith.constant 80 : index
      %get3A_1312 = tpu.vector_load %arg6[%get3A_1309, %get3A_1310, %get3A_1311] {strides = array<i32>} : memref<2x320x128xf32, #tpu.memory_space<vmem>>, vector<1x1x16xf32>,
      %get3A_1313 = vector.shape_cast %get3A_1312 : vector<1x1x16xf32> to vector<16xf32>
      %add3A_1314 = arith.constant 10 : i32
      %add3A_1315 = arith.addi %mul3A_290, %add3A_1314 : i32
      %get3A_1316 = arith.constant 1 : i32
      %get3A_1317 = arith.index_cast %get3A_1316 : i32 to index
      %get3A_1318 = arith.index_cast %add3A_1315 : i32 to index
      %get3A_1319 = arith.constant 80 : index
      %get3A_1320 = tpu.vector_load %arg6[%get3A_1317, %get3A_1318, %get3A_1319] {strides = array<i32>} : memref<2x320x128xf32, #tpu.memory_space<vmem>>, vector<1x1x16xf32>,
      %get3A_1321 = vector.shape_cast %get3A_1320 : vector<1x1x16xf32> to vector<16xf32>
      %add3A_1322 = arith.constant 11 : i32
      %add3A_1323 = arith.addi %mul3A_290, %add3A_1322 : i32
      %get3A_1324 = arith.constant 1 : i32
      %get3A_1325 = arith.index_cast %get3A_1324 : i32 to index
      %get3A_1326 = arith.index_cast %add3A_1323 : i32 to index
      %get3A_1327 = arith.constant 80 : index
      %get3A_1328 = tpu.vector_load %arg6[%get3A_1325, %get3A_1326, %get3A_1327] {strides = array<i32>} : memref<2x320x128xf32, #tpu.memory_space<vmem>>, vector<1x1x16xf32>,
      %get3A_1329 = vector.shape_cast %get3A_1328 : vector<1x1x16xf32> to vector<16xf32>
      %add3A_1330 = arith.constant 12 : i32
      %add3A_1331 = arith.addi %mul3A_290, %add3A_1330 : i32
      %get3A_1332 = arith.constant 1 : i32
      %get3A_1333 = arith.index_cast %get3A_1332 : i32 to index
      %get3A_1334 = arith.index_cast %add3A_1331 : i32 to index
      %get3A_1335 = arith.constant 80 : index
      %get3A_1336 = tpu.vector_load %arg6[%get3A_1333, %get3A_1334, %get3A_1335] {strides = array<i32>} : memref<2x320x128xf32, #tpu.memory_space<vmem>>, vector<1x1x16xf32>,
      %get3A_1337 = vector.shape_cast %get3A_1336 : vector<1x1x16xf32> to vector<16xf32>
      %add3A_1338 = arith.constant 13 : i32
      %add3A_1339 = arith.addi %mul3A_290, %add3A_1338 : i32
      %get3A_1340 = arith.constant 1 : i32
      %get3A_1341 = arith.index_cast %get3A_1340 : i32 to index
      %get3A_1342 = arith.index_cast %add3A_1339 : i32 to index
      %get3A_1343 = arith.constant 80 : index
      %get3A_1344 = tpu.vector_load %arg6[%get3A_1341, %get3A_1342, %get3A_1343] {strides = array<i32>} : memref<2x320x128xf32, #tpu.memory_space<vmem>>, vector<1x1x16xf32>,
      %get3A_1345 = vector.shape_cast %get3A_1344 : vector<1x1x16xf32> to vector<16xf32>
      %add3A_1346 = arith.constant 14 : i32
      %add3A_1347 = arith.addi %mul3A_290, %add3A_1346 : i32
      %get3A_1348 = arith.constant 1 : i32
      %get3A_1349 = arith.index_cast %get3A_1348 : i32 to index
      %get3A_1350 = arith.index_cast %add3A_1347 : i32 to index
      %get3A_1351 = arith.constant 80 : index
      %get3A_1352 = tpu.vector_load %arg6[%get3A_1349, %get3A_1350, %get3A_1351] {strides = array<i32>} : memref<2x320x128xf32, #tpu.memory_space<vmem>>, vector<1x1x16xf32>,
      %get3A_1353 = vector.shape_cast %get3A_1352 : vector<1x1x16xf32> to vector<16xf32>
      %add3A_1354 = arith.constant 15 : i32
      %add3A_1355 = arith.addi %mul3A_290, %add3A_1354 : i32
      %get3A_1356 = arith.constant 1 : i32
      %get3A_1357 = arith.index_cast %get3A_1356 : i32 to index
      %get3A_1358 = arith.index_cast %add3A_1355 : i32 to index
      %get3A_1359 = arith.constant 80 : index
      %get3A_1360 = tpu.vector_load %arg6[%get3A_1357, %get3A_1358, %get3A_1359] {strides = array<i32>} : memref<2x320x128xf32, #tpu.memory_space<vmem>>, vector<1x1x16xf32>,
      %get3A_1361 = vector.shape_cast %get3A_1360 : vector<1x1x16xf32> to vector<16xf32>
      %add3A_1362 = arith.constant 16 : i32
      %add3A_1363 = arith.addi %mul3A_290, %add3A_1362 : i32
      %get3A_1364 = arith.constant 1 : i32
      %get3A_1365 = arith.index_cast %get3A_1364 : i32 to index
      %get3A_1366 = arith.index_cast %add3A_1363 : i32 to index
      %get3A_1367 = arith.constant 80 : index
      %get3A_1368 = tpu.vector_load %arg6[%get3A_1365, %get3A_1366, %get3A_1367] {strides = array<i32>} : memref<2x320x128xf32, #tpu.memory_space<vmem>>, vector<1x1x16xf32>,
      %get3A_1369 = vector.shape_cast %get3A_1368 : vector<1x1x16xf32> to vector<16xf32>
      %add3A_1370 = arith.constant 17 : i32
      %add3A_1371 = arith.addi %mul3A_290, %add3A_1370 : i32
      %get3A_1372 = arith.constant 1 : i32
      %get3A_1373 = arith.index_cast %get3A_1372 : i32 to index
      %get3A_1374 = arith.index_cast %add3A_1371 : i32 to index
      %get3A_1375 = arith.constant 80 : index
      %get3A_1376 = tpu.vector_load %arg6[%get3A_1373, %get3A_1374, %get3A_1375] {strides = array<i32>} : memref<2x320x128xf32, #tpu.memory_space<vmem>>, vector<1x1x16xf32>,
      %get3A_1377 = vector.shape_cast %get3A_1376 : vector<1x1x16xf32> to vector<16xf32>
      %add3A_1378 = arith.constant 18 : i32
      %add3A_1379 = arith.addi %mul3A_290, %add3A_1378 : i32
      %get3A_1380 = arith.constant 1 : i32
      %get3A_1381 = arith.index_cast %get3A_1380 : i32 to index
      %get3A_1382 = arith.index_cast %add3A_1379 : i32 to index
      %get3A_1383 = arith.constant 80 : index
      %get3A_1384 = tpu.vector_load %arg6[%get3A_1381, %get3A_1382, %get3A_1383] {strides = array<i32>} : memref<2x320x128xf32, #tpu.memory_space<vmem>>, vector<1x1x16xf32>,
      %get3A_1385 = vector.shape_cast %get3A_1384 : vector<1x1x16xf32> to vector<16xf32>
      %add3A_1386 = arith.constant 19 : i32
      %add3A_1387 = arith.addi %mul3A_290, %add3A_1386 : i32
      %get3A_1388 = arith.constant 1 : i32
      %get3A_1389 = arith.index_cast %get3A_1388 : i32 to index
      %get3A_1390 = arith.index_cast %add3A_1387 : i32 to index
      %get3A_1391 = arith.constant 80 : index
      %get3A_1392 = tpu.vector_load %arg6[%get3A_1389, %get3A_1390, %get3A_1391] {strides = array<i32>} : memref<2x320x128xf32, #tpu.memory_space<vmem>>, vector<1x1x16xf32>,
      %get3A_1393 = vector.shape_cast %get3A_1392 : vector<1x1x16xf32> to vector<16xf32>
      %add3A_1394 = arith.addf %get3A_1241, %get3A_1249 : vector<16xf32>
      %add3A_1395 = arith.addf %get3A_1257, %get3A_1265 : vector<16xf32>
      %add3A_1396 = arith.addf %get3A_1273, %get3A_1281 : vector<16xf32>
      %add3A_1397 = arith.addf %get3A_1289, %get3A_1297 : vector<16xf32>
      %add3A_1398 = arith.addf %get3A_1305, %get3A_1313 : vector<16xf32>
      %add3A_1399 = arith.addf %get3A_1321, %get3A_1329 : vector<16xf32>
      %add3A_1400 = arith.addf %get3A_1337, %get3A_1345 : vector<16xf32>
      %add3A_1401 = arith.addf %get3A_1353, %get3A_1361 : vector<16xf32>
      %add3A_1402 = arith.addf %get3A_1369, %get3A_1377 : vector<16xf32>
      %add3A_1403 = arith.addf %get3A_1385, %get3A_1393 : vector<16xf32>
      %add3A_1404 = arith.addf %add3A_1394, %add3A_1395 : vector<16xf32>
      %add3A_1405 = arith.addf %add3A_1396, %add3A_1397 : vector<16xf32>
      %add3A_1406 = arith.addf %add3A_1398, %add3A_1399 : vector<16xf32>
      %add3A_1407 = arith.addf %add3A_1400, %add3A_1401 : vector<16xf32>
      %add3A_1408 = arith.addf %add3A_1402, %add3A_1403 : vector<16xf32>
      %add3A_1409 = arith.addf %add3A_1404, %add3A_1405 : vector<16xf32>
      %add3A_1410 = arith.addf %add3A_1406, %add3A_1407 : vector<16xf32>
      %add3A_1411 = arith.addf %add3A_1409, %add3A_1410 : vector<16xf32>
      %add3A_1412 = arith.addf %add3A_1411, %add3A_1408 : vector<16xf32>
      %mul3A_1413 = arith.constant 5.000000e-02 : f32
      %mul3A_1414 = vector.broadcast %mul3A_1413 : f32 to vector<16xf32>
      %mul3A_1415 = arith.mulf %add3A_1412, %mul3A_1414 : vector<16xf32>
      %swap3A_1416 = arith.constant 7 : i32
      %swap3A_1417 = arith.index_cast %swap3A_1416 : i32 to index
      %swap3A_1418 = arith.index_cast %scan3A_287 : i32 to index
      %swap3A_1419 = arith.constant 80 : index
      %swap3A_1420 = tpu.vector_load %arg7[%swap3A_1417, %swap3A_1418, %swap3A_1419] {strides = array<i32>} : memref<8x16x128xf32, #tpu.memory_space<vmem>>, vector<1x1x16xf32>,
      %swap3A_1421 = vector.shape_cast %swap3A_1420 : vector<1x1x16xf32> to vector<16xf32>
      %swap3A_1422 = vector.shape_cast %mul3A_1415 : vector<16xf32> to vector<1x1x16xf32>
      tpu.vector_store %arg7[%swap3A_1417, %swap3A_1418, %swap3A_1419], %swap3A_1422 {strides = array<i32>} : memref<8x16x128xf32, #tpu.memory_space<vmem>>, vector<1x1x16xf32>,
      %add3A_1423 = arith.constant 0 : i32
      %add3A_1424 = arith.addi %mul3A_290, %add3A_1423 : i32
      %get3A_1425 = arith.constant 1 : i32
      %get3A_1426 = arith.index_cast %get3A_1425 : i32 to index
      %get3A_1427 = arith.index_cast %add3A_1424 : i32 to index
      %get3A_1428 = arith.constant 96 : index
      %get3A_1429 = tpu.vector_load %arg6[%get3A_1426, %get3A_1427, %get3A_1428] {strides = array<i32>} : memref<2x320x128xf32, #tpu.memory_space<vmem>>, vector<1x1x16xf32>,
      %get3A_1430 = vector.shape_cast %get3A_1429 : vector<1x1x16xf32> to vector<16xf32>
      %add3A_1431 = arith.constant 1 : i32
      %add3A_1432 = arith.addi %mul3A_290, %add3A_1431 : i32
      %get3A_1433 = arith.constant 1 : i32
      %get3A_1434 = arith.index_cast %get3A_1433 : i32 to index
      %get3A_1435 = arith.index_cast %add3A_1432 : i32 to index
      %get3A_1436 = arith.constant 96 : index
      %get3A_1437 = tpu.vector_load %arg6[%get3A_1434, %get3A_1435, %get3A_1436] {strides = array<i32>} : memref<2x320x128xf32, #tpu.memory_space<vmem>>, vector<1x1x16xf32>,
      %get3A_1438 = vector.shape_cast %get3A_1437 : vector<1x1x16xf32> to vector<16xf32>
      %add3A_1439 = arith.constant 2 : i32
      %add3A_1440 = arith.addi %mul3A_290, %add3A_1439 : i32
      %get3A_1441 = arith.constant 1 : i32
      %get3A_1442 = arith.index_cast %get3A_1441 : i32 to index
      %get3A_1443 = arith.index_cast %add3A_1440 : i32 to index
      %get3A_1444 = arith.constant 96 : index
      %get3A_1445 = tpu.vector_load %arg6[%get3A_1442, %get3A_1443, %get3A_1444] {strides = array<i32>} : memref<2x320x128xf32, #tpu.memory_space<vmem>>, vector<1x1x16xf32>,
      %get3A_1446 = vector.shape_cast %get3A_1445 : vector<1x1x16xf32> to vector<16xf32>
      %add3A_1447 = arith.constant 3 : i32
      %add3A_1448 = arith.addi %mul3A_290, %add3A_1447 : i32
      %get3A_1449 = arith.constant 1 : i32
      %get3A_1450 = arith.index_cast %get3A_1449 : i32 to index
      %get3A_1451 = arith.index_cast %add3A_1448 : i32 to index
      %get3A_1452 = arith.constant 96 : index
      %get3A_1453 = tpu.vector_load %arg6[%get3A_1450, %get3A_1451, %get3A_1452] {strides = array<i32>} : memref<2x320x128xf32, #tpu.memory_space<vmem>>, vector<1x1x16xf32>,
      %get3A_1454 = vector.shape_cast %get3A_1453 : vector<1x1x16xf32> to vector<16xf32>
      %add3A_1455 = arith.constant 4 : i32
      %add3A_1456 = arith.addi %mul3A_290, %add3A_1455 : i32
      %get3A_1457 = arith.constant 1 : i32
      %get3A_1458 = arith.index_cast %get3A_1457 : i32 to index
      %get3A_1459 = arith.index_cast %add3A_1456 : i32 to index
      %get3A_1460 = arith.constant 96 : index
      %get3A_1461 = tpu.vector_load %arg6[%get3A_1458, %get3A_1459, %get3A_1460] {strides = array<i32>} : memref<2x320x128xf32, #tpu.memory_space<vmem>>, vector<1x1x16xf32>,
      %get3A_1462 = vector.shape_cast %get3A_1461 : vector<1x1x16xf32> to vector<16xf32>
      %add3A_1463 = arith.constant 5 : i32
      %add3A_1464 = arith.addi %mul3A_290, %add3A_1463 : i32
      %get3A_1465 = arith.constant 1 : i32
      %get3A_1466 = arith.index_cast %get3A_1465 : i32 to index
      %get3A_1467 = arith.index_cast %add3A_1464 : i32 to index
      %get3A_1468 = arith.constant 96 : index
      %get3A_1469 = tpu.vector_load %arg6[%get3A_1466, %get3A_1467, %get3A_1468] {strides = array<i32>} : memref<2x320x128xf32, #tpu.memory_space<vmem>>, vector<1x1x16xf32>,
      %get3A_1470 = vector.shape_cast %get3A_1469 : vector<1x1x16xf32> to vector<16xf32>
      %add3A_1471 = arith.constant 6 : i32
      %add3A_1472 = arith.addi %mul3A_290, %add3A_1471 : i32
      %get3A_1473 = arith.constant 1 : i32
      %get3A_1474 = arith.index_cast %get3A_1473 : i32 to index
      %get3A_1475 = arith.index_cast %add3A_1472 : i32 to index
      %get3A_1476 = arith.constant 96 : index
      %get3A_1477 = tpu.vector_load %arg6[%get3A_1474, %get3A_1475, %get3A_1476] {strides = array<i32>} : memref<2x320x128xf32, #tpu.memory_space<vmem>>, vector<1x1x16xf32>,
      %get3A_1478 = vector.shape_cast %get3A_1477 : vector<1x1x16xf32> to vector<16xf32>
      %add3A_1479 = arith.constant 7 : i32
      %add3A_1480 = arith.addi %mul3A_290, %add3A_1479 : i32
      %get3A_1481 = arith.constant 1 : i32
      %get3A_1482 = arith.index_cast %get3A_1481 : i32 to index
      %get3A_1483 = arith.index_cast %add3A_1480 : i32 to index
      %get3A_1484 = arith.constant 96 : index
      %get3A_1485 = tpu.vector_load %arg6[%get3A_1482, %get3A_1483, %get3A_1484] {strides = array<i32>} : memref<2x320x128xf32, #tpu.memory_space<vmem>>, vector<1x1x16xf32>,
      %get3A_1486 = vector.shape_cast %get3A_1485 : vector<1x1x16xf32> to vector<16xf32>
      %add3A_1487 = arith.constant 8 : i32
      %add3A_1488 = arith.addi %mul3A_290, %add3A_1487 : i32
      %get3A_1489 = arith.constant 1 : i32
      %get3A_1490 = arith.index_cast %get3A_1489 : i32 to index
      %get3A_1491 = arith.index_cast %add3A_1488 : i32 to index
      %get3A_1492 = arith.constant 96 : index
      %get3A_1493 = tpu.vector_load %arg6[%get3A_1490, %get3A_1491, %get3A_1492] {strides = array<i32>} : memref<2x320x128xf32, #tpu.memory_space<vmem>>, vector<1x1x16xf32>,
      %get3A_1494 = vector.shape_cast %get3A_1493 : vector<1x1x16xf32> to vector<16xf32>
      %add3A_1495 = arith.constant 9 : i32
      %add3A_1496 = arith.addi %mul3A_290, %add3A_1495 : i32
      %get3A_1497 = arith.constant 1 : i32
      %get3A_1498 = arith.index_cast %get3A_1497 : i32 to index
      %get3A_1499 = arith.index_cast %add3A_1496 : i32 to index
      %get3A_1500 = arith.constant 96 : index
      %get3A_1501 = tpu.vector_load %arg6[%get3A_1498, %get3A_1499, %get3A_1500] {strides = array<i32>} : memref<2x320x128xf32, #tpu.memory_space<vmem>>, vector<1x1x16xf32>,
      %get3A_1502 = vector.shape_cast %get3A_1501 : vector<1x1x16xf32> to vector<16xf32>
      %add3A_1503 = arith.constant 10 : i32
      %add3A_1504 = arith.addi %mul3A_290, %add3A_1503 : i32
      %get3A_1505 = arith.constant 1 : i32
      %get3A_1506 = arith.index_cast %get3A_1505 : i32 to index
      %get3A_1507 = arith.index_cast %add3A_1504 : i32 to index
      %get3A_1508 = arith.constant 96 : index
      %get3A_1509 = tpu.vector_load %arg6[%get3A_1506, %get3A_1507, %get3A_1508] {strides = array<i32>} : memref<2x320x128xf32, #tpu.memory_space<vmem>>, vector<1x1x16xf32>,
      %get3A_1510 = vector.shape_cast %get3A_1509 : vector<1x1x16xf32> to vector<16xf32>
      %add3A_1511 = arith.constant 11 : i32
      %add3A_1512 = arith.addi %mul3A_290, %add3A_1511 : i32
      %get3A_1513 = arith.constant 1 : i32
      %get3A_1514 = arith.index_cast %get3A_1513 : i32 to index
      %get3A_1515 = arith.index_cast %add3A_1512 : i32 to index
      %get3A_1516 = arith.constant 96 : index
      %get3A_1517 = tpu.vector_load %arg6[%get3A_1514, %get3A_1515, %get3A_1516] {strides = array<i32>} : memref<2x320x128xf32, #tpu.memory_space<vmem>>, vector<1x1x16xf32>,
      %get3A_1518 = vector.shape_cast %get3A_1517 : vector<1x1x16xf32> to vector<16xf32>
      %add3A_1519 = arith.constant 12 : i32
      %add3A_1520 = arith.addi %mul3A_290, %add3A_1519 : i32
      %get3A_1521 = arith.constant 1 : i32
      %get3A_1522 = arith.index_cast %get3A_1521 : i32 to index
      %get3A_1523 = arith.index_cast %add3A_1520 : i32 to index
      %get3A_1524 = arith.constant 96 : index
      %get3A_1525 = tpu.vector_load %arg6[%get3A_1522, %get3A_1523, %get3A_1524] {strides = array<i32>} : memref<2x320x128xf32, #tpu.memory_space<vmem>>, vector<1x1x16xf32>,
      %get3A_1526 = vector.shape_cast %get3A_1525 : vector<1x1x16xf32> to vector<16xf32>
      %add3A_1527 = arith.constant 13 : i32
      %add3A_1528 = arith.addi %mul3A_290, %add3A_1527 : i32
      %get3A_1529 = arith.constant 1 : i32
      %get3A_1530 = arith.index_cast %get3A_1529 : i32 to index
      %get3A_1531 = arith.index_cast %add3A_1528 : i32 to index
      %get3A_1532 = arith.constant 96 : index
      %get3A_1533 = tpu.vector_load %arg6[%get3A_1530, %get3A_1531, %get3A_1532] {strides = array<i32>} : memref<2x320x128xf32, #tpu.memory_space<vmem>>, vector<1x1x16xf32>,
      %get3A_1534 = vector.shape_cast %get3A_1533 : vector<1x1x16xf32> to vector<16xf32>
      %add3A_1535 = arith.constant 14 : i32
      %add3A_1536 = arith.addi %mul3A_290, %add3A_1535 : i32
      %get3A_1537 = arith.constant 1 : i32
      %get3A_1538 = arith.index_cast %get3A_1537 : i32 to index
      %get3A_1539 = arith.index_cast %add3A_1536 : i32 to index
      %get3A_1540 = arith.constant 96 : index
      %get3A_1541 = tpu.vector_load %arg6[%get3A_1538, %get3A_1539, %get3A_1540] {strides = array<i32>} : memref<2x320x128xf32, #tpu.memory_space<vmem>>, vector<1x1x16xf32>,
      %get3A_1542 = vector.shape_cast %get3A_1541 : vector<1x1x16xf32> to vector<16xf32>
      %add3A_1543 = arith.constant 15 : i32
      %add3A_1544 = arith.addi %mul3A_290, %add3A_1543 : i32
      %get3A_1545 = arith.constant 1 : i32
      %get3A_1546 = arith.index_cast %get3A_1545 : i32 to index
      %get3A_1547 = arith.index_cast %add3A_1544 : i32 to index
      %get3A_1548 = arith.constant 96 : index
      %get3A_1549 = tpu.vector_load %arg6[%get3A_1546, %get3A_1547, %get3A_1548] {strides = array<i32>} : memref<2x320x128xf32, #tpu.memory_space<vmem>>, vector<1x1x16xf32>,
      %get3A_1550 = vector.shape_cast %get3A_1549 : vector<1x1x16xf32> to vector<16xf32>
      %add3A_1551 = arith.constant 16 : i32
      %add3A_1552 = arith.addi %mul3A_290, %add3A_1551 : i32
      %get3A_1553 = arith.constant 1 : i32
      %get3A_1554 = arith.index_cast %get3A_1553 : i32 to index
      %get3A_1555 = arith.index_cast %add3A_1552 : i32 to index
      %get3A_1556 = arith.constant 96 : index
      %get3A_1557 = tpu.vector_load %arg6[%get3A_1554, %get3A_1555, %get3A_1556] {strides = array<i32>} : memref<2x320x128xf32, #tpu.memory_space<vmem>>, vector<1x1x16xf32>,
      %get3A_1558 = vector.shape_cast %get3A_1557 : vector<1x1x16xf32> to vector<16xf32>
      %add3A_1559 = arith.constant 17 : i32
      %add3A_1560 = arith.addi %mul3A_290, %add3A_1559 : i32
      %get3A_1561 = arith.constant 1 : i32
      %get3A_1562 = arith.index_cast %get3A_1561 : i32 to index
      %get3A_1563 = arith.index_cast %add3A_1560 : i32 to index
      %get3A_1564 = arith.constant 96 : index
      %get3A_1565 = tpu.vector_load %arg6[%get3A_1562, %get3A_1563, %get3A_1564] {strides = array<i32>} : memref<2x320x128xf32, #tpu.memory_space<vmem>>, vector<1x1x16xf32>,
      %get3A_1566 = vector.shape_cast %get3A_1565 : vector<1x1x16xf32> to vector<16xf32>
      %add3A_1567 = arith.constant 18 : i32
      %add3A_1568 = arith.addi %mul3A_290, %add3A_1567 : i32
      %get3A_1569 = arith.constant 1 : i32
      %get3A_1570 = arith.index_cast %get3A_1569 : i32 to index
      %get3A_1571 = arith.index_cast %add3A_1568 : i32 to index
      %get3A_1572 = arith.constant 96 : index
      %get3A_1573 = tpu.vector_load %arg6[%get3A_1570, %get3A_1571, %get3A_1572] {strides = array<i32>} : memref<2x320x128xf32, #tpu.memory_space<vmem>>, vector<1x1x16xf32>,
      %get3A_1574 = vector.shape_cast %get3A_1573 : vector<1x1x16xf32> to vector<16xf32>
      %add3A_1575 = arith.constant 19 : i32
      %add3A_1576 = arith.addi %mul3A_290, %add3A_1575 : i32
      %get3A_1577 = arith.constant 1 : i32
      %get3A_1578 = arith.index_cast %get3A_1577 : i32 to index
      %get3A_1579 = arith.index_cast %add3A_1576 : i32 to index
      %get3A_1580 = arith.constant 96 : index
      %get3A_1581 = tpu.vector_load %arg6[%get3A_1578, %get3A_1579, %get3A_1580] {strides = array<i32>} : memref<2x320x128xf32, #tpu.memory_space<vmem>>, vector<1x1x16xf32>,
      %get3A_1582 = vector.shape_cast %get3A_1581 : vector<1x1x16xf32> to vector<16xf32>
      %add3A_1583 = arith.addf %get3A_1430, %get3A_1438 : vector<16xf32>
      %add3A_1584 = arith.addf %get3A_1446, %get3A_1454 : vector<16xf32>
      %add3A_1585 = arith.addf %get3A_1462, %get3A_1470 : vector<16xf32>
      %add3A_1586 = arith.addf %get3A_1478, %get3A_1486 : vector<16xf32>
      %add3A_1587 = arith.addf %get3A_1494, %get3A_1502 : vector<16xf32>
      %add3A_1588 = arith.addf %get3A_1510, %get3A_1518 : vector<16xf32>
      %add3A_1589 = arith.addf %get3A_1526, %get3A_1534 : vector<16xf32>
      %add3A_1590 = arith.addf %get3A_1542, %get3A_1550 : vector<16xf32>
      %add3A_1591 = arith.addf %get3A_1558, %get3A_1566 : vector<16xf32>
      %add3A_1592 = arith.addf %get3A_1574, %get3A_1582 : vector<16xf32>
      %add3A_1593 = arith.addf %add3A_1583, %add3A_1584 : vector<16xf32>
      %add3A_1594 = arith.addf %add3A_1585, %add3A_1586 : vector<16xf32>
      %add3A_1595 = arith.addf %add3A_1587, %add3A_1588 : vector<16xf32>
      %add3A_1596 = arith.addf %add3A_1589, %add3A_1590 : vector<16xf32>
      %add3A_1597 = arith.addf %add3A_1591, %add3A_1592 : vector<16xf32>
      %add3A_1598 = arith.addf %add3A_1593, %add3A_1594 : vector<16xf32>
      %add3A_1599 = arith.addf %add3A_1595, %add3A_1596 : vector<16xf32>
      %add3A_1600 = arith.addf %add3A_1598, %add3A_1599 : vector<16xf32>
      %add3A_1601 = arith.addf %add3A_1600, %add3A_1597 : vector<16xf32>
      %mul3A_1602 = arith.constant 5.000000e-02 : f32
      %mul3A_1603 = vector.broadcast %mul3A_1602 : f32 to vector<16xf32>
      %mul3A_1604 = arith.mulf %add3A_1601, %mul3A_1603 : vector<16xf32>
      %swap3A_1605 = arith.constant 7 : i32
      %swap3A_1606 = arith.index_cast %swap3A_1605 : i32 to index
      %swap3A_1607 = arith.index_cast %scan3A_287 : i32 to index
      %swap3A_1608 = arith.constant 96 : index
      %swap3A_1609 = tpu.vector_load %arg7[%swap3A_1606, %swap3A_1607, %swap3A_1608] {strides = array<i32>} : memref<8x16x128xf32, #tpu.memory_space<vmem>>, vector<1x1x16xf32>,
      %swap3A_1610 = vector.shape_cast %swap3A_1609 : vector<1x1x16xf32> to vector<16xf32>
      %swap3A_1611 = vector.shape_cast %mul3A_1604 : vector<16xf32> to vector<1x1x16xf32>
      tpu.vector_store %arg7[%swap3A_1606, %swap3A_1607, %swap3A_1608], %swap3A_1611 {strides = array<i32>} : memref<8x16x128xf32, #tpu.memory_space<vmem>>, vector<1x1x16xf32>,
      %add3A_1612 = arith.constant 0 : i32
      %add3A_1613 = arith.addi %mul3A_290, %add3A_1612 : i32
      %get3A_1614 = arith.constant 1 : i32
      %get3A_1615 = arith.index_cast %get3A_1614 : i32 to index
      %get3A_1616 = arith.index_cast %add3A_1613 : i32 to index
      %get3A_1617 = arith.constant 112 : index
      %get3A_1618 = tpu.vector_load %arg6[%get3A_1615, %get3A_1616, %get3A_1617] {strides = array<i32>} : memref<2x320x128xf32, #tpu.memory_space<vmem>>, vector<1x1x16xf32>,
      %get3A_1619 = vector.shape_cast %get3A_1618 : vector<1x1x16xf32> to vector<16xf32>
      %add3A_1620 = arith.constant 1 : i32
      %add3A_1621 = arith.addi %mul3A_290, %add3A_1620 : i32
      %get3A_1622 = arith.constant 1 : i32
      %get3A_1623 = arith.index_cast %get3A_1622 : i32 to index
      %get3A_1624 = arith.index_cast %add3A_1621 : i32 to index
      %get3A_1625 = arith.constant 112 : index
      %get3A_1626 = tpu.vector_load %arg6[%get3A_1623, %get3A_1624, %get3A_1625] {strides = array<i32>} : memref<2x320x128xf32, #tpu.memory_space<vmem>>, vector<1x1x16xf32>,
      %get3A_1627 = vector.shape_cast %get3A_1626 : vector<1x1x16xf32> to vector<16xf32>
      %add3A_1628 = arith.constant 2 : i32
      %add3A_1629 = arith.addi %mul3A_290, %add3A_1628 : i32
      %get3A_1630 = arith.constant 1 : i32
      %get3A_1631 = arith.index_cast %get3A_1630 : i32 to index
      %get3A_1632 = arith.index_cast %add3A_1629 : i32 to index
      %get3A_1633 = arith.constant 112 : index
      %get3A_1634 = tpu.vector_load %arg6[%get3A_1631, %get3A_1632, %get3A_1633] {strides = array<i32>} : memref<2x320x128xf32, #tpu.memory_space<vmem>>, vector<1x1x16xf32>,
      %get3A_1635 = vector.shape_cast %get3A_1634 : vector<1x1x16xf32> to vector<16xf32>
      %add3A_1636 = arith.constant 3 : i32
      %add3A_1637 = arith.addi %mul3A_290, %add3A_1636 : i32
      %get3A_1638 = arith.constant 1 : i32
      %get3A_1639 = arith.index_cast %get3A_1638 : i32 to index
      %get3A_1640 = arith.index_cast %add3A_1637 : i32 to index
      %get3A_1641 = arith.constant 112 : index
      %get3A_1642 = tpu.vector_load %arg6[%get3A_1639, %get3A_1640, %get3A_1641] {strides = array<i32>} : memref<2x320x128xf32, #tpu.memory_space<vmem>>, vector<1x1x16xf32>,
      %get3A_1643 = vector.shape_cast %get3A_1642 : vector<1x1x16xf32> to vector<16xf32>
      %add3A_1644 = arith.constant 4 : i32
      %add3A_1645 = arith.addi %mul3A_290, %add3A_1644 : i32
      %get3A_1646 = arith.constant 1 : i32
      %get3A_1647 = arith.index_cast %get3A_1646 : i32 to index
      %get3A_1648 = arith.index_cast %add3A_1645 : i32 to index
      %get3A_1649 = arith.constant 112 : index
      %get3A_1650 = tpu.vector_load %arg6[%get3A_1647, %get3A_1648, %get3A_1649] {strides = array<i32>} : memref<2x320x128xf32, #tpu.memory_space<vmem>>, vector<1x1x16xf32>,
      %get3A_1651 = vector.shape_cast %get3A_1650 : vector<1x1x16xf32> to vector<16xf32>
      %add3A_1652 = arith.constant 5 : i32
      %add3A_1653 = arith.addi %mul3A_290, %add3A_1652 : i32
      %get3A_1654 = arith.constant 1 : i32
      %get3A_1655 = arith.index_cast %get3A_1654 : i32 to index
      %get3A_1656 = arith.index_cast %add3A_1653 : i32 to index
      %get3A_1657 = arith.constant 112 : index
      %get3A_1658 = tpu.vector_load %arg6[%get3A_1655, %get3A_1656, %get3A_1657] {strides = array<i32>} : memref<2x320x128xf32, #tpu.memory_space<vmem>>, vector<1x1x16xf32>,
      %get3A_1659 = vector.shape_cast %get3A_1658 : vector<1x1x16xf32> to vector<16xf32>
      %add3A_1660 = arith.constant 6 : i32
      %add3A_1661 = arith.addi %mul3A_290, %add3A_1660 : i32
      %get3A_1662 = arith.constant 1 : i32
      %get3A_1663 = arith.index_cast %get3A_1662 : i32 to index
      %get3A_1664 = arith.index_cast %add3A_1661 : i32 to index
      %get3A_1665 = arith.constant 112 : index
      %get3A_1666 = tpu.vector_load %arg6[%get3A_1663, %get3A_1664, %get3A_1665] {strides = array<i32>} : memref<2x320x128xf32, #tpu.memory_space<vmem>>, vector<1x1x16xf32>,
      %get3A_1667 = vector.shape_cast %get3A_1666 : vector<1x1x16xf32> to vector<16xf32>
      %add3A_1668 = arith.constant 7 : i32
      %add3A_1669 = arith.addi %mul3A_290, %add3A_1668 : i32
      %get3A_1670 = arith.constant 1 : i32
      %get3A_1671 = arith.index_cast %get3A_1670 : i32 to index
      %get3A_1672 = arith.index_cast %add3A_1669 : i32 to index
      %get3A_1673 = arith.constant 112 : index
      %get3A_1674 = tpu.vector_load %arg6[%get3A_1671, %get3A_1672, %get3A_1673] {strides = array<i32>} : memref<2x320x128xf32, #tpu.memory_space<vmem>>, vector<1x1x16xf32>,
      %get3A_1675 = vector.shape_cast %get3A_1674 : vector<1x1x16xf32> to vector<16xf32>
      %add3A_1676 = arith.constant 8 : i32
      %add3A_1677 = arith.addi %mul3A_290, %add3A_1676 : i32
      %get3A_1678 = arith.constant 1 : i32
      %get3A_1679 = arith.index_cast %get3A_1678 : i32 to index
      %get3A_1680 = arith.index_cast %add3A_1677 : i32 to index
      %get3A_1681 = arith.constant 112 : index
      %get3A_1682 = tpu.vector_load %arg6[%get3A_1679, %get3A_1680, %get3A_1681] {strides = array<i32>} : memref<2x320x128xf32, #tpu.memory_space<vmem>>, vector<1x1x16xf32>,
      %get3A_1683 = vector.shape_cast %get3A_1682 : vector<1x1x16xf32> to vector<16xf32>
      %add3A_1684 = arith.constant 9 : i32
      %add3A_1685 = arith.addi %mul3A_290, %add3A_1684 : i32
      %get3A_1686 = arith.constant 1 : i32
      %get3A_1687 = arith.index_cast %get3A_1686 : i32 to index
      %get3A_1688 = arith.index_cast %add3A_1685 : i32 to index
      %get3A_1689 = arith.constant 112 : index
      %get3A_1690 = tpu.vector_load %arg6[%get3A_1687, %get3A_1688, %get3A_1689] {strides = array<i32>} : memref<2x320x128xf32, #tpu.memory_space<vmem>>, vector<1x1x16xf32>,
      %get3A_1691 = vector.shape_cast %get3A_1690 : vector<1x1x16xf32> to vector<16xf32>
      %add3A_1692 = arith.constant 10 : i32
      %add3A_1693 = arith.addi %mul3A_290, %add3A_1692 : i32
      %get3A_1694 = arith.constant 1 : i32
      %get3A_1695 = arith.index_cast %get3A_1694 : i32 to index
      %get3A_1696 = arith.index_cast %add3A_1693 : i32 to index
      %get3A_1697 = arith.constant 112 : index
      %get3A_1698 = tpu.vector_load %arg6[%get3A_1695, %get3A_1696, %get3A_1697] {strides = array<i32>} : memref<2x320x128xf32, #tpu.memory_space<vmem>>, vector<1x1x16xf32>,
      %get3A_1699 = vector.shape_cast %get3A_1698 : vector<1x1x16xf32> to vector<16xf32>
      %add3A_1700 = arith.constant 11 : i32
      %add3A_1701 = arith.addi %mul3A_290, %add3A_1700 : i32
      %get3A_1702 = arith.constant 1 : i32
      %get3A_1703 = arith.index_cast %get3A_1702 : i32 to index
      %get3A_1704 = arith.index_cast %add3A_1701 : i32 to index
      %get3A_1705 = arith.constant 112 : index
      %get3A_1706 = tpu.vector_load %arg6[%get3A_1703, %get3A_1704, %get3A_1705] {strides = array<i32>} : memref<2x320x128xf32, #tpu.memory_space<vmem>>, vector<1x1x16xf32>,
      %get3A_1707 = vector.shape_cast %get3A_1706 : vector<1x1x16xf32> to vector<16xf32>
      %add3A_1708 = arith.constant 12 : i32
      %add3A_1709 = arith.addi %mul3A_290, %add3A_1708 : i32
      %get3A_1710 = arith.constant 1 : i32
      %get3A_1711 = arith.index_cast %get3A_1710 : i32 to index
      %get3A_1712 = arith.index_cast %add3A_1709 : i32 to index
      %get3A_1713 = arith.constant 112 : index
      %get3A_1714 = tpu.vector_load %arg6[%get3A_1711, %get3A_1712, %get3A_1713] {strides = array<i32>} : memref<2x320x128xf32, #tpu.memory_space<vmem>>, vector<1x1x16xf32>,
      %get3A_1715 = vector.shape_cast %get3A_1714 : vector<1x1x16xf32> to vector<16xf32>
      %add3A_1716 = arith.constant 13 : i32
      %add3A_1717 = arith.addi %mul3A_290, %add3A_1716 : i32
      %get3A_1718 = arith.constant 1 : i32
      %get3A_1719 = arith.index_cast %get3A_1718 : i32 to index
      %get3A_1720 = arith.index_cast %add3A_1717 : i32 to index
      %get3A_1721 = arith.constant 112 : index
      %get3A_1722 = tpu.vector_load %arg6[%get3A_1719, %get3A_1720, %get3A_1721] {strides = array<i32>} : memref<2x320x128xf32, #tpu.memory_space<vmem>>, vector<1x1x16xf32>,
      %get3A_1723 = vector.shape_cast %get3A_1722 : vector<1x1x16xf32> to vector<16xf32>
      %add3A_1724 = arith.constant 14 : i32
      %add3A_1725 = arith.addi %mul3A_290, %add3A_1724 : i32
      %get3A_1726 = arith.constant 1 : i32
      %get3A_1727 = arith.index_cast %get3A_1726 : i32 to index
      %get3A_1728 = arith.index_cast %add3A_1725 : i32 to index
      %get3A_1729 = arith.constant 112 : index
      %get3A_1730 = tpu.vector_load %arg6[%get3A_1727, %get3A_1728, %get3A_1729] {strides = array<i32>} : memref<2x320x128xf32, #tpu.memory_space<vmem>>, vector<1x1x16xf32>,
      %get3A_1731 = vector.shape_cast %get3A_1730 : vector<1x1x16xf32> to vector<16xf32>
      %add3A_1732 = arith.constant 15 : i32
      %add3A_1733 = arith.addi %mul3A_290, %add3A_1732 : i32
      %get3A_1734 = arith.constant 1 : i32
      %get3A_1735 = arith.index_cast %get3A_1734 : i32 to index
      %get3A_1736 = arith.index_cast %add3A_1733 : i32 to index
      %get3A_1737 = arith.constant 112 : index
      %get3A_1738 = tpu.vector_load %arg6[%get3A_1735, %get3A_1736, %get3A_1737] {strides = array<i32>} : memref<2x320x128xf32, #tpu.memory_space<vmem>>, vector<1x1x16xf32>,
      %get3A_1739 = vector.shape_cast %get3A_1738 : vector<1x1x16xf32> to vector<16xf32>
      %add3A_1740 = arith.constant 16 : i32
      %add3A_1741 = arith.addi %mul3A_290, %add3A_1740 : i32
      %get3A_1742 = arith.constant 1 : i32
      %get3A_1743 = arith.index_cast %get3A_1742 : i32 to index
      %get3A_1744 = arith.index_cast %add3A_1741 : i32 to index
      %get3A_1745 = arith.constant 112 : index
      %get3A_1746 = tpu.vector_load %arg6[%get3A_1743, %get3A_1744, %get3A_1745] {strides = array<i32>} : memref<2x320x128xf32, #tpu.memory_space<vmem>>, vector<1x1x16xf32>,
      %get3A_1747 = vector.shape_cast %get3A_1746 : vector<1x1x16xf32> to vector<16xf32>
      %add3A_1748 = arith.constant 17 : i32
      %add3A_1749 = arith.addi %mul3A_290, %add3A_1748 : i32
      %get3A_1750 = arith.constant 1 : i32
      %get3A_1751 = arith.index_cast %get3A_1750 : i32 to index
      %get3A_1752 = arith.index_cast %add3A_1749 : i32 to index
      %get3A_1753 = arith.constant 112 : index
      %get3A_1754 = tpu.vector_load %arg6[%get3A_1751, %get3A_1752, %get3A_1753] {strides = array<i32>} : memref<2x320x128xf32, #tpu.memory_space<vmem>>, vector<1x1x16xf32>,
      %get3A_1755 = vector.shape_cast %get3A_1754 : vector<1x1x16xf32> to vector<16xf32>
      %add3A_1756 = arith.constant 18 : i32
      %add3A_1757 = arith.addi %mul3A_290, %add3A_1756 : i32
      %get3A_1758 = arith.constant 1 : i32
      %get3A_1759 = arith.index_cast %get3A_1758 : i32 to index
      %get3A_1760 = arith.index_cast %add3A_1757 : i32 to index
      %get3A_1761 = arith.constant 112 : index
      %get3A_1762 = tpu.vector_load %arg6[%get3A_1759, %get3A_1760, %get3A_1761] {strides = array<i32>} : memref<2x320x128xf32, #tpu.memory_space<vmem>>, vector<1x1x16xf32>,
      %get3A_1763 = vector.shape_cast %get3A_1762 : vector<1x1x16xf32> to vector<16xf32>
      %add3A_1764 = arith.constant 19 : i32
      %add3A_1765 = arith.addi %mul3A_290, %add3A_1764 : i32
      %get3A_1766 = arith.constant 1 : i32
      %get3A_1767 = arith.index_cast %get3A_1766 : i32 to index
      %get3A_1768 = arith.index_cast %add3A_1765 : i32 to index
      %get3A_1769 = arith.constant 112 : index
      %get3A_1770 = tpu.vector_load %arg6[%get3A_1767, %get3A_1768, %get3A_1769] {strides = array<i32>} : memref<2x320x128xf32, #tpu.memory_space<vmem>>, vector<1x1x16xf32>,
      %get3A_1771 = vector.shape_cast %get3A_1770 : vector<1x1x16xf32> to vector<16xf32>
      %add3A_1772 = arith.addf %get3A_1619, %get3A_1627 : vector<16xf32>
      %add3A_1773 = arith.addf %get3A_1635, %get3A_1643 : vector<16xf32>
      %add3A_1774 = arith.addf %get3A_1651, %get3A_1659 : vector<16xf32>
      %add3A_1775 = arith.addf %get3A_1667, %get3A_1675 : vector<16xf32>
      %add3A_1776 = arith.addf %get3A_1683, %get3A_1691 : vector<16xf32>
      %add3A_1777 = arith.addf %get3A_1699, %get3A_1707 : vector<16xf32>
      %add3A_1778 = arith.addf %get3A_1715, %get3A_1723 : vector<16xf32>
      %add3A_1779 = arith.addf %get3A_1731, %get3A_1739 : vector<16xf32>
      %add3A_1780 = arith.addf %get3A_1747, %get3A_1755 : vector<16xf32>
      %add3A_1781 = arith.addf %get3A_1763, %get3A_1771 : vector<16xf32>
      %add3A_1782 = arith.addf %add3A_1772, %add3A_1773 : vector<16xf32>
      %add3A_1783 = arith.addf %add3A_1774, %add3A_1775 : vector<16xf32>
      %add3A_1784 = arith.addf %add3A_1776, %add3A_1777 : vector<16xf32>
      %add3A_1785 = arith.addf %add3A_1778, %add3A_1779 : vector<16xf32>
      %add3A_1786 = arith.addf %add3A_1780, %add3A_1781 : vector<16xf32>
      %add3A_1787 = arith.addf %add3A_1782, %add3A_1783 : vector<16xf32>
      %add3A_1788 = arith.addf %add3A_1784, %add3A_1785 : vector<16xf32>
      %add3A_1789 = arith.addf %add3A_1787, %add3A_1788 : vector<16xf32>
      %add3A_1790 = arith.addf %add3A_1789, %add3A_1786 : vector<16xf32>
      %mul3A_1791 = arith.constant 5.000000e-02 : f32
      %mul3A_1792 = vector.broadcast %mul3A_1791 : f32 to vector<16xf32>
      %mul3A_1793 = arith.mulf %add3A_1790, %mul3A_1792 : vector<16xf32>
      %swap3A_1794 = arith.constant 7 : i32
      %swap3A_1795 = arith.index_cast %swap3A_1794 : i32 to index
      %swap3A_1796 = arith.index_cast %scan3A_287 : i32 to index
      %swap3A_1797 = arith.constant 112 : index
      %swap3A_1798 = tpu.vector_load %arg7[%swap3A_1795, %swap3A_1796, %swap3A_1797] {strides = array<i32>} : memref<8x16x128xf32, #tpu.memory_space<vmem>>, vector<1x1x16xf32>,
      %swap3A_1799 = vector.shape_cast %swap3A_1798 : vector<1x1x16xf32> to vector<16xf32>
      %swap3A_1800 = vector.shape_cast %mul3A_1793 : vector<16xf32> to vector<1x1x16xf32>
      tpu.vector_store %arg7[%swap3A_1795, %swap3A_1796, %swap3A_1797], %swap3A_1800 {strides = array<i32>} : memref<8x16x128xf32, #tpu.memory_space<vmem>>, vector<1x1x16xf32>,
      %scan3A_1801 = arith.constant 0 : i32
      scf.yield %scan3A_1801 : i32
    }
    %scan3A_149 = arith.constant 16 : i32
    %mul3A_150 = arith.constant 128 : i32
    %mul3A_151 = arith.muli %add3A, %mul3A_150 : i32
    %add3A_152 = arith.constant 112 : i32
    %add3A_153 = arith.addi %mul3A_151, %add3A_152 : i32
    %dma_start3A_154 = arith.constant 7 : i32
    %dma_start3A_155 = arith.constant 0 : i32
    %dma_start3A_156 = arith.constant 0 : i32
    %dma_start3A_157 = tpu.memref_slice %arg7[%dma_start3A_154, %dma_start3A_155, %dma_start3A_156] : memref<8x16x128xf32, #tpu.memory_space<vmem>> -> memref<1x16x128xf32, #tpu.memory_space<vmem>>
    %dma_start3A_158 = tpu.memref_squeeze %dma_start3A_157 : memref<1x16x128xf32, #tpu.memory_space<vmem>> -> memref<16x128xf32, #tpu.memory_space<vmem>>
    %dma_start3A_159 = arith.constant 0 : i32
    %dma_start3A_160 = tpu.memref_slice %arg4[%add3A_153, %dma_start3A_159] : memref<4096x128xf32, #tpu.memory_space<hbm>> -> memref<16x128xf32, #tpu.memory_space<hbm>>
    %dma_start3A_161 = arith.constant 0 : i32
    %dma_start3A_162 = tpu.memref_slice %arg4[%add3A_153, %dma_start3A_161] : memref<4096x128xf32, #tpu.memory_space<hbm>> -> memref<16x128xf32, #tpu.memory_space<hbm>>
    %dma_start3A_163 = arith.constant 0 : i32
    %dma_start3A_164 = arith.constant 0 : i32
    %dma_start3A_165 = tpu.memref_slice %arg7[%dma_start3A_154, %dma_start3A_163, %dma_start3A_164] : memref<8x16x128xf32, #tpu.memory_space<vmem>> -> memref<1x16x128xf32, #tpu.memory_space<vmem>>
    %dma_start3A_166 = tpu.memref_squeeze %dma_start3A_165 : memref<1x16x128xf32, #tpu.memory_space<vmem>> -> memref<16x128xf32, #tpu.memory_space<vmem>>
    tpu.enqueue_dma source(%dma_start3A_166 : memref<16x128xf32, #tpu.memory_space<vmem>>) target(%dma_start3A_162 : memref<16x128xf32, #tpu.memory_space<hbm>>) target_semaphore(%arg9 : memref<!tpu.dma_semaphore, #tpu.memory_space<semaphore_mem>>)
    %dma_wait3A_167 = arith.constant 0 : i32
    %dma_wait3A_168 = arith.constant 0 : i32
    %dma_wait3A_169 = arith.constant 0 : i32
    %dma_wait3A_170 = tpu.memref_slice %arg7[%dma_wait3A_167, %dma_wait3A_168, %dma_wait3A_169] : memref<8x16x128xf32, #tpu.memory_space<vmem>> -> memref<1x16x128xf32, #tpu.memory_space<vmem>>
    %dma_wait3A_171 = tpu.memref_squeeze %dma_wait3A_170 : memref<1x16x128xf32, #tpu.memory_space<vmem>> -> memref<16x128xf32, #tpu.memory_space<vmem>>
    %dma_wait3A_172 = arith.constant 0 : i32
    %dma_wait3A_173 = arith.constant 0 : i32
    %dma_wait3A_174 = tpu.memref_slice %arg4[%dma_wait3A_172, %dma_wait3A_173] : memref<4096x128xf32, #tpu.memory_space<hbm>> -> memref<16x128xf32, #tpu.memory_space<hbm>>
    %dma_wait3A_175 = arith.constant 0 : i32
    %dma_wait3A_176 = arith.constant 0 : i32
    %dma_wait3A_177 = tpu.memref_slice %arg4[%dma_wait3A_175, %dma_wait3A_176] : memref<4096x128xf32, #tpu.memory_space<hbm>> -> memref<16x128xf32, #tpu.memory_space<hbm>>
    %dma_wait3A_178 = arith.constant 0 : i32
    %dma_wait3A_179 = arith.constant 0 : i32
    %dma_wait3A_180 = tpu.memref_slice %arg7[%dma_wait3A_167, %dma_wait3A_178, %dma_wait3A_179] : memref<8x16x128xf32, #tpu.memory_space<vmem>> -> memref<1x16x128xf32, #tpu.memory_space<vmem>>
    %dma_wait3A_181 = tpu.memref_squeeze %dma_wait3A_180 : memref<1x16x128xf32, #tpu.memory_space<vmem>> -> memref<16x128xf32, #tpu.memory_space<vmem>>
    tpu.wait_dma2 semaphore(%arg9 : memref<!tpu.dma_semaphore, #tpu.memory_space<semaphore_mem>>) src(%dma_wait3A_181 : memref<16x128xf32, #tpu.memory_space<vmem>>) dst(%dma_wait3A_177 : memref<16x128xf32, #tpu.memory_space<hbm>>)
    %dma_wait3A_182 = arith.constant 1 : i32
    %dma_wait3A_183 = arith.constant 0 : i32
    %dma_wait3A_184 = arith.constant 0 : i32
    %dma_wait3A_185 = tpu.memref_slice %arg7[%dma_wait3A_182, %dma_wait3A_183, %dma_wait3A_184] : memref<8x16x128xf32, #tpu.memory_space<vmem>> -> memref<1x16x128xf32, #tpu.memory_space<vmem>>
    %dma_wait3A_186 = tpu.memref_squeeze %dma_wait3A_185 : memref<1x16x128xf32, #tpu.memory_space<vmem>> -> memref<16x128xf32, #tpu.memory_space<vmem>>
    %dma_wait3A_187 = arith.constant 0 : i32
    %dma_wait3A_188 = arith.constant 0 : i32
    %dma_wait3A_189 = tpu.memref_slice %arg4[%dma_wait3A_187, %dma_wait3A_188] : memref<4096x128xf32, #tpu.memory_space<hbm>> -> memref<16x128xf32, #tpu.memory_space<hbm>>
    %dma_wait3A_190 = arith.constant 0 : i32
    %dma_wait3A_191 = arith.constant 0 : i32
    %dma_wait3A_192 = tpu.memref_slice %arg4[%dma_wait3A_190, %dma_wait3A_191] : memref<4096x128xf32, #tpu.memory_space<hbm>> -> memref<16x128xf32, #tpu.memory_space<hbm>>
    %dma_wait3A_193 = arith.constant 0 : i32
    %dma_wait3A_194 = arith.constant 0 : i32
    %dma_wait3A_195 = tpu.memref_slice %arg7[%dma_wait3A_182, %dma_wait3A_193, %dma_wait3A_194] : memref<8x16x128xf32, #tpu.memory_space<vmem>> -> memref<1x16x128xf32, #tpu.memory_space<vmem>>
    %dma_wait3A_196 = tpu.memref_squeeze %dma_wait3A_195 : memref<1x16x128xf32, #tpu.memory_space<vmem>> -> memref<16x128xf32, #tpu.memory_space<vmem>>
    tpu.wait_dma2 semaphore(%arg9 : memref<!tpu.dma_semaphore, #tpu.memory_space<semaphore_mem>>) src(%dma_wait3A_196 : memref<16x128xf32, #tpu.memory_space<vmem>>) dst(%dma_wait3A_192 : memref<16x128xf32, #tpu.memory_space<hbm>>)
    %dma_wait3A_197 = arith.constant 2 : i32
    %dma_wait3A_198 = arith.constant 0 : i32
    %dma_wait3A_199 = arith.constant 0 : i32
    %dma_wait3A_200 = tpu.memref_slice %arg7[%dma_wait3A_197, %dma_wait3A_198, %dma_wait3A_199] : memref<8x16x128xf32, #tpu.memory_space<vmem>> -> memref<1x16x128xf32, #tpu.memory_space<vmem>>
    %dma_wait3A_201 = tpu.memref_squeeze %dma_wait3A_200 : memref<1x16x128xf32, #tpu.memory_space<vmem>> -> memref<16x128xf32, #tpu.memory_space<vmem>>
    %dma_wait3A_202 = arith.constant 0 : i32
    %dma_wait3A_203 = arith.constant 0 : i32
    %dma_wait3A_204 = tpu.memref_slice %arg4[%dma_wait3A_202, %dma_wait3A_203] : memref<4096x128xf32, #tpu.memory_space<hbm>> -> memref<16x128xf32, #tpu.memory_space<hbm>>
    %dma_wait3A_205 = arith.constant 0 : i32
    %dma_wait3A_206 = arith.constant 0 : i32
    %dma_wait3A_207 = tpu.memref_slice %arg4[%dma_wait3A_205, %dma_wait3A_206] : memref<4096x128xf32, #tpu.memory_space<hbm>> -> memref<16x128xf32, #tpu.memory_space<hbm>>
    %dma_wait3A_208 = arith.constant 0 : i32
    %dma_wait3A_209 = arith.constant 0 : i32
    %dma_wait3A_210 = tpu.memref_slice %arg7[%dma_wait3A_197, %dma_wait3A_208, %dma_wait3A_209] : memref<8x16x128xf32, #tpu.memory_space<vmem>> -> memref<1x16x128xf32, #tpu.memory_space<vmem>>
    %dma_wait3A_211 = tpu.memref_squeeze %dma_wait3A_210 : memref<1x16x128xf32, #tpu.memory_space<vmem>> -> memref<16x128xf32, #tpu.memory_space<vmem>>
    tpu.wait_dma2 semaphore(%arg9 : memref<!tpu.dma_semaphore, #tpu.memory_space<semaphore_mem>>) src(%dma_wait3A_211 : memref<16x128xf32, #tpu.memory_space<vmem>>) dst(%dma_wait3A_207 : memref<16x128xf32, #tpu.memory_space<hbm>>)
    %dma_wait3A_212 = arith.constant 3 : i32
    %dma_wait3A_213 = arith.constant 0 : i32
    %dma_wait3A_214 = arith.constant 0 : i32
    %dma_wait3A_215 = tpu.memref_slice %arg7[%dma_wait3A_212, %dma_wait3A_213, %dma_wait3A_214] : memref<8x16x128xf32, #tpu.memory_space<vmem>> -> memref<1x16x128xf32, #tpu.memory_space<vmem>>
    %dma_wait3A_216 = tpu.memref_squeeze %dma_wait3A_215 : memref<1x16x128xf32, #tpu.memory_space<vmem>> -> memref<16x128xf32, #tpu.memory_space<vmem>>
    %dma_wait3A_217 = arith.constant 0 : i32
    %dma_wait3A_218 = arith.constant 0 : i32
    %dma_wait3A_219 = tpu.memref_slice %arg4[%dma_wait3A_217, %dma_wait3A_218] : memref<4096x128xf32, #tpu.memory_space<hbm>> -> memref<16x128xf32, #tpu.memory_space<hbm>>
    %dma_wait3A_220 = arith.constant 0 : i32
    %dma_wait3A_221 = arith.constant 0 : i32
    %dma_wait3A_222 = tpu.memref_slice %arg4[%dma_wait3A_220, %dma_wait3A_221] : memref<4096x128xf32, #tpu.memory_space<hbm>> -> memref<16x128xf32, #tpu.memory_space<hbm>>
    %dma_wait3A_223 = arith.constant 0 : i32
    %dma_wait3A_224 = arith.constant 0 : i32
    %dma_wait3A_225 = tpu.memref_slice %arg7[%dma_wait3A_212, %dma_wait3A_223, %dma_wait3A_224] : memref<8x16x128xf32, #tpu.memory_space<vmem>> -> memref<1x16x128xf32, #tpu.memory_space<vmem>>
    %dma_wait3A_226 = tpu.memref_squeeze %dma_wait3A_225 : memref<1x16x128xf32, #tpu.memory_space<vmem>> -> memref<16x128xf32, #tpu.memory_space<vmem>>
    tpu.wait_dma2 semaphore(%arg9 : memref<!tpu.dma_semaphore, #tpu.memory_space<semaphore_mem>>) src(%dma_wait3A_226 : memref<16x128xf32, #tpu.memory_space<vmem>>) dst(%dma_wait3A_222 : memref<16x128xf32, #tpu.memory_space<hbm>>)
    %dma_wait3A_227 = arith.constant 4 : i32
    %dma_wait3A_228 = arith.constant 0 : i32
    %dma_wait3A_229 = arith.constant 0 : i32
    %dma_wait3A_230 = tpu.memref_slice %arg7[%dma_wait3A_227, %dma_wait3A_228, %dma_wait3A_229] : memref<8x16x128xf32, #tpu.memory_space<vmem>> -> memref<1x16x128xf32, #tpu.memory_space<vmem>>
    %dma_wait3A_231 = tpu.memref_squeeze %dma_wait3A_230 : memref<1x16x128xf32, #tpu.memory_space<vmem>> -> memref<16x128xf32, #tpu.memory_space<vmem>>
    %dma_wait3A_232 = arith.constant 0 : i32
    %dma_wait3A_233 = arith.constant 0 : i32
    %dma_wait3A_234 = tpu.memref_slice %arg4[%dma_wait3A_232, %dma_wait3A_233] : memref<4096x128xf32, #tpu.memory_space<hbm>> -> memref<16x128xf32, #tpu.memory_space<hbm>>
    %dma_wait3A_235 = arith.constant 0 : i32
    %dma_wait3A_236 = arith.constant 0 : i32
    %dma_wait3A_237 = tpu.memref_slice %arg4[%dma_wait3A_235, %dma_wait3A_236] : memref<4096x128xf32, #tpu.memory_space<hbm>> -> memref<16x128xf32, #tpu.memory_space<hbm>>
    %dma_wait3A_238 = arith.constant 0 : i32
    %dma_wait3A_239 = arith.constant 0 : i32
    %dma_wait3A_240 = tpu.memref_slice %arg7[%dma_wait3A_227, %dma_wait3A_238, %dma_wait3A_239] : memref<8x16x128xf32, #tpu.memory_space<vmem>> -> memref<1x16x128xf32, #tpu.memory_space<vmem>>
    %dma_wait3A_241 = tpu.memref_squeeze %dma_wait3A_240 : memref<1x16x128xf32, #tpu.memory_space<vmem>> -> memref<16x128xf32, #tpu.memory_space<vmem>>
    tpu.wait_dma2 semaphore(%arg9 : memref<!tpu.dma_semaphore, #tpu.memory_space<semaphore_mem>>) src(%dma_wait3A_241 : memref<16x128xf32, #tpu.memory_space<vmem>>) dst(%dma_wait3A_237 : memref<16x128xf32, #tpu.memory_space<hbm>>)
    %dma_wait3A_242 = arith.constant 5 : i32
    %dma_wait3A_243 = arith.constant 0 : i32
    %dma_wait3A_244 = arith.constant 0 : i32
    %dma_wait3A_245 = tpu.memref_slice %arg7[%dma_wait3A_242, %dma_wait3A_243, %dma_wait3A_244] : memref<8x16x128xf32, #tpu.memory_space<vmem>> -> memref<1x16x128xf32, #tpu.memory_space<vmem>>
    %dma_wait3A_246 = tpu.memref_squeeze %dma_wait3A_245 : memref<1x16x128xf32, #tpu.memory_space<vmem>> -> memref<16x128xf32, #tpu.memory_space<vmem>>
    %dma_wait3A_247 = arith.constant 0 : i32
    %dma_wait3A_248 = arith.constant 0 : i32
    %dma_wait3A_249 = tpu.memref_slice %arg4[%dma_wait3A_247, %dma_wait3A_248] : memref<4096x128xf32, #tpu.memory_space<hbm>> -> memref<16x128xf32, #tpu.memory_space<hbm>>
    %dma_wait3A_250 = arith.constant 0 : i32
    %dma_wait3A_251 = arith.constant 0 : i32
    %dma_wait3A_252 = tpu.memref_slice %arg4[%dma_wait3A_250, %dma_wait3A_251] : memref<4096x128xf32, #tpu.memory_space<hbm>> -> memref<16x128xf32, #tpu.memory_space<hbm>>
    %dma_wait3A_253 = arith.constant 0 : i32
    %dma_wait3A_254 = arith.constant 0 : i32
    %dma_wait3A_255 = tpu.memref_slice %arg7[%dma_wait3A_242, %dma_wait3A_253, %dma_wait3A_254] : memref<8x16x128xf32, #tpu.memory_space<vmem>> -> memref<1x16x128xf32, #tpu.memory_space<vmem>>
    %dma_wait3A_256 = tpu.memref_squeeze %dma_wait3A_255 : memref<1x16x128xf32, #tpu.memory_space<vmem>> -> memref<16x128xf32, #tpu.memory_space<vmem>>
    tpu.wait_dma2 semaphore(%arg9 : memref<!tpu.dma_semaphore, #tpu.memory_space<semaphore_mem>>) src(%dma_wait3A_256 : memref<16x128xf32, #tpu.memory_space<vmem>>) dst(%dma_wait3A_252 : memref<16x128xf32, #tpu.memory_space<hbm>>)
    %dma_wait3A_257 = arith.constant 6 : i32
    %dma_wait3A_258 = arith.constant 0 : i32
    %dma_wait3A_259 = arith.constant 0 : i32
    %dma_wait3A_260 = tpu.memref_slice %arg7[%dma_wait3A_257, %dma_wait3A_258, %dma_wait3A_259] : memref<8x16x128xf32, #tpu.memory_space<vmem>> -> memref<1x16x128xf32, #tpu.memory_space<vmem>>
    %dma_wait3A_261 = tpu.memref_squeeze %dma_wait3A_260 : memref<1x16x128xf32, #tpu.memory_space<vmem>> -> memref<16x128xf32, #tpu.memory_space<vmem>>
    %dma_wait3A_262 = arith.constant 0 : i32
    %dma_wait3A_263 = arith.constant 0 : i32
    %dma_wait3A_264 = tpu.memref_slice %arg4[%dma_wait3A_262, %dma_wait3A_263] : memref<4096x128xf32, #tpu.memory_space<hbm>> -> memref<16x128xf32, #tpu.memory_space<hbm>>
    %dma_wait3A_265 = arith.constant 0 : i32
    %dma_wait3A_266 = arith.constant 0 : i32
    %dma_wait3A_267 = tpu.memref_slice %arg4[%dma_wait3A_265, %dma_wait3A_266] : memref<4096x128xf32, #tpu.memory_space<hbm>> -> memref<16x128xf32, #tpu.memory_space<hbm>>
    %dma_wait3A_268 = arith.constant 0 : i32
    %dma_wait3A_269 = arith.constant 0 : i32
    %dma_wait3A_270 = tpu.memref_slice %arg7[%dma_wait3A_257, %dma_wait3A_268, %dma_wait3A_269] : memref<8x16x128xf32, #tpu.memory_space<vmem>> -> memref<1x16x128xf32, #tpu.memory_space<vmem>>
    %dma_wait3A_271 = tpu.memref_squeeze %dma_wait3A_270 : memref<1x16x128xf32, #tpu.memory_space<vmem>> -> memref<16x128xf32, #tpu.memory_space<vmem>>
    tpu.wait_dma2 semaphore(%arg9 : memref<!tpu.dma_semaphore, #tpu.memory_space<semaphore_mem>>) src(%dma_wait3A_271 : memref<16x128xf32, #tpu.memory_space<vmem>>) dst(%dma_wait3A_267 : memref<16x128xf32, #tpu.memory_space<hbm>>)
    %dma_wait3A_272 = arith.constant 7 : i32
    %dma_wait3A_273 = arith.constant 0 : i32
    %dma_wait3A_274 = arith.constant 0 : i32
    %dma_wait3A_275 = tpu.memref_slice %arg7[%dma_wait3A_272, %dma_wait3A_273, %dma_wait3A_274] : memref<8x16x128xf32, #tpu.memory_space<vmem>> -> memref<1x16x128xf32, #tpu.memory_space<vmem>>
    %dma_wait3A_276 = tpu.memref_squeeze %dma_wait3A_275 : memref<1x16x128xf32, #tpu.memory_space<vmem>> -> memref<16x128xf32, #tpu.memory_space<vmem>>
    %dma_wait3A_277 = arith.constant 0 : i32
    %dma_wait3A_278 = arith.constant 0 : i32
    %dma_wait3A_279 = tpu.memref_slice %arg4[%dma_wait3A_277, %dma_wait3A_278] : memref<4096x128xf32, #tpu.memory_space<hbm>> -> memref<16x128xf32, #tpu.memory_space<hbm>>
    %dma_wait3A_280 = arith.constant 0 : i32
    %dma_wait3A_281 = arith.constant 0 : i32
    %dma_wait3A_282 = tpu.memref_slice %arg4[%dma_wait3A_280, %dma_wait3A_281] : memref<4096x128xf32, #tpu.memory_space<hbm>> -> memref<16x128xf32, #tpu.memory_space<hbm>>
    %dma_wait3A_283 = arith.constant 0 : i32
    %dma_wait3A_284 = arith.constant 0 : i32
    %dma_wait3A_285 = tpu.memref_slice %arg7[%dma_wait3A_272, %dma_wait3A_283, %dma_wait3A_284] : memref<8x16x128xf32, #tpu.memory_space<vmem>> -> memref<1x16x128xf32, #tpu.memory_space<vmem>>
    %dma_wait3A_286 = tpu.memref_squeeze %dma_wait3A_285 : memref<1x16x128xf32, #tpu.memory_space<vmem>> -> memref<16x128xf32, #tpu.memory_space<vmem>>
    tpu.wait_dma2 semaphore(%arg9 : memref<!tpu.dma_semaphore, #tpu.memory_space<semaphore_mem>>) src(%dma_wait3A_286 : memref<16x128xf32, #tpu.memory_space<vmem>>) dst(%dma_wait3A_282 : memref<16x128xf32, #tpu.memory_space<hbm>>)
    return
  }
}

</mosaic_0001>

<sc_bundles>
// kernel: kernel.3.cloned.1.call-start
scs
__scs_entry_jumppad:
0x0: {  	(pc) =	sbr.rel $0x88, $3  }
0x1: {  	(tag) =	ssettag $0x0;
	lr =	simm.s32 $0x1  }
0x2: {  	[smem:$0x3F9F] =	sst lr;
	_ =	strace $0xD0000000  }
0x3: {  	_ = 	snop  }
0x4: {  	_ = 	snop  }
0x5: {  	_ = 	snop  }
0x6: {  	_ = 	snop  }
0x7: {  	_ = 	snop  }
__scs_overlays_trampoline_lowered:
0x8: {  	[smem:$0x3FAE] =	sst s0  }
0x9: {  	[smem:$0x3FAF] =	sst s1  }
0xa: {  	[smem:$0x3FB0] =	sst s2  }
0xb: {  	[smem:$0x3FB1] =	sst s3  }
0xc: {  	[smem:$0x3FB2] =	sst s4  }
0xd: {  	[smem:$0x3FB3] =	sst s5  }
0xe: {  	[smem:$0x3FB4] =	sst s6  }
0xf: {  	[smem:$0x3FB5] =	sst s7  }
0x10: {  	[smem:$0x3FB6] =	sst s8  }
0x11: {  	[smem:$0x3FB7] =	sst s9;
	s0 =	simm.s32 @!p0 $0x0  }
0x12: {  	s1 =	sld [smem:$0x3F9D];
	s0 =	simm.s32 @p0 $0x1  }
0x13: {  	[smem:$0x3FB8] =	sst s0;
	s0 =	simm.s32 @!p1 $0x0  }
0x14: {  	s2 =	sld [smem:$0x3F9C];
	s0 =	simm.s32 @p1 $0x1  }
0x15: {  	[smem:$0x3FB9] =	sst s0;
	s0 =	simm.s32 @!p2 $0x0  }
0x16: {  	s3 =	sld [smem:$0x3FDB];
	s0 =	simm.s32 @p2 $0x1  }
0x17: {  	s4 =	simm.s32 $0x1BF5;
	[smem:$0x3FBB] =	sst s0  }
0x18: {  	s0 =	sld [smem:$0x3F9E];
	_ =	swait.ge [sflag:s4], $0x0  }
0x19: {  	s7 =	sld [smem:$0x3F9F]  }
0x1a: {  	s8 =	sadd.s32 $0xFFFFE003, lr  }
0x1b: {  	s9 =	sadd.s32 $0xFFFFFEF7, lr;
	s5 =	simm.s32 $0xFFFFFFFF;
	p2 =	slt.u32 s8, $0xFFFFF086  }
0x1c: {  	p1 =	slt.u32 s9, $0xF7A;
	s5 =	simm.s32 @!p2 $0x0  }
0x1d: {  	s5 =	simm.s32 @p1 $0x1;
	p0 =	seq.s32 s7, s2  }
0x1e: {  	s7 =	smul.u32 @!p0 $0xF7A, s2;
	p2 =	seq.s32 @!p0 s5, $0x0  }
0x1f: {  	s9 =	smul.u32 $0xF7A, s1;
	s8 =	simm.s32 @!p0 $0x1BF5;
	p2 =	por !p2, p0  }
0x20: {  	[sflag:s8] =	ssyncset.s32 @!p0 $0xFFFFF086;
	s6 =	sadd.s32 @!p0 s3, s7;
	s7 =	simm.s32 @!p0 $0x108  }
0x21: {  	s3 =	sadd.s32 s3, s9;
	s6 =	sadd.s32 @!p0 $0x88, s6;
	s7 =	simm.s32 @p2 $0x1082  }
0x22: {  	[simem:s7], [sflag:s8] =	dma.local @!p0 [hbm:s6], $0xF7A  }
0x23: {  	s9 =	sor.u32 $0xD0000000, s2;
	s6 =	simm.s32 $0x108;
	_ =	swait.ge @!p0 [sflag:s8], $0x0  }
0x24: {  	s3 =	sadd.s32 $0x88, s3;
	s6 =	simm.s32 @!p1 $0x1082;
	[sflag:s4] =	ssyncset.s32 $0xFFFFF086  }
0x25: {  	[simem:s6], [sflag:s4] =	dma.local [hbm:s3], $0xF7A  }
0x26: {  	[smem:$0x3F9F] =	sst s1;
	(tag) =	ssettag s2;
	_ =	strace s9  }
0x27: {  	s1 =	sld [smem:$0x3FAF]  }
0x28: {  	s2 =	sld [smem:$0x3FB0]  }
0x29: {  	s4 =	sld [smem:$0x3FB2]  }
0x2a: {  	p0 =	seq.s32 s5, $0x0;
	s5 =	sld [smem:$0x3FB3]  }
0x2b: {  	s6 =	sld [smem:$0x3FB4]  }
0x2c: {  	s7 =	sld [smem:$0x3FB5]  }
0x2d: {  	s3 =	simm.s32 $0x108;
	s8 =	sld [smem:$0x3FB6]  }
0x2e: {  	s3 =	simm.s32 @!p0 $0x1082;
	s9 =	sld [smem:$0x3FB7]  }
0x2f: {  	lr =	sadd.s32 s0, s3;
	s0 =	sld [smem:$0x3FAE]  }
0x30: {  	s3 =	sld [smem:$0x3FB1]  }
0x31: {  	[smem:$0x3FBA] =	sst s10  }
0x32: {  	s10 =	sld [smem:$0x3FB8];
	_ =	sdelay $0x3  }
0x33: {  	p0 =	seq.s32 s10, $0x1;
	s10 =	sld [smem:$0x3FBA];
	_ =	sdelay $0x3  }
0x34: {  	[smem:$0x3FBA] =	sst s10  }
0x35: {  	s10 =	sld [smem:$0x3FB9];
	_ =	sdelay $0x3  }
0x36: {  	p1 =	seq.s32 s10, $0x1;
	s10 =	sld [smem:$0x3FBA];
	_ =	sdelay $0x3  }
0x37: {  	[smem:$0x3FBA] =	sst s10  }
0x38: {  	s10 =	sld [smem:$0x3FBB]  }
0x39: {  	_ = 	snop;
	(pc) =	sbr.ind lr, $3  }
0x3a: {  	_ = 	snop  }
0x3b: {  	_ = 	snop  }
0x3c: {  	p2 =	seq.s32 s10, $0x1;
	s10 =	sld [smem:$0x3FBA]  }
0x3d: {  	_ =	shalt  }
0x3e: {  	_ =	shalt  }
0x3f: {  	_ =	shalt  }
0x40: {  	_ =	shalt  }
0x41: {  	_ =	shalt  }
0x42: {  	_ =	shalt  }
0x43: {  	_ =	shalt  }
0x44: {  	_ =	shalt  }
0x45: {  	_ =	shalt  }
0x46: {  	_ =	shalt  }
0x47: {  	_ =	shalt  }
0x48: {  	_ =	shalt  }
0x49: {  	_ =	shalt  }
0x4a: {  	_ =	shalt  }
0x4b: {  	_ =	shalt  }
0x4c: {  	_ =	shalt  }
0x4d: {  	_ =	shalt  }
0x4e: {  	_ =	shalt  }
0x4f: {  	_ =	shalt  }
0x50: {  	_ =	shalt  }
0x51: {  	_ =	shalt  }
0x52: {  	_ =	shalt  }
0x53: {  	_ =	shalt  }
0x54: {  	_ =	shalt  }
0x55: {  	_ =	shalt  }
0x56: {  	_ =	shalt  }
0x57: {  	_ =	shalt  }
0x58: {  	_ =	shalt  }
0x59: {  	_ =	shalt  }
0x5a: {  	_ =	shalt  }
0x5b: {  	_ =	shalt  }
0x5c: {  	_ =	shalt  }
0x5d: {  	_ =	shalt  }
0x5e: {  	_ =	shalt  }
0x5f: {  	_ =	shalt  }
0x60: {  	_ =	shalt  }
0x61: {  	_ =	shalt  }
0x62: {  	_ =	shalt  }
0x63: {  	_ =	shalt  }
0x64: {  	_ =	shalt  }
0x65: {  	_ =	shalt  }
0x66: {  	_ =	shalt  }
0x67: {  	_ =	shalt  }
0x68: {  	_ =	shalt  }
0x69: {  	_ =	shalt  }
0x6a: {  	_ =	shalt  }
0x6b: {  	_ =	shalt  }
0x6c: {  	_ =	shalt  }
0x6d: {  	_ =	shalt  }
0x6e: {  	_ =	shalt  }
0x6f: {  	_ =	shalt  }
0x70: {  	_ =	shalt  }
0x71: {  	_ =	shalt  }
0x72: {  	_ =	shalt  }
0x73: {  	_ =	shalt  }
0x74: {  	_ =	shalt  }
0x75: {  	_ =	shalt  }
0x76: {  	_ =	shalt  }
0x77: {  	_ =	shalt  }
0x78: {  	_ =	shalt  }
0x79: {  	_ =	shalt  }
0x7a: {  	_ =	shalt  }
0x7b: {  	_ =	shalt  }
0x7c: {  	_ =	shalt  }
0x7d: {  	_ =	shalt  }
0x7e: {  	_ =	shalt  }
0x7f: {  	_ =	shalt  }
0x80: {  	_ =	shalt  }
0x81: {  	_ =	shalt  }
0x82: {  	_ =	shalt  }
0x83: {  	_ =	shalt  }
0x84: {  	_ =	shalt  }
0x85: {  	_ =	shalt  }
0x86: {  	_ =	shalt  }
0x87: {  	_ =	shalt  }
.Lfunc_end0:
.L_simem_size_0:
called_computation_lowered:
.L_overlay_start_0:
0x88: {  	s2 =	sld [smem:$0x3FD9]  }
0x89: {  	s3 =	sld [smem:$0x3FFE];
	_ =	sdelay $0x1  }
0x8a: {  	s1 =	srdreg.scid  }
0x8b: {  	s0 =	sand.u32 $0x1, s1  }
0x8c: {  	s17 =	sshll.u32 s0, $0xA;
	s2 =	sadd.s32 s3, s2  }
0x8d: {  	s2 =	sadd.s32 s2, s17  }
0x8e: {  	[smem:$0x3FC6] =	sst s2  }
0x8f: {  	_ = 	snop  }
0x90: {  	s2 =	sld [smem:$0x3FC8]  }
0x91: {  	s18 =	sld [smem:$0x3FD0];
	(tm) =	ssettm $0x1  }
0x92: {  	s4 =	sld [smem:$0x3FFB];
	_ =	sdelay $0x3  }
0x93: {  	_ =	strace s4  }
0x94: {  	s4 =	sld [smem:$0x3FFC];
	_ =	sdelay $0x3  }
0x95: {  	_ =	strace s4  }
0x96: {  	s4 =	sld [smem:$0x3FFD];
	_ =	sdelay $0x3  }
0x97: {  	_ =	strace s4  }
0x98: {  	_ =	strace $0x8FFFFFFF  }
0x99: {  	s19 =	sld [smem:$0x3FDB];
	_ =	sdelay $0x1  }
0x9a: {  	s5 =	simm.s32 $_scs_section_size  }
0x9b: {  	s6 =	simm.s32 $_size__tile_overlayer_lowered;
	s7 =	simm.s32 $_tile_overlayer_lowered  }
0x9c: {  	s22 =	simm.s32 $0x1BFF;
	s21 =	sshll.u32 s7, $0x1;
	s4 =	sadd.s32 s5, s19  }
0x9d: {  	s8 =	simm.s32 $0x0;
	s20 =	sshll.u32 s6, $0x1;
	s6 =	sadd.s32 s21, s4  }
0x9e: {  	[timem:s8], [sflag:s22] =	dma.local [hbm:s6], s20  }
0x9f: {  	_ =	swait.ge [sflag:s22], s20  }
0xa0: {  	s5 =	ssub.s32 $0x0, s20;
	[sflag:s22] =	ssyncset.done $0x0  }
0xa1: {  	[sflag:s22] =	ssyncadd.s32 s5;
	_ =	sdelay $0x1  }
0xa2: {  	s23 =	simm.s32 $0x1B8B  }
0xa3: {  	_ =	swait.ge [sflag:s23], $0x1  }
0xa4: {  	[sflag:s23] =	ssyncset.done $0x0  }
0xa5: {  	s25 =	simm.s32 $0x1B8E;
	s24 =	sld [smem:$0x3FFE];
	[sflag:s23] =	ssyncadd.s32 $0xFFFFFFFF  }
0xa6: {  	s26 =	simm.s32 $execute0_lowered;
	[smem:$0x3FD2] =	sst s25  }
0xa7: {  	s6 =	sshll.u32 s26, $0x1;
	_ =	strace $0x80000046;
	[dreg:$0x1] =	wrdreg $0xFFFFFFFF  }
0xa8: {  	s28 =	simm.s32 $_size_execute0_lowered;
	s4 =	sadd.s32 s4, s6;
	[dreg:$0x0] =	wrdreg $0x0  }
0xa9: {  	s6 =	sshll.u32 s28, $0x1;
	[dreg:$0x2] =	wrdreg s4  }
0xaa: {  	[dreg:$0x3] =	wrdreg s6  }
0xab: {  	[dreg:$0x4] =	wrdreg $0xC0  }
0xac: {  	_ =	task [dreg:s8], $0x5FFFF  }
0xad: {  	[dreg:$0x1] =	wrdreg $0xFFFFFFFF  }
0xae: {  	[dreg:$0x0] =	wrdreg $0x60  }
0xaf: {  	[dreg:$0x2] =	wrdreg s24  }
0xb0: {  	[dreg:$0x3] =	wrdreg s2  }
0xb1: {  	[dreg:$0x4] =	wrdreg s18  }
0xb2: {  	[dreg:$0x5] =	wrdreg $0x9  }
0xb3: {  	_ =	task.clear_ibuf [dreg:s8], $0x6FFFF;
	_ =	strace $0x90000046  }
0xb4: {  	s29 =	simm.s32 $0x9;
	_ =	strace $0x80000048  }
0xb5: {  	_ =	swait.ge [sflag:s29], $0x1  }
0xb6: {  	[sflag:s29] =	ssyncadd.s32 $0xFFFFFFFF  }
0xb7: {  	_ =	strace $0x90000048  }
0xb8: {  	_ =	sfence  }
0xb9: {  	s30 =	sld [smem:$0x0];
	_ =	sdelay $0x2  }
0xba: {  	s31 =	sshll.u32 s1, $0xD;
	s1 =	sshrl.u32 s1, $0x2  }
0xbb: {  	s3 =	sand.u32 $0x4000, s31;
	s1 =	sadd.s32 s1, s30  }
0xbc: {  	s0 =	sor.u32 s3, s0;
	s1 =	sshll.u32 s1, $0x11  }
0xbd: {  	s0 =	sor.u32 s1, s0  }
0xbe: {  	s0 =	sadd.s32 $0x8F2B, s0  }
0xbf: {  	[sflag:s0] =	ssyncadd.remote.s32 $0x1  }
0xc0: {  	_ =	sfence.sel $0xFFFF  }
0xc1: {  	[dreg:$0x0] =	wrdreg $0xFFFFFFFF;
	(pc) =	sbr.abs _section_cstart, $3  }
0xc2: {  	[dreg:$0x1] =	wrdreg $0xFFFFFFFF  }
0xc3: {  	_ =	task.clear_ibuf [dreg:s8], $0x2FFFF;
	_ =	strace $0x9FFFFFFF  }
0xc4: {  	(tm) =	ssettm $0x7FFFFFFF  }
0xc5: {  	_ =	shalt  }
tec
execute0_lowered:
.L_overlay_start_1:
0x0: {  	(tag) =	ssettag $0x1  }
0x1: {  	s4 =	rddreg [dreg:$0x0]  }
0x2: {  	s2 =	rddreg [dreg:$0x1]  }
0x3: {  	s1 =	srdreg.scid;
	s0 =	stileid.u32  }
0x4: {  	s5 =	rddreg [dreg:$0x2];
	s3 =	simm.s32 $0x0;
	s10 =	simm.s32 $0xA00  }
0x5: {  	s11 =	simm.s32 $0x3200;
	s12 =	simm.s32 $0xA0;
	s13 =	simm.s32 $0x5A00  }
0x6: {  	s14 =	simm.s32 $0xF0;
	s15 =	simm.s32 $0x8200;
	s16 =	simm.s32 $0x1  }
0x7: {  	s17 =	simm.s32 $0x18200;
	s6 =	sand.u32 $0x1, s1;
	s7 =	sshll.u32 s0, $0x1  }
0x8: {  	s18 =	simm.s32 $0x2;
	s19 =	simm.s32 $0x0;
	s7 =	sor.u32 s6, s7  }
0x9: {  	[smem:$0x7FF] =	sst s3;
	s6 =	ssub.s32 $0x2, s6;
	s8 =	smul.u32 $0x140, s7  }
0xa: {  	s1 =	rddreg [dreg:$0x3];
	_ =	strace $0x80000047;
	s9 =	sshrl.u32 s6, $0x1  }
0xb: {  	s7 =	sshll.u32 s7, $0xB;
	s9 =	ssub.s32 s6, s9;
	s8 =	sadd.s32 s8, s4  }
0xc: {  	s4 =	sadd.s32 s5, s7;
	s7 =	smax.u32 s9, $0x1;
	s9 =	simm.s32 $0x50  }
0xd: {  	s5 =	sadd.s32 $0x400, s8;
	s6 =	sadd.s32 $0x700, s4;
	s8 =	simm.s32 $0x3  }
.LBB2_1:
0xe: {  	[tilespmem:s3], [sflag:$0x3] =	stream.linear.gather [hbm4b:s5+s3], $0xA00, $0x38;
	[tilespmem:$0x18A00] =	vst v63  }
0xf: {  	_ =	swait.ge [sflag:s8], $0xA00  }
0x10: {  	[sflag:s8] =	ssyncset.done $0x0  }
0x11: {  	[sflag:s8] =	ssyncadd.s32 $0xFFFFF600  }
0x12: {  	[tilespmem:s10], [sflag:$0x1] =	stream.indirect.gather [hbm4b:s2+s9], $0x80, s3, s9, $0xb8;
	[tilespmem:$0x18A00] =	vst v63  }
0x13: {  	_ = 	snop  }
0x14: {  	[tilespmem:s11], [sflag:$0x1] =	stream.indirect.gather [hbm4b:s2+s9], $0x80, s9, s9, $0xb8;
	[tilespmem:$0x18A00] =	vst v63  }
0x15: {  	_ = 	snop  }
0x16: {  	[tilespmem:s13], [sflag:$0x1] =	stream.indirect.gather [hbm4b:s2+s9], $0x80, s12, s9, $0xb8;
	[tilespmem:$0x18A00] =	vst v63  }
0x17: {  	s20 =	simm.s32 $0x14A70;
	p0 =	por $0x0, $0x0;
	s21 =	simm.s32 $0x0  }
0x18: {  	[tilespmem:s15], [sflag:$0x1] =	stream.indirect.gather [hbm4b:s2+s9], $0x80, s14, s9, $0xb8;
	[tilespmem:$0x18A00] =	vst v63  }
.LBB2_2:
0x19: {  	_ =	swait.ge [sflag:s16], $0x2800  }
0x1a: {  	[sflag:s16] =	ssyncset.done $0x0  }
0x1b: {  	[sflag:s16] =	ssyncadd.s32 $0xFFFFD800  }
0x1c: {  	_ =	swait.ge [sflag:s16], $0x2800  }
0x1d: {  	[sflag:s16] =	ssyncset.done $0x0  }
0x1e: {  	[sflag:s16] =	ssyncadd.s32 $0xFFFFD800  }
0x1f: {  	s22 =	sxor.u32 $0xFFFFFFFF, s21;
	_ =	swait.ge [sflag:s16], $0x2800  }
0x20: {  	s23 =	sand.u32 $0x1, s22;
	[sflag:s16] =	ssyncset.done $0x0  }
0x21: {  	s22 =	sadd.s32 $0x1, s21;
	s23 =	smul.u32 $0x28000, s23;
	[sflag:s16] =	ssyncadd.s32 $0xFFFFD800  }
0x22: {  	s24 =	smul.u32 $0x500, s22;
	_ =	swait.ge [sflag:s16], $0x2800  }
0x23: {  	s30 =	sshll.u32 s21, $0xB;
	s23 =	sshrl.u32 s23, $0x2;
	[sflag:s16] =	ssyncset.done $0x0  }
0x24: {  	s24 =	sshra.s32 s24, $0x2;
	s25 =	sor.u32 $0xA00, s23;
	[sflag:s16] =	ssyncadd.s32 $0xFFFFD800  }
0x25: {  	[tilespmem:s25], [sflag:$0x1] =	stream.indirect.gather [hbm4b:s2+s9], $0x80, s24, s9, $0xb8;
	[tilespmem:$0x18A00] =	vst v63  }
0x26: {  	s26 =	sadd.s32 $0x3200, s23;
	s28 =	sadd.s32 $0x50, s24;
	s25 =	simm.s32 $0x1  }
0x27: {  	[tilespmem:s26], [sflag:$0x1] =	stream.indirect.gather [hbm4b:s2+s9], $0x80, s28, s9, $0xb8;
	[tilespmem:$0x18A00] =	vst v63  }
0x28: {  	s31 =	sadd.s32 $0x5A00, s23;
	s29 =	sadd.s32 $0xA0, s24;
	s25 =	simm.s32 @!p0 $0x0  }
0x29: {  	[tilespmem:s31], [sflag:$0x1] =	stream.indirect.gather [hbm4b:s2+s9], $0x80, s29, s9, $0xb8;
	[tilespmem:$0x18A00] =	vst v63  }
0x2a: {  	s23 =	sadd.s32 $0x8200, s23;
	s24 =	sadd.s32 $0xF0, s24;
	s25 =	smul.u32 $0x28000, s25  }
0x2b: {  	[tilespmem:s23], [sflag:$0x1] =	stream.indirect.gather [hbm4b:s2+s9], $0x80, s24, s9, $0xb8;
	[tilespmem:$0x18A00] =	vst v63  }
0x2c: {  	s31 =	sshrl.u32 s25, $0x2;
	s23 =	sand.u32 $0x3FFFF800, s30  }
0x2d: {  	v0 =	vmov s20;
	s25 =	simm.s32 $0x0;
	s24 =	sor.u32 $0xF00, s31;
	s23 =	sadd.s32 $0x14A00, s23  }
.LBB2_3:
0x2e: {  	v1 =	vld [tilespmem:s24+$0xFFFFFB00]  }
0x2f: {  	v2 =	vld [tilespmem:s24+$0xFFFFFB80]  }
0x30: {  	v3 =	vld [tilespmem:s24+$0xFFFFFC00]  }
0x31: {  	v4 =	vld [tilespmem:s24+$0xFFFFFC80]  }
0x32: {  	v5 =	vld [tilespmem:s24+$0xFFFFFD00]  }
0x33: {  	v6 =	vld [tilespmem:s24+$0xFFFFFD80]  }
0x34: {  	v7 =	vld [tilespmem:s24+$0xFFFFFE00]  }
0x35: {  	v8 =	vld [tilespmem:s24+$0xFFFFFE80]  }
0x36: {  	v9 =	vld [tilespmem:s24+$0xFFFFFF00]  }
0x37: {  	v10 =	vld [tilespmem:s24+$0xFFFFFF80]  }
0x38: {  	v11 =	vld [tilespmem:s24+$0x0]  }
0x39: {  	v12 =	vld [tilespmem:s24+$0x80]  }
0x3a: {  	v13 =	vld [tilespmem:s24+$0x100]  }
0x3b: {  	v14 =	vld [tilespmem:s24+$0x180]  }
0x3c: {  	v15 =	vld [tilespmem:s24+$0x200]  }
0x3d: {  	v16 =	vld [tilespmem:s24+$0x280]  }
0x3e: {  	v17 =	vld [tilespmem:s24+$0x300]  }
0x3f: {  	v18 =	vld [tilespmem:s24+$0x380];
	v1 =	vadd.f32 v2, v1;
	v2 =	vadd.f32 v4, v3  }
0x40: {  	v19 =	vld [tilespmem:s24+$0x400];
	v54 =	vadd.f32 v6, v5;
	v55 =	vadd.f32 v8, v7  }
0x41: {  	v3 =	vld [tilespmem:s24+$0x480];
	v56 =	vadd.f32 v10, v9;
	v57 =	vadd.f32 v12, v11  }
0x42: {  	v58 =	vadd.f32 v14, v13;
	v59 =	vadd.f32 v16, v15  }
0x43: {  	v1 =	vadd.f32 v2, v1;
	v2 =	vadd.f32 v55, v54  }
0x44: {  	v60 =	vadd.f32 v57, v56;
	v61 =	vadd.f32 v59, v58  }
0x45: {  	v62 =	vadd.f32 v18, v17;
	v1 =	vadd.f32 v2, v1  }
0x46: {  	v2 =	vadd.f32 v61, v60;
	v3 =	vadd.f32 v3, v19;
	_ =	sdelay $0x1  }
0x47: {  	v1 =	vadd.f32 v2, v1;
	v3 =	vadd.f32 v3, v62;
	_ =	sdelay $0x1  }
0x48: {  	v1 =	vadd.f32 v3, v1;
	_ =	sdelay $0x1  }
0x49: {  	v1 =	vmul.f32 $5.000000070e-02, v1  }
0x4a: {  	s26 =	sshra.s32 s25, $0x2  }
0x4b: {  	[tilespmem:v0+s26+$0xFFFFFF90 ss:$0x1] =	vst.idx.msk $0xffff, v1  }
0x4c: {  	v1 =	vld [tilespmem:s24+$0xFFFFFB10]  }
0x4d: {  	v2 =	vld [tilespmem:s24+$0xFFFFFB90]  }
0x4e: {  	v3 =	vld [tilespmem:s24+$0xFFFFFC10]  }
0x4f: {  	v63 =	vld [tilespmem:s24+$0xFFFFFC90]  }
0x50: {  	v21 =	vld [tilespmem:s24+$0xFFFFFD10]  }
0x51: {  	v22 =	vld [tilespmem:s24+$0xFFFFFD90]  }
0x52: {  	v23 =	vld [tilespmem:s24+$0xFFFFFE10]  }
0x53: {  	v24 =	vld [tilespmem:s24+$0xFFFFFE90]  }
0x54: {  	v25 =	vld [tilespmem:s24+$0xFFFFFF10]  }
0x55: {  	v26 =	vld [tilespmem:s24+$0xFFFFFF90]  }
0x56: {  	v27 =	vld [tilespmem:s24+$0x10]  }
0x57: {  	v28 =	vld [tilespmem:s24+$0x90]  }
0x58: {  	v29 =	vld [tilespmem:s24+$0x110]  }
0x59: {  	v30 =	vld [tilespmem:s24+$0x190]  }
0x5a: {  	v31 =	vld [tilespmem:s24+$0x210]  }
0x5b: {  	v32 =	vld [tilespmem:s24+$0x290]  }
0x5c: {  	v33 =	vld [tilespmem:s24+$0x310]  }
0x5d: {  	v34 =	vld [tilespmem:s24+$0x390];
	v1 =	vadd.f32 v2, v1;
	v2 =	vadd.f32 v63, v3  }
0x5e: {  	v35 =	vld [tilespmem:s24+$0x410];
	v36 =	vadd.f32 v22, v21;
	v37 =	vadd.f32 v24, v23  }
0x5f: {  	v3 =	vld [tilespmem:s24+$0x490];
	v38 =	vadd.f32 v26, v25;
	v39 =	vadd.f32 v28, v27  }
0x60: {  	v40 =	vadd.f32 v30, v29;
	v41 =	vadd.f32 v32, v31  }
0x61: {  	v1 =	vadd.f32 v2, v1;
	v2 =	vadd.f32 v37, v36  }
0x62: {  	v42 =	vadd.f32 v39, v38;
	v43 =	vadd.f32 v41, v40  }
0x63: {  	v44 =	vadd.f32 v34, v33;
	v1 =	vadd.f32 v2, v1  }
0x64: {  	v2 =	vadd.f32 v43, v42;
	v3 =	vadd.f32 v3, v35;
	_ =	sdelay $0x1  }
0x65: {  	v1 =	vadd.f32 v2, v1;
	v3 =	vadd.f32 v3, v44;
	_ =	sdelay $0x1  }
0x66: {  	v1 =	vadd.f32 v3, v1;
	_ =	sdelay $0x1  }
0x67: {  	v1 =	vmul.f32 $5.000000070e-02, v1;
	_ =	sdelay $0x1  }
0x68: {  	[tilespmem:v0+s26+$0xFFFFFFA0 ss:$0x1] =	vst.idx.msk $0xffff, v1  }
0x69: {  	v1 =	vld [tilespmem:s24+$0xFFFFFB20]  }
0x6a: {  	v2 =	vld [tilespmem:s24+$0xFFFFFBA0]  }
0x6b: {  	v3 =	vld [tilespmem:s24+$0xFFFFFC20]  }
0x6c: {  	v45 =	vld [tilespmem:s24+$0xFFFFFCA0]  }
0x6d: {  	v46 =	vld [tilespmem:s24+$0xFFFFFD20]  }
0x6e: {  	v47 =	vld [tilespmem:s24+$0xFFFFFDA0]  }
0x6f: {  	v48 =	vld [tilespmem:s24+$0xFFFFFE20]  }
0x70: {  	v49 =	vld [tilespmem:s24+$0xFFFFFEA0]  }
0x71: {  	v50 =	vld [tilespmem:s24+$0xFFFFFF20]  }
0x72: {  	v51 =	vld [tilespmem:s24+$0xFFFFFFA0]  }
0x73: {  	v52 =	vld [tilespmem:s24+$0x20]  }
0x74: {  	v53 =	vld [tilespmem:s24+$0xA0]  }
0x75: {  	v54 =	vld [tilespmem:s24+$0x120]  }
0x76: {  	v55 =	vld [tilespmem:s24+$0x1A0]  }
0x77: {  	v56 =	vld [tilespmem:s24+$0x220]  }
0x78: {  	v57 =	vld [tilespmem:s24+$0x2A0]  }
0x79: {  	v58 =	vld [tilespmem:s24+$0x320]  }
0x7a: {  	v59 =	vld [tilespmem:s24+$0x3A0];
	v1 =	vadd.f32 v2, v1;
	v2 =	vadd.f32 v45, v3  }
0x7b: {  	v60 =	vld [tilespmem:s24+$0x420];
	v61 =	vadd.f32 v47, v46;
	v62 =	vadd.f32 v49, v48  }
0x7c: {  	v3 =	vld [tilespmem:s24+$0x4A0];
	v63 =	vadd.f32 v51, v50;
	v12 =	vadd.f32 v53, v52  }
0x7d: {  	v20 =	vadd.f32 v55, v54;
	v21 =	vadd.f32 v57, v56  }
0x7e: {  	v1 =	vadd.f32 v2, v1;
	v2 =	vadd.f32 v62, v61  }
0x7f: {  	v22 =	vadd.f32 v12, v63;
	v23 =	vadd.f32 v21, v20  }
0x80: {  	v24 =	vadd.f32 v59, v58;
	v1 =	vadd.f32 v2, v1  }
0x81: {  	v2 =	vadd.f32 v23, v22;
	v3 =	vadd.f32 v3, v60;
	_ =	sdelay $0x1  }
0x82: {  	v1 =	vadd.f32 v2, v1;
	v3 =	vadd.f32 v3, v24;
	_ =	sdelay $0x1  }
0x83: {  	v1 =	vadd.f32 v3, v1;
	_ =	sdelay $0x1  }
0x84: {  	v1 =	vmul.f32 $5.000000070e-02, v1;
	_ =	sdelay $0x1  }
0x85: {  	[tilespmem:v0+s26+$0xFFFFFFB0 ss:$0x1] =	vst.idx.msk $0xffff, v1  }
0x86: {  	v1 =	vld [tilespmem:s24+$0xFFFFFB30]  }
0x87: {  	v2 =	vld [tilespmem:s24+$0xFFFFFBB0]  }
0x88: {  	v3 =	vld [tilespmem:s24+$0xFFFFFC30]  }
0x89: {  	v25 =	vld [tilespmem:s24+$0xFFFFFCB0]  }
0x8a: {  	v26 =	vld [tilespmem:s24+$0xFFFFFD30]  }
0x8b: {  	v27 =	vld [tilespmem:s24+$0xFFFFFDB0]  }
0x8c: {  	v28 =	vld [tilespmem:s24+$0xFFFFFE30]  }
0x8d: {  	v29 =	vld [tilespmem:s24+$0xFFFFFEB0]  }
0x8e: {  	v30 =	vld [tilespmem:s24+$0xFFFFFF30]  }
0x8f: {  	v31 =	vld [tilespmem:s24+$0xFFFFFFB0]  }
0x90: {  	v32 =	vld [tilespmem:s24+$0x30]  }
0x91: {  	v33 =	vld [tilespmem:s24+$0xB0]  }
0x92: {  	v34 =	vld [tilespmem:s24+$0x130]  }
0x93: {  	v35 =	vld [tilespmem:s24+$0x1B0]  }
0x94: {  	v36 =	vld [tilespmem:s24+$0x230]  }
0x95: {  	v37 =	vld [tilespmem:s24+$0x2B0]  }
0x96: {  	v38 =	vld [tilespmem:s24+$0x330]  }
0x97: {  	v39 =	vld [tilespmem:s24+$0x3B0];
	v1 =	vadd.f32 v2, v1;
	v2 =	vadd.f32 v25, v3  }
0x98: {  	v40 =	vld [tilespmem:s24+$0x430];
	v41 =	vadd.f32 v27, v26;
	v42 =	vadd.f32 v29, v28  }
0x99: {  	v3 =	vld [tilespmem:s24+$0x4B0];
	v43 =	vadd.f32 v31, v30;
	v44 =	vadd.f32 v33, v32  }
0x9a: {  	v45 =	vadd.f32 v35, v34;
	v46 =	vadd.f32 v37, v36  }
0x9b: {  	v1 =	vadd.f32 v2, v1;
	v2 =	vadd.f32 v42, v41  }
0x9c: {  	v47 =	vadd.f32 v44, v43;
	v48 =	vadd.f32 v46, v45  }
0x9d: {  	v49 =	vadd.f32 v39, v38;
	v1 =	vadd.f32 v2, v1  }
0x9e: {  	v2 =	vadd.f32 v48, v47;
	v3 =	vadd.f32 v3, v40;
	_ =	sdelay $0x1  }
0x9f: {  	v1 =	vadd.f32 v2, v1;
	v3 =	vadd.f32 v3, v49;
	_ =	sdelay $0x1  }
0xa0: {  	v1 =	vadd.f32 v3, v1;
	_ =	sdelay $0x1  }
0xa1: {  	v1 =	vmul.f32 $5.000000070e-02, v1;
	_ =	sdelay $0x1  }
0xa2: {  	[tilespmem:v0+s26+$0xFFFFFFC0 ss:$0x1] =	vst.idx.msk $0xffff, v1  }
0xa3: {  	v1 =	vld [tilespmem:s24+$0xFFFFFB40]  }
0xa4: {  	v2 =	vld [tilespmem:s24+$0xFFFFFBC0]  }
0xa5: {  	v3 =	vld [tilespmem:s24+$0xFFFFFC40]  }
0xa6: {  	v50 =	vld [tilespmem:s24+$0xFFFFFCC0]  }
0xa7: {  	v51 =	vld [tilespmem:s24+$0xFFFFFD40]  }
0xa8: {  	v52 =	vld [tilespmem:s24+$0xFFFFFDC0]  }
0xa9: {  	v53 =	vld [tilespmem:s24+$0xFFFFFE40]  }
0xaa: {  	v54 =	vld [tilespmem:s24+$0xFFFFFEC0]  }
0xab: {  	v55 =	vld [tilespmem:s24+$0xFFFFFF40]  }
0xac: {  	v56 =	vld [tilespmem:s24+$0xFFFFFFC0]  }
0xad: {  	v57 =	vld [tilespmem:s24+$0x40]  }
0xae: {  	v58 =	vld [tilespmem:s24+$0xC0]  }
0xaf: {  	v59 =	vld [tilespmem:s24+$0x140]  }
0xb0: {  	v60 =	vld [tilespmem:s24+$0x1C0]  }
0xb1: {  	v61 =	vld [tilespmem:s24+$0x240]  }
0xb2: {  	v62 =	vld [tilespmem:s24+$0x2C0]  }
0xb3: {  	v63 =	vld [tilespmem:s24+$0x340]  }
0xb4: {  	v21 =	vld [tilespmem:s24+$0x3C0];
	v1 =	vadd.f32 v2, v1;
	v2 =	vadd.f32 v50, v3  }
0xb5: {  	v22 =	vld [tilespmem:s24+$0x440];
	v23 =	vadd.f32 v52, v51;
	v24 =	vadd.f32 v54, v53  }
0xb6: {  	v3 =	vld [tilespmem:s24+$0x4C0];
	v25 =	vadd.f32 v56, v55;
	v26 =	vadd.f32 v58, v57  }
0xb7: {  	v27 =	vadd.f32 v60, v59;
	v28 =	vadd.f32 v62, v61  }
0xb8: {  	v1 =	vadd.f32 v2, v1;
	v2 =	vadd.f32 v24, v23  }
0xb9: {  	v29 =	vadd.f32 v26, v25;
	v30 =	vadd.f32 v28, v27  }
0xba: {  	v31 =	vadd.f32 v21, v63;
	v1 =	vadd.f32 v2, v1  }
0xbb: {  	v2 =	vadd.f32 v30, v29;
	v3 =	vadd.f32 v3, v22;
	_ =	sdelay $0x1  }
0xbc: {  	v1 =	vadd.f32 v2, v1;
	v3 =	vadd.f32 v3, v31;
	_ =	sdelay $0x1  }
0xbd: {  	v1 =	vadd.f32 v3, v1;
	_ =	sdelay $0x1  }
0xbe: {  	v1 =	vmul.f32 $5.000000070e-02, v1;
	_ =	sdelay $0x1  }
0xbf: {  	[tilespmem:v0+s26+$0xFFFFFFD0 ss:$0x1] =	vst.idx.msk $0xffff, v1  }
0xc0: {  	v1 =	vld [tilespmem:s24+$0xFFFFFB50]  }
0xc1: {  	v2 =	vld [tilespmem:s24+$0xFFFFFBD0]  }
0xc2: {  	v3 =	vld [tilespmem:s24+$0xFFFFFC50]  }
0xc3: {  	v32 =	vld [tilespmem:s24+$0xFFFFFCD0]  }
0xc4: {  	v33 =	vld [tilespmem:s24+$0xFFFFFD50]  }
0xc5: {  	v34 =	vld [tilespmem:s24+$0xFFFFFDD0]  }
0xc6: {  	v35 =	vld [tilespmem:s24+$0xFFFFFE50]  }
0xc7: {  	v36 =	vld [tilespmem:s24+$0xFFFFFED0]  }
0xc8: {  	v37 =	vld [tilespmem:s24+$0xFFFFFF50]  }
0xc9: {  	v38 =	vld [tilespmem:s24+$0xFFFFFFD0]  }
0xca: {  	v39 =	vld [tilespmem:s24+$0x50]  }
0xcb: {  	v40 =	vld [tilespmem:s24+$0xD0]  }
0xcc: {  	v41 =	vld [tilespmem:s24+$0x150]  }
0xcd: {  	v42 =	vld [tilespmem:s24+$0x1D0]  }
0xce: {  	v43 =	vld [tilespmem:s24+$0x250]  }
0xcf: {  	v44 =	vld [tilespmem:s24+$0x2D0]  }
0xd0: {  	v45 =	vld [tilespmem:s24+$0x350]  }
0xd1: {  	v46 =	vld [tilespmem:s24+$0x3D0];
	v1 =	vadd.f32 v2, v1;
	v2 =	vadd.f32 v32, v3  }
0xd2: {  	v47 =	vld [tilespmem:s24+$0x450];
	v48 =	vadd.f32 v34, v33;
	v49 =	vadd.f32 v36, v35  }
0xd3: {  	v3 =	vld [tilespmem:s24+$0x4D0];
	v50 =	vadd.f32 v38, v37;
	v51 =	vadd.f32 v40, v39  }
0xd4: {  	v52 =	vadd.f32 v42, v41;
	v53 =	vadd.f32 v44, v43  }
0xd5: {  	v1 =	vadd.f32 v2, v1;
	v2 =	vadd.f32 v49, v48  }
0xd6: {  	v54 =	vadd.f32 v51, v50;
	v55 =	vadd.f32 v53, v52  }
0xd7: {  	v56 =	vadd.f32 v46, v45;
	v1 =	vadd.f32 v2, v1  }
0xd8: {  	v2 =	vadd.f32 v55, v54;
	v3 =	vadd.f32 v3, v47;
	_ =	sdelay $0x1  }
0xd9: {  	v1 =	vadd.f32 v2, v1;
	v3 =	vadd.f32 v3, v56;
	_ =	sdelay $0x1  }
0xda: {  	v1 =	vadd.f32 v3, v1;
	_ =	sdelay $0x1  }
0xdb: {  	v1 =	vmul.f32 $5.000000070e-02, v1;
	_ =	sdelay $0x1  }
0xdc: {  	[tilespmem:v0+s26+$0xFFFFFFE0 ss:$0x1] =	vst.idx.msk $0xffff, v1  }
0xdd: {  	v1 =	vld [tilespmem:s24+$0xFFFFFB60]  }
0xde: {  	v2 =	vld [tilespmem:s24+$0xFFFFFBE0]  }
0xdf: {  	v3 =	vld [tilespmem:s24+$0xFFFFFC60]  }
0xe0: {  	v57 =	vld [tilespmem:s24+$0xFFFFFCE0]  }
0xe1: {  	v58 =	vld [tilespmem:s24+$0xFFFFFD60]  }
0xe2: {  	v59 =	vld [tilespmem:s24+$0xFFFFFDE0]  }
0xe3: {  	v60 =	vld [tilespmem:s24+$0xFFFFFE60]  }
0xe4: {  	v61 =	vld [tilespmem:s24+$0xFFFFFEE0]  }
0xe5: {  	v62 =	vld [tilespmem:s24+$0xFFFFFF60]  }
0xe6: {  	v63 =	vld [tilespmem:s24+$0xFFFFFFE0]  }
0xe7: {  	v21 =	vld [tilespmem:s24+$0x60]  }
0xe8: {  	v22 =	vld [tilespmem:s24+$0xE0]  }
0xe9: {  	v23 =	vld [tilespmem:s24+$0x160]  }
0xea: {  	v24 =	vld [tilespmem:s24+$0x1E0]  }
0xeb: {  	v25 =	vld [tilespmem:s24+$0x260]  }
0xec: {  	v26 =	vld [tilespmem:s24+$0x2E0]  }
0xed: {  	v27 =	vld [tilespmem:s24+$0x360]  }
0xee: {  	v28 =	vld [tilespmem:s24+$0x3E0];
	v1 =	vadd.f32 v2, v1;
	v2 =	vadd.f32 v57, v3  }
0xef: {  	v29 =	vld [tilespmem:s24+$0x460];
	v30 =	vadd.f32 v59, v58;
	v31 =	vadd.f32 v61, v60  }
0xf0: {  	v3 =	vld [tilespmem:s24+$0x4E0];
	v32 =	vadd.f32 v63, v62;
	v33 =	vadd.f32 v22, v21  }
0xf1: {  	v34 =	vadd.f32 v24, v23;
	v35 =	vadd.f32 v26, v25  }
0xf2: {  	v1 =	vadd.f32 v2, v1;
	v2 =	vadd.f32 v31, v30  }
0xf3: {  	v36 =	vadd.f32 v33, v32;
	v37 =	vadd.f32 v35, v34  }
0xf4: {  	v38 =	vadd.f32 v28, v27;
	v1 =	vadd.f32 v2, v1  }
0xf5: {  	v2 =	vadd.f32 v37, v36;
	v3 =	vadd.f32 v3, v29;
	_ =	sdelay $0x1  }
0xf6: {  	v1 =	vadd.f32 v2, v1;
	v3 =	vadd.f32 v3, v38;
	_ =	sdelay $0x1  }
0xf7: {  	v1 =	vadd.f32 v3, v1;
	_ =	sdelay $0x1  }
0xf8: {  	v1 =	vmul.f32 $5.000000070e-02, v1;
	_ =	sdelay $0x1  }
0xf9: {  	[tilespmem:v0+s26+$0xFFFFFFF0 ss:$0x1] =	vst.idx.msk $0xffff, v1  }
0xfa: {  	v1 =	vld [tilespmem:s24+$0xFFFFFB70]  }
0xfb: {  	v2 =	vld [tilespmem:s24+$0xFFFFFBF0]  }
0xfc: {  	v3 =	vld [tilespmem:s24+$0xFFFFFC70]  }
0xfd: {  	v39 =	vld [tilespmem:s24+$0xFFFFFCF0]  }
0xfe: {  	v40 =	vld [tilespmem:s24+$0xFFFFFD70]  }
0xff: {  	v41 =	vld [tilespmem:s24+$0xFFFFFDF0]  }
0x100: {  	v42 =	vld [tilespmem:s24+$0xFFFFFE70]  }
0x101: {  	v43 =	vld [tilespmem:s24+$0xFFFFFEF0]  }
0x102: {  	v44 =	vld [tilespmem:s24+$0xFFFFFF70]  }
0x103: {  	v45 =	vld [tilespmem:s24+$0xFFFFFFF0]  }
0x104: {  	v46 =	vld [tilespmem:s24+$0x70]  }
0x105: {  	v47 =	vld [tilespmem:s24+$0xF0]  }
0x106: {  	v48 =	vld [tilespmem:s24+$0x170]  }
0x107: {  	v49 =	vld [tilespmem:s24+$0x1F0]  }
0x108: {  	v50 =	vld [tilespmem:s24+$0x270]  }
0x109: {  	v51 =	vld [tilespmem:s24+$0x2F0]  }
0x10a: {  	v52 =	vld [tilespmem:s24+$0x370]  }
0x10b: {  	v53 =	vld [tilespmem:s24+$0x3F0];
	v1 =	vadd.f32 v2, v1;
	v2 =	vadd.f32 v39, v3  }
0x10c: {  	v54 =	vld [tilespmem:s24+$0x470];
	v55 =	vadd.f32 v41, v40;
	v56 =	vadd.f32 v43, v42  }
0x10d: {  	v3 =	vld [tilespmem:s24+$0x4F0];
	v57 =	vadd.f32 v45, v44;
	v58 =	vadd.f32 v47, v46  }
0x10e: {  	v59 =	vadd.f32 v49, v48;
	v60 =	vadd.f32 v51, v50  }
0x10f: {  	v1 =	vadd.f32 v2, v1;
	v2 =	vadd.f32 v56, v55  }
0x110: {  	v61 =	vadd.f32 v58, v57;
	v62 =	vadd.f32 v60, v59  }
0x111: {  	v63 =	vadd.f32 v53, v52;
	v1 =	vadd.f32 v2, v1  }
0x112: {  	v2 =	vadd.f32 v62, v61;
	v3 =	vadd.f32 v3, v54;
	_ =	sdelay $0x1  }
0x113: {  	v1 =	vadd.f32 v2, v1;
	v3 =	vadd.f32 v3, v63  }
0x114: {  	p1 =	sne.s32 s25, $0x1E00  }
.Ltmp0:
0x115: {  	v1 =	vadd.f32 v3, v1;
	(pc) =	sbr.rel @p1 .LBB2_3-.Ltmp0, $3  }
0x116: {  	_ = 	snop  }
0x117: {  	v1 =	vmul.f32 $5.000000070e-02, v1;
	_ =	sdelay $0x1  }
0x118: {  	s25 =	sadd.s32 $0x200, s25;
	s24 =	sadd.s32 $0xA00, s24;
	[tilespmem:v0+s26+$0x0 ss:$0x1] =	vst.idx.msk $0xffff, v1  }
0x119: {  	p1 =	sne.s32 s22, $0x7  }
.Ltmp1:
0x11a: {  	_ = 	snop;
	(pc) =	sbr.rel @p1 .LBB2_2-.Ltmp1, $4  }
0x11b: {  	s21 =	sshll.u32 s21, $0x8  }
0x11c: {  	s21 =	sadd.s32 s21, s4  }
0x11d: {  	[hbm4b:s21+s3] =	stream.linear.scatter [tilespmem:s23], [sflag:$0x2], $0x800, $0x38;
	[tilespmem:$0x18A00] =	vst v63  }
0x11e: {  	s20 =	sadd.s32 $0x800, s20;
	p0 =	por !p0, !p0;
	s21 =	smov.u32 s22  }
0x11f: {  	_ =	swait.ge [sflag:s16], $0x2800  }
0x120: {  	[sflag:s16] =	ssyncset.done $0x0  }
0x121: {  	[sflag:s16] =	ssyncadd.s32 $0xFFFFD800  }
0x122: {  	_ =	swait.ge [sflag:s16], $0x2800  }
0x123: {  	[sflag:s16] =	ssyncset.done $0x0  }
0x124: {  	[sflag:s16] =	ssyncadd.s32 $0xFFFFD800  }
0x125: {  	_ =	swait.ge [sflag:s16], $0x2800  }
0x126: {  	[sflag:s16] =	ssyncset.done $0x0  }
0x127: {  	[sflag:s16] =	ssyncadd.s32 $0xFFFFD800  }
0x128: {  	_ =	swait.ge [sflag:s16], $0x2800  }
0x129: {  	[sflag:s16] =	ssyncset.done $0x0  }
0x12a: {  	s20 =	simm.s32 $0x0;
	s21 =	simm.s32 $0x18270;
	[sflag:s16] =	ssyncadd.s32 $0xFFFFD800  }
.LBB2_6:
0x12b: {  	s22 =	sshra.s32 s20, $0x2  }
0x12c: {  	v0 =	vld [tilespmem:s22+$0xAA00]  }
0x12d: {  	v1 =	vld [tilespmem:s22+$0xAA80]  }
0x12e: {  	v2 =	vld [tilespmem:s22+$0xAB00]  }
0x12f: {  	v3 =	vld [tilespmem:s22+$0xAB80]  }
0x130: {  	v4 =	vld [tilespmem:s22+$0xAC00]  }
0x131: {  	v5 =	vld [tilespmem:s22+$0xAC80]  }
0x132: {  	v6 =	vld [tilespmem:s22+$0xAD00]  }
0x133: {  	v7 =	vld [tilespmem:s22+$0xAD80]  }
0x134: {  	v8 =	vld [tilespmem:s22+$0xAE00]  }
0x135: {  	v9 =	vld [tilespmem:s22+$0xAE80]  }
0x136: {  	v10 =	vld [tilespmem:s22+$0xAF00]  }
0x137: {  	v11 =	vld [tilespmem:s22+$0xAF80]  }
0x138: {  	v12 =	vld [tilespmem:s22+$0xB000]  }
0x139: {  	v13 =	vld [tilespmem:s22+$0xB080]  }
0x13a: {  	v14 =	vld [tilespmem:s22+$0xB100]  }
0x13b: {  	v15 =	vld [tilespmem:s22+$0xB180]  }
0x13c: {  	v16 =	vld [tilespmem:s22+$0xB200]  }
0x13d: {  	v17 =	vld [tilespmem:s22+$0xB280]  }
0x13e: {  	v18 =	vld [tilespmem:s22+$0xB300];
	v0 =	vadd.f32 v1, v0;
	v58 =	vadd.f32 v3, v2  }
0x13f: {  	v59 =	vld [tilespmem:s22+$0xB380];
	v60 =	vadd.f32 v5, v4;
	v61 =	vadd.f32 v7, v6  }
0x140: {  	v62 =	vadd.f32 v9, v8;
	v63 =	vadd.f32 v11, v10  }
0x141: {  	v12 =	vadd.f32 v13, v12;
	v13 =	vadd.f32 v15, v14  }
0x142: {  	v0 =	vadd.f32 v58, v0;
	v14 =	vadd.f32 v61, v60  }
0x143: {  	v15 =	vadd.f32 v63, v62;
	v19 =	vadd.f32 v13, v12  }
0x144: {  	v20 =	vadd.f32 v17, v16;
	v2 =	vadd.f32 v59, v18  }
0x145: {  	v0 =	vadd.f32 v14, v0;
	v21 =	vadd.f32 v19, v15;
	_ =	sdelay $0x1  }
0x146: {  	v2 =	vadd.f32 v2, v20;
	v0 =	vadd.f32 v21, v0;
	_ =	sdelay $0x1  }
0x147: {  	v0 =	vadd.f32 v2, v0;
	_ =	sdelay $0x1  }
0x148: {  	v0 =	vmul.f32 $5.000000070e-02, v0;
	_ =	sdelay $0x1  }
0x149: {  	[tilespmem:s21+$0xFFFFFF90] =	vst v0  }
0x14a: {  	v0 =	vld [tilespmem:s22+$0xAA10]  }
0x14b: {  	v22 =	vld [tilespmem:s22+$0xAA90]  }
0x14c: {  	v23 =	vld [tilespmem:s22+$0xAB10]  }
0x14d: {  	v24 =	vld [tilespmem:s22+$0xAB90]  }
0x14e: {  	v25 =	vld [tilespmem:s22+$0xAC10]  }
0x14f: {  	v26 =	vld [tilespmem:s22+$0xAC90]  }
0x150: {  	v27 =	vld [tilespmem:s22+$0xAD10]  }
0x151: {  	v28 =	vld [tilespmem:s22+$0xAD90]  }
0x152: {  	v29 =	vld [tilespmem:s22+$0xAE10]  }
0x153: {  	v30 =	vld [tilespmem:s22+$0xAE90]  }
0x154: {  	v31 =	vld [tilespmem:s22+$0xAF10]  }
0x155: {  	v32 =	vld [tilespmem:s22+$0xAF90]  }
0x156: {  	v33 =	vld [tilespmem:s22+$0xB010]  }
0x157: {  	v34 =	vld [tilespmem:s22+$0xB090]  }
0x158: {  	v35 =	vld [tilespmem:s22+$0xB110]  }
0x159: {  	v36 =	vld [tilespmem:s22+$0xB190]  }
0x15a: {  	v37 =	vld [tilespmem:s22+$0xB210]  }
0x15b: {  	v38 =	vld [tilespmem:s22+$0xB290]  }
0x15c: {  	v39 =	vld [tilespmem:s22+$0xB310];
	v0 =	vadd.f32 v22, v0;
	v40 =	vadd.f32 v24, v23  }
0x15d: {  	v41 =	vld [tilespmem:s22+$0xB390];
	v42 =	vadd.f32 v26, v25;
	v43 =	vadd.f32 v28, v27  }
0x15e: {  	v44 =	vadd.f32 v30, v29;
	v45 =	vadd.f32 v32, v31  }
0x15f: {  	v46 =	vadd.f32 v34, v33;
	v47 =	vadd.f32 v36, v35  }
0x160: {  	v0 =	vadd.f32 v40, v0;
	v48 =	vadd.f32 v43, v42  }
0x161: {  	v49 =	vadd.f32 v45, v44;
	v50 =	vadd.f32 v47, v46  }
0x162: {  	v51 =	vadd.f32 v38, v37;
	v2 =	vadd.f32 v41, v39  }
0x163: {  	v0 =	vadd.f32 v48, v0;
	v52 =	vadd.f32 v50, v49;
	_ =	sdelay $0x1  }
0x164: {  	v2 =	vadd.f32 v2, v51;
	v0 =	vadd.f32 v52, v0;
	_ =	sdelay $0x1  }
0x165: {  	v0 =	vadd.f32 v2, v0;
	_ =	sdelay $0x1  }
0x166: {  	v0 =	vmul.f32 $5.000000070e-02, v0;
	_ =	sdelay $0x1  }
0x167: {  	[tilespmem:s21+$0xFFFFFFA0] =	vst v0  }
0x168: {  	v0 =	vld [tilespmem:s22+$0xAA20]  }
0x169: {  	v53 =	vld [tilespmem:s22+$0xAAA0]  }
0x16a: {  	v54 =	vld [tilespmem:s22+$0xAB20]  }
0x16b: {  	v55 =	vld [tilespmem:s22+$0xABA0]  }
0x16c: {  	v56 =	vld [tilespmem:s22+$0xAC20]  }
0x16d: {  	v57 =	vld [tilespmem:s22+$0xACA0]  }
0x16e: {  	v58 =	vld [tilespmem:s22+$0xAD20]  }
0x16f: {  	v59 =	vld [tilespmem:s22+$0xADA0]  }
0x170: {  	v60 =	vld [tilespmem:s22+$0xAE20]  }
0x171: {  	v61 =	vld [tilespmem:s22+$0xAEA0]  }
0x172: {  	v62 =	vld [tilespmem:s22+$0xAF20]  }
0x173: {  	v63 =	vld [tilespmem:s22+$0xAFA0]  }
0x174: {  	v21 =	vld [tilespmem:s22+$0xB020]  }
0x175: {  	v22 =	vld [tilespmem:s22+$0xB0A0]  }
0x176: {  	v23 =	vld [tilespmem:s22+$0xB120]  }
0x177: {  	v24 =	vld [tilespmem:s22+$0xB1A0]  }
0x178: {  	v25 =	vld [tilespmem:s22+$0xB220]  }
0x179: {  	v26 =	vld [tilespmem:s22+$0xB2A0]  }
0x17a: {  	v27 =	vld [tilespmem:s22+$0xB320];
	v0 =	vadd.f32 v53, v0;
	v28 =	vadd.f32 v55, v54  }
0x17b: {  	v29 =	vld [tilespmem:s22+$0xB3A0];
	v30 =	vadd.f32 v57, v56;
	v31 =	vadd.f32 v59, v58  }
0x17c: {  	v32 =	vadd.f32 v61, v60;
	v33 =	vadd.f32 v63, v62  }
0x17d: {  	v34 =	vadd.f32 v22, v21;
	v35 =	vadd.f32 v24, v23  }
0x17e: {  	v0 =	vadd.f32 v28, v0;
	v36 =	vadd.f32 v31, v30  }
0x17f: {  	v37 =	vadd.f32 v33, v32;
	v38 =	vadd.f32 v35, v34  }
0x180: {  	v39 =	vadd.f32 v26, v25;
	v2 =	vadd.f32 v29, v27  }
0x181: {  	v0 =	vadd.f32 v36, v0;
	v40 =	vadd.f32 v38, v37;
	_ =	sdelay $0x1  }
0x182: {  	v2 =	vadd.f32 v2, v39;
	v0 =	vadd.f32 v40, v0;
	_ =	sdelay $0x1  }
0x183: {  	v0 =	vadd.f32 v2, v0;
	_ =	sdelay $0x1  }
0x184: {  	v0 =	vmul.f32 $5.000000070e-02, v0;
	_ =	sdelay $0x1  }
0x185: {  	[tilespmem:s21+$0xFFFFFFB0] =	vst v0  }
0x186: {  	v0 =	vld [tilespmem:s22+$0xAA30]  }
0x187: {  	v41 =	vld [tilespmem:s22+$0xAAB0]  }
0x188: {  	v42 =	vld [tilespmem:s22+$0xAB30]  }
0x189: {  	v43 =	vld [tilespmem:s22+$0xABB0]  }
0x18a: {  	v44 =	vld [tilespmem:s22+$0xAC30]  }
0x18b: {  	v45 =	vld [tilespmem:s22+$0xACB0]  }
0x18c: {  	v46 =	vld [tilespmem:s22+$0xAD30]  }
0x18d: {  	v47 =	vld [tilespmem:s22+$0xADB0]  }
0x18e: {  	v48 =	vld [tilespmem:s22+$0xAE30]  }
0x18f: {  	v49 =	vld [tilespmem:s22+$0xAEB0]  }
0x190: {  	v50 =	vld [tilespmem:s22+$0xAF30]  }
0x191: {  	v51 =	vld [tilespmem:s22+$0xAFB0]  }
0x192: {  	v52 =	vld [tilespmem:s22+$0xB030]  }
0x193: {  	v53 =	vld [tilespmem:s22+$0xB0B0]  }
0x194: {  	v54 =	vld [tilespmem:s22+$0xB130]  }
0x195: {  	v55 =	vld [tilespmem:s22+$0xB1B0]  }
0x196: {  	v56 =	vld [tilespmem:s22+$0xB230]  }
0x197: {  	v57 =	vld [tilespmem:s22+$0xB2B0]  }
0x198: {  	v58 =	vld [tilespmem:s22+$0xB330];
	v0 =	vadd.f32 v41, v0;
	v59 =	vadd.f32 v43, v42  }
0x199: {  	v60 =	vld [tilespmem:s22+$0xB3B0];
	v61 =	vadd.f32 v45, v44;
	v62 =	vadd.f32 v47, v46  }
0x19a: {  	v63 =	vadd.f32 v49, v48;
	v19 =	vadd.f32 v51, v50  }
0x19b: {  	v20 =	vadd.f32 v53, v52;
	v21 =	vadd.f32 v55, v54  }
0x19c: {  	v0 =	vadd.f32 v59, v0;
	v22 =	vadd.f32 v62, v61  }
0x19d: {  	v23 =	vadd.f32 v19, v63;
	v24 =	vadd.f32 v21, v20  }
0x19e: {  	v25 =	vadd.f32 v57, v56;
	v2 =	vadd.f32 v60, v58  }
0x19f: {  	v0 =	vadd.f32 v22, v0;
	v26 =	vadd.f32 v24, v23;
	_ =	sdelay $0x1  }
0x1a0: {  	v2 =	vadd.f32 v2, v25;
	v0 =	vadd.f32 v26, v0;
	_ =	sdelay $0x1  }
0x1a1: {  	v0 =	vadd.f32 v2, v0;
	_ =	sdelay $0x1  }
0x1a2: {  	v0 =	vmul.f32 $5.000000070e-02, v0;
	_ =	sdelay $0x1  }
0x1a3: {  	[tilespmem:s21+$0xFFFFFFC0] =	vst v0  }
0x1a4: {  	v0 =	vld [tilespmem:s22+$0xAA40]  }
0x1a5: {  	v27 =	vld [tilespmem:s22+$0xAAC0]  }
0x1a6: {  	v28 =	vld [tilespmem:s22+$0xAB40]  }
0x1a7: {  	v29 =	vld [tilespmem:s22+$0xABC0]  }
0x1a8: {  	v30 =	vld [tilespmem:s22+$0xAC40]  }
0x1a9: {  	v31 =	vld [tilespmem:s22+$0xACC0]  }
0x1aa: {  	v32 =	vld [tilespmem:s22+$0xAD40]  }
0x1ab: {  	v33 =	vld [tilespmem:s22+$0xADC0]  }
0x1ac: {  	v34 =	vld [tilespmem:s22+$0xAE40]  }
0x1ad: {  	v35 =	vld [tilespmem:s22+$0xAEC0]  }
0x1ae: {  	v36 =	vld [tilespmem:s22+$0xAF40]  }
0x1af: {  	v37 =	vld [tilespmem:s22+$0xAFC0]  }
0x1b0: {  	v38 =	vld [tilespmem:s22+$0xB040]  }
0x1b1: {  	v39 =	vld [tilespmem:s22+$0xB0C0]  }
0x1b2: {  	v40 =	vld [tilespmem:s22+$0xB140]  }
0x1b3: {  	v41 =	vld [tilespmem:s22+$0xB1C0]  }
0x1b4: {  	v42 =	vld [tilespmem:s22+$0xB240]  }
0x1b5: {  	v43 =	vld [tilespmem:s22+$0xB2C0]  }
0x1b6: {  	v44 =	vld [tilespmem:s22+$0xB340];
	v0 =	vadd.f32 v27, v0;
	v45 =	vadd.f32 v29, v28  }
0x1b7: {  	v46 =	vld [tilespmem:s22+$0xB3C0];
	v47 =	vadd.f32 v31, v30;
	v48 =	vadd.f32 v33, v32  }
0x1b8: {  	v49 =	vadd.f32 v35, v34;
	v50 =	vadd.f32 v37, v36  }
0x1b9: {  	v51 =	vadd.f32 v39, v38;
	v52 =	vadd.f32 v41, v40  }
0x1ba: {  	v0 =	vadd.f32 v45, v0;
	v53 =	vadd.f32 v48, v47  }
0x1bb: {  	v54 =	vadd.f32 v50, v49;
	v55 =	vadd.f32 v52, v51  }
0x1bc: {  	v56 =	vadd.f32 v43, v42;
	v2 =	vadd.f32 v46, v44  }
0x1bd: {  	v0 =	vadd.f32 v53, v0;
	v57 =	vadd.f32 v55, v54;
	_ =	sdelay $0x1  }
0x1be: {  	v2 =	vadd.f32 v2, v56;
	v0 =	vadd.f32 v57, v0;
	_ =	sdelay $0x1  }
0x1bf: {  	v0 =	vadd.f32 v2, v0;
	_ =	sdelay $0x1  }
0x1c0: {  	v0 =	vmul.f32 $5.000000070e-02, v0;
	_ =	sdelay $0x1  }
0x1c1: {  	[tilespmem:s21+$0xFFFFFFD0] =	vst v0  }
0x1c2: {  	v0 =	vld [tilespmem:s22+$0xAA50]  }
0x1c3: {  	v58 =	vld [tilespmem:s22+$0xAAD0]  }
0x1c4: {  	v59 =	vld [tilespmem:s22+$0xAB50]  }
0x1c5: {  	v60 =	vld [tilespmem:s22+$0xABD0]  }
0x1c6: {  	v61 =	vld [tilespmem:s22+$0xAC50]  }
0x1c7: {  	v62 =	vld [tilespmem:s22+$0xACD0]  }
0x1c8: {  	v63 =	vld [tilespmem:s22+$0xAD50]  }
0x1c9: {  	v21 =	vld [tilespmem:s22+$0xADD0]  }
0x1ca: {  	v22 =	vld [tilespmem:s22+$0xAE50]  }
0x1cb: {  	v23 =	vld [tilespmem:s22+$0xAED0]  }
0x1cc: {  	v24 =	vld [tilespmem:s22+$0xAF50]  }
0x1cd: {  	v25 =	vld [tilespmem:s22+$0xAFD0]  }
0x1ce: {  	v26 =	vld [tilespmem:s22+$0xB050]  }
0x1cf: {  	v27 =	vld [tilespmem:s22+$0xB0D0]  }
0x1d0: {  	v28 =	vld [tilespmem:s22+$0xB150]  }
0x1d1: {  	v29 =	vld [tilespmem:s22+$0xB1D0]  }
0x1d2: {  	v30 =	vld [tilespmem:s22+$0xB250]  }
0x1d3: {  	v31 =	vld [tilespmem:s22+$0xB2D0]  }
0x1d4: {  	v32 =	vld [tilespmem:s22+$0xB350];
	v0 =	vadd.f32 v58, v0;
	v33 =	vadd.f32 v60, v59  }
0x1d5: {  	v34 =	vld [tilespmem:s22+$0xB3D0];
	v35 =	vadd.f32 v62, v61;
	v36 =	vadd.f32 v21, v63  }
0x1d6: {  	v37 =	vadd.f32 v23, v22;
	v38 =	vadd.f32 v25, v24  }
0x1d7: {  	v39 =	vadd.f32 v27, v26;
	v40 =	vadd.f32 v29, v28  }
0x1d8: {  	v0 =	vadd.f32 v33, v0;
	v41 =	vadd.f32 v36, v35  }
0x1d9: {  	v42 =	vadd.f32 v38, v37;
	v43 =	vadd.f32 v40, v39  }
0x1da: {  	v44 =	vadd.f32 v31, v30;
	v2 =	vadd.f32 v34, v32  }
0x1db: {  	v0 =	vadd.f32 v41, v0;
	v45 =	vadd.f32 v43, v42;
	_ =	sdelay $0x1  }
0x1dc: {  	v2 =	vadd.f32 v2, v44;
	v0 =	vadd.f32 v45, v0;
	_ =	sdelay $0x1  }
0x1dd: {  	v0 =	vadd.f32 v2, v0;
	_ =	sdelay $0x1  }
0x1de: {  	v0 =	vmul.f32 $5.000000070e-02, v0;
	_ =	sdelay $0x1  }
0x1df: {  	[tilespmem:s21+$0xFFFFFFE0] =	vst v0  }
0x1e0: {  	v0 =	vld [tilespmem:s22+$0xAA60]  }
0x1e1: {  	v46 =	vld [tilespmem:s22+$0xAAE0]  }
0x1e2: {  	v47 =	vld [tilespmem:s22+$0xAB60]  }
0x1e3: {  	v48 =	vld [tilespmem:s22+$0xABE0]  }
0x1e4: {  	v49 =	vld [tilespmem:s22+$0xAC60]  }
0x1e5: {  	v50 =	vld [tilespmem:s22+$0xACE0]  }
0x1e6: {  	v51 =	vld [tilespmem:s22+$0xAD60]  }
0x1e7: {  	v52 =	vld [tilespmem:s22+$0xADE0]  }
0x1e8: {  	v53 =	vld [tilespmem:s22+$0xAE60]  }
0x1e9: {  	v54 =	vld [tilespmem:s22+$0xAEE0]  }
0x1ea: {  	v55 =	vld [tilespmem:s22+$0xAF60]  }
0x1eb: {  	v56 =	vld [tilespmem:s22+$0xAFE0]  }
0x1ec: {  	v57 =	vld [tilespmem:s22+$0xB060]  }
0x1ed: {  	v58 =	vld [tilespmem:s22+$0xB0E0]  }
0x1ee: {  	v59 =	vld [tilespmem:s22+$0xB160]  }
0x1ef: {  	v60 =	vld [tilespmem:s22+$0xB1E0]  }
0x1f0: {  	v61 =	vld [tilespmem:s22+$0xB260]  }
0x1f1: {  	v62 =	vld [tilespmem:s22+$0xB2E0]  }
0x1f2: {  	v63 =	vld [tilespmem:s22+$0xB360];
	v0 =	vadd.f32 v46, v0;
	v20 =	vadd.f32 v48, v47  }
0x1f3: {  	v21 =	vld [tilespmem:s22+$0xB3E0];
	v22 =	vadd.f32 v50, v49;
	v23 =	vadd.f32 v52, v51  }
0x1f4: {  	v24 =	vadd.f32 v54, v53;
	v25 =	vadd.f32 v56, v55  }
0x1f5: {  	v26 =	vadd.f32 v58, v57;
	v27 =	vadd.f32 v60, v59  }
0x1f6: {  	v0 =	vadd.f32 v20, v0;
	v28 =	vadd.f32 v23, v22  }
0x1f7: {  	v29 =	vadd.f32 v25, v24;
	v30 =	vadd.f32 v27, v26  }
0x1f8: {  	v31 =	vadd.f32 v62, v61;
	v2 =	vadd.f32 v21, v63  }
0x1f9: {  	v0 =	vadd.f32 v28, v0;
	v32 =	vadd.f32 v30, v29;
	_ =	sdelay $0x1  }
0x1fa: {  	v2 =	vadd.f32 v2, v31;
	v0 =	vadd.f32 v32, v0;
	_ =	sdelay $0x1  }
0x1fb: {  	v0 =	vadd.f32 v2, v0;
	_ =	sdelay $0x1  }
0x1fc: {  	v0 =	vmul.f32 $5.000000070e-02, v0;
	_ =	sdelay $0x1  }
0x1fd: {  	[tilespmem:s21+$0xFFFFFFF0] =	vst v0  }
0x1fe: {  	v0 =	vld [tilespmem:s22+$0xAA70]  }
0x1ff: {  	v33 =	vld [tilespmem:s22+$0xAAF0]  }
0x200: {  	v34 =	vld [tilespmem:s22+$0xAB70]  }
0x201: {  	v35 =	vld [tilespmem:s22+$0xABF0]  }
0x202: {  	v36 =	vld [tilespmem:s22+$0xAC70]  }
0x203: {  	v37 =	vld [tilespmem:s22+$0xACF0]  }
0x204: {  	v38 =	vld [tilespmem:s22+$0xAD70]  }
0x205: {  	v39 =	vld [tilespmem:s22+$0xADF0]  }
0x206: {  	v40 =	vld [tilespmem:s22+$0xAE70]  }
0x207: {  	v41 =	vld [tilespmem:s22+$0xAEF0]  }
0x208: {  	v42 =	vld [tilespmem:s22+$0xAF70]  }
0x209: {  	v43 =	vld [tilespmem:s22+$0xAFF0]  }
0x20a: {  	v44 =	vld [tilespmem:s22+$0xB070]  }
0x20b: {  	v45 =	vld [tilespmem:s22+$0xB0F0]  }
0x20c: {  	v46 =	vld [tilespmem:s22+$0xB170]  }
0x20d: {  	v47 =	vld [tilespmem:s22+$0xB1F0]  }
0x20e: {  	v48 =	vld [tilespmem:s22+$0xB270]  }
0x20f: {  	v49 =	vld [tilespmem:s22+$0xB2F0]  }
0x210: {  	v50 =	vld [tilespmem:s22+$0xB370];
	v0 =	vadd.f32 v33, v0;
	v51 =	vadd.f32 v35, v34  }
0x211: {  	v52 =	vld [tilespmem:s22+$0xB3F0];
	v53 =	vadd.f32 v37, v36;
	v54 =	vadd.f32 v39, v38  }
0x212: {  	v55 =	vadd.f32 v41, v40;
	v56 =	vadd.f32 v43, v42  }
0x213: {  	v57 =	vadd.f32 v45, v44;
	v58 =	vadd.f32 v47, v46  }
0x214: {  	v0 =	vadd.f32 v51, v0;
	v59 =	vadd.f32 v54, v53  }
0x215: {  	v60 =	vadd.f32 v56, v55;
	v61 =	vadd.f32 v58, v57  }
0x216: {  	v62 =	vadd.f32 v49, v48;
	v2 =	vadd.f32 v52, v50  }
0x217: {  	v0 =	vadd.f32 v59, v0;
	v63 =	vadd.f32 v61, v60;
	_ =	sdelay $0x1  }
0x218: {  	v2 =	vadd.f32 v2, v62;
	v0 =	vadd.f32 v63, v0  }
0x219: {  	p0 =	sne.s32 s20, $0x25800  }
.Ltmp2:
0x21a: {  	v0 =	vadd.f32 v2, v0;
	(pc) =	sbr.rel @p0 .LBB2_6-.Ltmp2, $3  }
0x21b: {  	_ = 	snop  }
0x21c: {  	v0 =	vmul.f32 $5.000000070e-02, v0;
	_ =	sdelay $0x1  }
0x21d: {  	s20 =	sadd.s32 $0x2800, s20;
	[tilespmem:s21+$0x0] =	vst v0;
	s21 =	sadd.s32 $0x80, s21  }
0x21e: {  	[hbm4b:s6+s3] =	stream.linear.scatter [tilespmem:s17], [sflag:$0x2], $0x800, $0x38;
	[tilespmem:$0x18A00] =	vst v63  }
0x21f: {  	_ =	swait.ge [sflag:s18], $0x800  }
0x220: {  	[sflag:s18] =	ssyncset.done $0x0  }
0x221: {  	[sflag:s18] =	ssyncadd.s32 $0xFFFFF800  }
0x222: {  	_ =	swait.ge [sflag:s18], $0x800  }
0x223: {  	[sflag:s18] =	ssyncset.done $0x0  }
0x224: {  	[sflag:s18] =	ssyncadd.s32 $0xFFFFF800  }
0x225: {  	_ =	swait.ge [sflag:s18], $0x800  }
0x226: {  	[sflag:s18] =	ssyncset.done $0x0  }
0x227: {  	[sflag:s18] =	ssyncadd.s32 $0xFFFFF800  }
0x228: {  	_ =	swait.ge [sflag:s18], $0x800  }
0x229: {  	[sflag:s18] =	ssyncset.done $0x0  }
0x22a: {  	[sflag:s18] =	ssyncadd.s32 $0xFFFFF800  }
0x22b: {  	_ =	swait.ge [sflag:s18], $0x800  }
0x22c: {  	[sflag:s18] =	ssyncset.done $0x0  }
0x22d: {  	[sflag:s18] =	ssyncadd.s32 $0xFFFFF800  }
0x22e: {  	_ =	swait.ge [sflag:s18], $0x800  }
0x22f: {  	[sflag:s18] =	ssyncset.done $0x0  }
0x230: {  	s19 =	sadd.s32 $0x1, s19;
	[sflag:s18] =	ssyncadd.s32 $0xFFFFF800  }
0x231: {  	p0 =	sne.s32 s19, s7;
	_ =	swait.ge [sflag:s18], $0x800  }
.Ltmp3:
0x232: {  	[sflag:s18] =	ssyncset.done $0x0;
	(pc) =	sbr.rel @p0 .LBB2_1-.Ltmp3, $4  }
0x233: {  	[sflag:s18] =	ssyncadd.s32 $0xFFFFF800  }
0x234: {  	_ =	swait.ge [sflag:s18], $0x800  }
0x235: {  	[sflag:s18] =	ssyncset.done $0x0  }
0x236: {  	[sflag:s18] =	ssyncadd.s32 $0xFFFFF800  }
0x237: {  	_ =	sfence.sel $0x180000  }
0x238: {  	[bflag:$0x0] =	sbarrier.arrive $0xFFFF  }
0x239: {  	p0 =	sne.s32 s0, $0x0;
	_ =	strace $0x90000047  }
0x23a: {  	s0 =	sadd.s32 @!p0 $0x100000, s1;
	[bflag:$0x2] =	sbarrier.arrive $0xFFFF  }
0x23b: {  	[sflag:s0] =	ssyncadd.tile.s32 @!p0 $0x1;
	_ =	shalt  }
.Lfunc_end2:
_tile_overlayer_lowered:
.L_overlay_start_2:
0x23c: {  	(tag) =	ssettag $0x2  }
0x23d: {  	s0 =	rddreg [dreg:$0x0];
	s2 =	stileid.u32  }
0x23e: {  	s1 =	rddreg [dreg:$0x1];
	p0 =	sne.s32 s2, $0x0  }
0x23f: {  	s3 =	rddreg [dreg:$0x2];
	[bflag:$0x3] =	sbarrier.arrive $0xFFFF;
	s2 =	simm.s32 @!p0 $0x1C03  }
0x240: {  	[timem:s3], [sflag:s2] =	dma.local @!p0 [hbm:s0], s1  }
0x241: {  	s0 =	simm.s32 @!p0 $0x3  }
0x242: {  	_ =	swait.ge @!p0 [sflag:s0], s1  }
0x243: {  	s1 =	ssub.s32 @!p0 $0x0, s1;
	[sflag:s0] =	ssyncset.done @!p0 $0x0  }
0x244: {  	[sflag:s0] =	ssyncadd.s32 @!p0 s1  }
0x245: {  	[bflag:$0x3] =	sbarrier.arrive $0xFFFF  }
0x246: {  	_ =	shalt  }

</sc_bundles>
